<compile_context>
chip_gen: v7x
topology: tpu7x:2x2x1
jax: 0.10.2.dev20260603
libtpu: 0.0.44.dev20260713+nightly
codegen_flags: <defaults>
</compile_context>

<pallas_src>
import jax
import jax.numpy as jnp
from jax import lax
from jax.experimental import pallas as pl
from jax.experimental.pallas import tpu as pltpu
from jax.experimental.pallas import tpu_sc as plsc

N_NODES = 10000
N_EDGES = 320000
D_FEAT = 128
N_CLS = 40

NP = 10240
DROW = NP // 128
DUMMY = 10008

NC = 2
NS = 16
NW = NC * NS
CH = 128
CPT = 80
EP = NW * CPT * CH
IG = 8
NIG = CPT // IG
NBUF = 2

RB = 1024



def _tc1_body(x_ref, w_ref, b1_ref, p1_ref, xs1_ref):
    pw = jnp.dot(x_ref[...], w_ref[...], preferred_element_type=jnp.float32)
    p1_ref[...] = pw[:, :D_FEAT]
    xs1_ref[...] = pw[:, D_FEAT:] + b1_ref[...]


def _tc1(x_pad, wcat, b1row):
    return pl.pallas_call(
        _tc1_body,
        grid=(NP // RB,),
        in_specs=[
            pl.BlockSpec((RB, D_FEAT), lambda i: (i, 0)),
            pl.BlockSpec((D_FEAT, 2 * D_FEAT), lambda i: (0, 0)),
            pl.BlockSpec((1, D_FEAT), lambda i: (0, 0)),
        ],
        out_specs=[
            pl.BlockSpec((RB, D_FEAT), lambda i: (i, 0)),
            pl.BlockSpec((RB, D_FEAT), lambda i: (i, 0)),
        ],
        out_shape=[
            jax.ShapeDtypeStruct((NP, D_FEAT), jnp.float32),
            jax.ShapeDtypeStruct((NP, D_FEAT), jnp.float32),
        ],
    )(x_pad, wcat, b1row)


def _tc2_body(s1_ref, xs1_ref, deg_ref, ws2_ref, b2_ref, h_ref, hs2_ref):
    degc = jnp.maximum(deg_ref[...], 1.0)
    s1 = s1_ref[0] + s1_ref[1]
    h = jnp.tanh(xs1_ref[...] + s1 / degc)
    h_ref[...] = h
    hs2_ref[...] = jnp.dot(h, ws2_ref[...], preferred_element_type=jnp.float32) + b2_ref[...]


def _tc2(s1p, xs1, dega, ws2, b2row):
    return pl.pallas_call(
        _tc2_body,
        grid=(NP // RB,),
        in_specs=[
            pl.BlockSpec((2, RB, D_FEAT), lambda i: (0, i, 0)),
            pl.BlockSpec((RB, D_FEAT), lambda i: (i, 0)),
            pl.BlockSpec((RB, 1), lambda i: (i, 0)),
            pl.BlockSpec((D_FEAT, N_CLS), lambda i: (0, 0)),
            pl.BlockSpec((1, N_CLS), lambda i: (0, 0)),
        ],
        out_specs=[
            pl.BlockSpec((RB, D_FEAT), lambda i: (i, 0)),
            pl.BlockSpec((RB, N_CLS), lambda i: (i, 0)),
        ],
        out_shape=[
            jax.ShapeDtypeStruct((NP, D_FEAT), jnp.float32),
            jax.ShapeDtypeStruct((NP, N_CLS), jnp.float32),
        ],
    )(s1p, xs1, dega, ws2, b2row)


def _tc3_body(s2_ref, hs2_ref, deg_ref, wn2_ref, out_ref):
    degc = jnp.maximum(deg_ref[...], 1.0)
    agg2 = (s2_ref[0] + s2_ref[1]) / degc
    out_ref[...] = hs2_ref[...] + jnp.dot(
        agg2, wn2_ref[...], preferred_element_type=jnp.float32)


def _tc3(s2p, hs2, dega, wn2):
    return pl.pallas_call(
        _tc3_body,
        grid=(NP // RB,),
        in_specs=[
            pl.BlockSpec((2, RB, D_FEAT), lambda i: (0, i, 0)),
            pl.BlockSpec((RB, N_CLS), lambda i: (i, 0)),
            pl.BlockSpec((RB, 1), lambda i: (i, 0)),
            pl.BlockSpec((D_FEAT, N_CLS), lambda i: (0, 0)),
        ],
        out_specs=pl.BlockSpec((RB, N_CLS), lambda i: (i, 0)),
        out_shape=jax.ShapeDtypeStruct((NP, N_CLS), jnp.float32),
    )(s2p, hs2, dega, wn2)



def _make_sc_segsum(with_deg):
    mesh = plsc.VectorSubcoreMesh(core_axis_name="c", subcore_axis_name="s")
    rpt = NP // NS
    drpt = 16

    def body(table, srcs, dsts, zeros, *rest):
        if with_deg:
            (out, outdeg, sidx, didx, rows, isems, gsems, ssems,
             degv, idv, acc, degacc) = rest
        else:
            out, sidx, didx, rows, isems, gsems, ssems, acc = rest
        c = lax.axis_index("c")
        s = lax.axis_index("s")
        t = c * NS + s
        r0 = s * rpt
        zb = rows[0]
        pltpu.sync_copy(zeros, zb)
        for k in range(rpt // CH):
            pltpu.sync_copy(zb, acc.at[pl.ds(r0 + k * CH, CH)])
        if with_deg:
            pltpu.sync_copy(zeros.at[pl.ds(0, DROW)], degv)

            @pl.when(s < DROW // drpt)
            def _():
                pltpu.sync_copy(zb.at[pl.ds(0, drpt)],
                                degacc.at[pl.ds(s * drpt, drpt)])
            for g in range(DROW // 16):
                idv[pl.ds(g * 16, 16)] = lax.iota(jnp.int32, 16) + g * 16
        plsc.subcore_barrier()

        pltpu.async_copy(srcs.at[t, pl.ds(0, IG)], sidx[0], isems[0])
        pltpu.async_copy(dsts.at[t, pl.ds(0, IG)], didx[0], isems[0])

        def sgroup(sg, carry):
            for par in range(2):
                g = sg * 2 + par
                j0 = g * IG
                si = sidx[par]
                di = didx[par]
                pltpu.make_async_copy(srcs.at[t, pl.ds(j0, IG)], si,
                                      isems[par]).wait()
                pltpu.make_async_copy(dsts.at[t, pl.ds(j0, IG)], di,
                                      isems[par]).wait()

                @pl.when(g + 1 < NIG)
                def _():
                    jn = (g + 1) * IG
                    pltpu.async_copy(srcs.at[t, pl.ds(jn, IG)],
                                     sidx[1 - par], isems[1 - par])
                    pltpu.async_copy(dsts.at[t, pl.ds(jn, IG)],
                                     didx[1 - par], isems[1 - par])

                gets = [
                    pltpu.async_copy(table.at[si.at[b]], rows[b], gsems[b])
                    for b in range(NBUF)
                ]
                if with_deg:
                    def cnt(i, carry2):
                        idx16 = di[i // 8, pl.ds((i % 8) * 16, 16)]
                        plsc.addupdate_scatter(
                            degv,
                            [lax.shift_right_logical(idx16, 7),
                             lax.bitwise_and(idx16, 127)],
                            jnp.full((16,), 1.0, jnp.float32))
                        return carry2
                    lax.fori_loop(0, IG * 8, cnt, 0)

                def pair(g2, carry3):
                    jj = g2 * NBUF
                    puts = []
                    for b in range(NBUF):
                        gets[b].wait()
                        puts.append(pltpu.async_copy(
                            rows[b], acc.at[di.at[jj + b]], ssems[b], add=True))

                    @pl.when(g2 + 1 < IG // NBUF)
                    def _():
                        for b in range(NBUF):
                            puts[b].wait()
                            pltpu.async_copy(
                                table.at[si.at[jj + NBUF + b]], rows[b],
                                gsems[b])

                    @pl.when(g2 + 1 >= IG // NBUF)
                    def _():
                        for b in range(NBUF):
                            puts[b].wait()
                    return carry3

                lax.fori_loop(0, IG // NBUF, pair, 0)
            return carry

        lax.fori_loop(0, NIG // 2, sgroup, 0)
        if with_deg:
            pltpu.sync_copy(degv, degacc.at[idv], add=True)
        plsc.subcore_barrier()
        for k in range(rpt // CH):
            pltpu.sync_copy(acc.at[pl.ds(r0 + k * CH, CH)], rows[k % NBUF])
            pltpu.sync_copy(rows[k % NBUF], out.at[c, pl.ds(r0 + k * CH, CH)])
        if with_deg:
            @pl.when(s < DROW // drpt)
            def _():
                pltpu.sync_copy(degacc.at[pl.ds(s * drpt, drpt)],
                                rows[0].at[pl.ds(0, drpt)])
                pltpu.sync_copy(rows[0].at[pl.ds(0, drpt)],
                                outdeg.at[c, pl.ds(s * drpt, drpt)])

    out_type = [jax.ShapeDtypeStruct((NC, NP, D_FEAT), jnp.float32)]
    scratch = [
        [pltpu.VMEM((IG, CH), jnp.int32) for _ in range(2)],
        [pltpu.VMEM((IG, CH), jnp.int32) for _ in range(2)],
        [pltpu.VMEM((CH, D_FEAT), jnp.float32) for _ in range(NBUF)],
        [pltpu.SemaphoreType.DMA for _ in range(2)],
        [pltpu.SemaphoreType.DMA for _ in range(NBUF)],
        [pltpu.SemaphoreType.DMA for _ in range(NBUF)],
    ]
    if with_deg:
        out_type.append(jax.ShapeDtypeStruct((NC, DROW, 128), jnp.float32))
        scratch += [
            pltpu.VMEM((DROW, 128), jnp.float32),
            pltpu.VMEM((DROW,), jnp.int32),
        ]
    scratch.append(pltpu.VMEM_SHARED((NP, D_FEAT), jnp.float32))
    if with_deg:
        scratch.append(pltpu.VMEM_SHARED((DROW, 128), jnp.float32))

    return pl.kernel(
        body,
        out_type=out_type if with_deg else out_type[0],
        mesh=mesh,
        scratch_types=scratch,
        compiler_params=pltpu.CompilerParams(needs_layout_passes=False),
    )


_sc_segsum_deg = _make_sc_segsum(True)
_sc_segsum = _make_sc_segsum(False)



def kernel(node_features, edge_index, W_self1, W_neigh1, b1, W_self2, W_neigh2, b2):
    src = edge_index[0].astype(jnp.int32)
    dst = edge_index[1].astype(jnp.int32)
    pad = EP - N_EDGES
    ppt = pad // NW
    rpt_real = N_EDGES // NW
    dummy = (N_NODES + (jnp.arange(pad, dtype=jnp.int32) % (NP - N_NODES))
             ).reshape(NW, ppt)
    src3 = jnp.concatenate([src.reshape(NW, rpt_real), dummy], axis=1
                           ).reshape(NW, CPT, CH)
    dst3 = jnp.concatenate([dst.reshape(NW, rpt_real), dummy], axis=1
                           ).reshape(NW, CPT, CH)

    x_pad = jnp.pad(node_features, ((0, NP - N_NODES), (0, 0)))
    wcat = jnp.concatenate([W_neigh1, W_self1], axis=1)
    b1row = b1.reshape(1, D_FEAT)
    b2row = b2.reshape(1, N_CLS)
    zeros = jnp.zeros((CH, D_FEAT), jnp.float32)

    p1, xs1 = _tc1(x_pad, wcat, b1row)
    s1p, degp = _sc_segsum_deg(p1, src3, dst3, zeros)
    dega = (degp[0] + degp[1]).reshape(NP, 1)
    h, hs2 = _tc2(s1p, xs1, dega, W_self2, b2row)
    s2p = _sc_segsum(h, src3, dst3, zeros)
    logits = _tc3(s2p, hs2, dega, W_neigh2)
    return logits[:N_NODES]

# --- scband reference (transcript-rebuilt; emitter-appended) ---
"""Pipeline reference for scband-graph-policy-network-36017595744691 (READ-ONLY COPY).

The authoritative reference and input builder live on the scoring server;
editing this copy changes nothing except your own understanding.
"""

import jax, jax.numpy as jnp
import numpy as np

N_NODES = 10000
N_EDGES = 320000
D_FEAT = 128
D_HID = 128
N_CLS = 40


def setup_inputs(seed: int = 0) -> dict:
    key = jax.random.key(seed)
    ks = jax.random.split(key, 9)
    node_features = jax.random.normal(ks[0], (N_NODES, D_FEAT), dtype=jnp.float32)
    edge_index = jax.random.randint(ks[1], (2, N_EDGES), 0, N_NODES, dtype=jnp.int64)
    # layer 1 params (SAGEConv: fc_self, fc_neigh, shared bias)
    W_self1 = jax.random.normal(ks[2], (D_FEAT, D_HID), dtype=jnp.float32) * (1.0 / np.sqrt(D_FEAT))
    W_neigh1 = jax.random.normal(ks[3], (D_FEAT, D_HID), dtype=jnp.float32) * (1.0 / np.sqrt(D_FEAT))
    b1 = jnp.zeros((D_HID,), dtype=jnp.float32)
    # layer 2 params
    W_self2 = jax.random.normal(ks[4], (D_HID, N_CLS), dtype=jnp.float32) * (1.0 / np.sqrt(D_HID))
    W_neigh2 = jax.random.normal(ks[5], (D_HID, N_CLS), dtype=jnp.float32) * (1.0 / np.sqrt(D_HID))
    b2 = jnp.zeros((N_CLS,), dtype=jnp.float32)
    return {
        "node_features": node_features,
        "edge_index": edge_index,
        "W_self1": W_self1, "W_neigh1": W_neigh1, "b1": b1,
        "W_self2": W_self2, "W_neigh2": W_neigh2, "b2": b2,
    }


def _sage_conv(x, edge_index, W_self, W_neigh, b, activation=None):
    src = edge_index[0]
    dst = edge_index[1]
    # mean aggregation of neighbor features (gather + scatter-add)
    msg = jnp.take(x, src, axis=0)
    agg_sum = jax.ops.segment_sum(msg, dst, num_segments=N_NODES)
    deg = jax.ops.segment_sum(jnp.ones((msg.shape[0],), dtype=x.dtype), dst, num_segments=N_NODES)
    agg = agg_sum / jnp.clip(deg, 1.0, None)[:, None]
    h = x @ W_self + agg @ W_neigh + b
    if activation is not None:
        h = activation(h)
    return h


def reference(node_features, edge_index, W_self1, W_neigh1, b1, W_self2, W_neigh2, b2):
    hidden = _sage_conv(node_features, edge_index, W_self1, W_neigh1, b1, activation=jnp.tanh)
    logits = _sage_conv(hidden, edge_index, W_self2, W_neigh2, b2, activation=None)
    return logits

if __name__ == "__main__":
    import jax
    _d = setup_inputs()
    print(jax.jit(kernel)(*tuple(_d.values())))

</pallas_src>

<mosaic_0001>
#map = affine_map<(d0, d1) -> (0, 0)>
#map1 = affine_map<(d0, d1) -> (0, 0, 0)>
module attributes {stable_mosaic.version = 14 : i64} {
  func.func @body(%arg0: i32, %arg1: i32, %arg2: memref<10240x128xf32, #tpu.memory_space<hbm>>, %arg3: memref<32x80x128xi32, #tpu.memory_space<hbm>>, %arg4: memref<32x80x128xi32, #tpu.memory_space<hbm>>, %arg5: memref<128x128xf32, #tpu.memory_space<hbm>>, %arg6: memref<2x10240x128xf32, #tpu.memory_space<hbm>>, %arg7: memref<2x80x128xf32, #tpu.memory_space<hbm>>, %arg8: memref<8x128xi32, #tpu.memory_space<vmem>>, %arg9: memref<8x128xi32, #tpu.memory_space<vmem>>, %arg10: memref<8x128xi32, #tpu.memory_space<vmem>>, %arg11: memref<8x128xi32, #tpu.memory_space<vmem>>, %arg12: memref<128x128xf32, #tpu.memory_space<vmem>>, %arg13: memref<128x128xf32, #tpu.memory_space<vmem>>, %arg14: memref<!tpu.dma_semaphore, #tpu.memory_space<semaphore_mem>>, %arg15: memref<!tpu.dma_semaphore, #tpu.memory_space<semaphore_mem>>, %arg16: memref<!tpu.dma_semaphore, #tpu.memory_space<semaphore_mem>>, %arg17: memref<!tpu.dma_semaphore, #tpu.memory_space<semaphore_mem>>, %arg18: memref<!tpu.dma_semaphore, #tpu.memory_space<semaphore_mem>>, %arg19: memref<!tpu.dma_semaphore, #tpu.memory_space<semaphore_mem>>, %arg20: memref<80x128xf32, #tpu.memory_space<vmem>>, %arg21: memref<80xi32, #tpu.memory_space<vmem>>, %arg22: memref<10240x128xf32, #tpu.memory_space<vmem_shared>>, %arg23: memref<80x128xf32, #tpu.memory_space<vmem_shared>>) attributes {dimension_semantics = [#tpu.dimension_semantics<core_parallel>, #tpu.dimension_semantics<subcore_parallel>], iteration_bounds = array<i64: 2, 16>, scalar_prefetch = 0 : i64, scratch_operands = 16 : i64, tpu.core_type = #tpu.core_type<sc_vector_subcore>, window_params = [{transform_indices = #map}, {transform_indices = #map1}, {transform_indices = #map1}, {transform_indices = #map}, {transform_indices = #map1}, {transform_indices = #map1}]} {
    %mul3A = arith.constant 16 : i32
    %mul3A_0 = arith.muli %arg0, %mul3A : i32
    %add3A = arith.addi %mul3A_0, %arg1 : i32
    %mul3A_1 = arith.constant 640 : i32
    %mul3A_2 = arith.muli %arg1, %mul3A_1 : i32
    "tpu.region"() ({
      %run_scoped3A = tpu.sem_alloc : memref<!tpu.dma_semaphore, #tpu.memory_space<semaphore_mem>>
      tpu.enqueue_dma source(%arg5 : memref<128x128xf32, #tpu.memory_space<hbm>>) target(%arg12 : memref<128x128xf32, #tpu.memory_space<vmem>>) target_semaphore(%run_scoped3A : memref<!tpu.dma_semaphore, #tpu.memory_space<semaphore_mem>>)
      tpu.wait_dma2 semaphore(%run_scoped3A : memref<!tpu.dma_semaphore, #tpu.memory_space<semaphore_mem>>) src(%arg5 : memref<128x128xf32, #tpu.memory_space<hbm>>) dst(%arg12 : memref<128x128xf32, #tpu.memory_space<vmem>>)
      tpu.yield
    }) : () -> ()
    %add3A_3 = arith.constant 0 : i32
    %add3A_4 = arith.addi %mul3A_2, %add3A_3 : i32
    "tpu.region"() ({
      %run_scoped3A = tpu.sem_alloc : memref<!tpu.dma_semaphore, #tpu.memory_space<semaphore_mem>>
      %dma_start3A_89 = arith.constant 0 : i32
      %dma_start3A_90 = tpu.memref_slice %arg22[%add3A_4, %dma_start3A_89] : memref<10240x128xf32, #tpu.memory_space<vmem_shared>> -> memref<128x128xf32, #tpu.memory_space<vmem_shared>>
      %dma_start3A_91 = arith.constant 0 : i32
      %dma_start3A_92 = tpu.memref_slice %arg22[%add3A_4, %dma_start3A_91] : memref<10240x128xf32, #tpu.memory_space<vmem_shared>> -> memref<128x128xf32, #tpu.memory_space<vmem_shared>>
      tpu.enqueue_dma source(%arg12 : memref<128x128xf32, #tpu.memory_space<vmem>>) target(%dma_start3A_92 : memref<128x128xf32, #tpu.memory_space<vmem_shared>>) target_semaphore(%run_scoped3A : memref<!tpu.dma_semaphore, #tpu.memory_space<semaphore_mem>>)
      %dma_wait3A = arith.constant 0 : i32
      %dma_wait3A_93 = tpu.memref_slice %arg22[%add3A_4, %dma_wait3A] : memref<10240x128xf32, #tpu.memory_space<vmem_shared>> -> memref<128x128xf32, #tpu.memory_space<vmem_shared>>
      %dma_wait3A_94 = arith.constant 0 : i32
      %dma_wait3A_95 = tpu.memref_slice %arg22[%add3A_4, %dma_wait3A_94] : memref<10240x128xf32, #tpu.memory_space<vmem_shared>> -> memref<128x128xf32, #tpu.memory_space<vmem_shared>>
      tpu.wait_dma2 semaphore(%run_scoped3A : memref<!tpu.dma_semaphore, #tpu.memory_space<semaphore_mem>>) src(%arg12 : memref<128x128xf32, #tpu.memory_space<vmem>>) dst(%dma_wait3A_95 : memref<128x128xf32, #tpu.memory_space<vmem_shared>>)
      tpu.yield
    }) : () -> ()
    %add3A_5 = arith.constant 128 : i32
    %add3A_6 = arith.addi %mul3A_2, %add3A_5 : i32
    "tpu.region"() ({
      %run_scoped3A = tpu.sem_alloc : memref<!tpu.dma_semaphore, #tpu.memory_space<semaphore_mem>>
      %dma_start3A_89 = arith.constant 0 : i32
      %dma_start3A_90 = tpu.memref_slice %arg22[%add3A_6, %dma_start3A_89] : memref<10240x128xf32, #tpu.memory_space<vmem_shared>> -> memref<128x128xf32, #tpu.memory_space<vmem_shared>>
      %dma_start3A_91 = arith.constant 0 : i32
      %dma_start3A_92 = tpu.memref_slice %arg22[%add3A_6, %dma_start3A_91] : memref<10240x128xf32, #tpu.memory_space<vmem_shared>> -> memref<128x128xf32, #tpu.memory_space<vmem_shared>>
      tpu.enqueue_dma source(%arg12 : memref<128x128xf32, #tpu.memory_space<vmem>>) target(%dma_start3A_92 : memref<128x128xf32, #tpu.memory_space<vmem_shared>>) target_semaphore(%run_scoped3A : memref<!tpu.dma_semaphore, #tpu.memory_space<semaphore_mem>>)
      %dma_wait3A = arith.constant 0 : i32
      %dma_wait3A_93 = tpu.memref_slice %arg22[%add3A_6, %dma_wait3A] : memref<10240x128xf32, #tpu.memory_space<vmem_shared>> -> memref<128x128xf32, #tpu.memory_space<vmem_shared>>
      %dma_wait3A_94 = arith.constant 0 : i32
      %dma_wait3A_95 = tpu.memref_slice %arg22[%add3A_6, %dma_wait3A_94] : memref<10240x128xf32, #tpu.memory_space<vmem_shared>> -> memref<128x128xf32, #tpu.memory_space<vmem_shared>>
      tpu.wait_dma2 semaphore(%run_scoped3A : memref<!tpu.dma_semaphore, #tpu.memory_space<semaphore_mem>>) src(%arg12 : memref<128x128xf32, #tpu.memory_space<vmem>>) dst(%dma_wait3A_95 : memref<128x128xf32, #tpu.memory_space<vmem_shared>>)
      tpu.yield
    }) : () -> ()
    %add3A_7 = arith.constant 256 : i32
    %add3A_8 = arith.addi %mul3A_2, %add3A_7 : i32
    "tpu.region"() ({
      %run_scoped3A = tpu.sem_alloc : memref<!tpu.dma_semaphore, #tpu.memory_space<semaphore_mem>>
      %dma_start3A_89 = arith.constant 0 : i32
      %dma_start3A_90 = tpu.memref_slice %arg22[%add3A_8, %dma_start3A_89] : memref<10240x128xf32, #tpu.memory_space<vmem_shared>> -> memref<128x128xf32, #tpu.memory_space<vmem_shared>>
      %dma_start3A_91 = arith.constant 0 : i32
      %dma_start3A_92 = tpu.memref_slice %arg22[%add3A_8, %dma_start3A_91] : memref<10240x128xf32, #tpu.memory_space<vmem_shared>> -> memref<128x128xf32, #tpu.memory_space<vmem_shared>>
      tpu.enqueue_dma source(%arg12 : memref<128x128xf32, #tpu.memory_space<vmem>>) target(%dma_start3A_92 : memref<128x128xf32, #tpu.memory_space<vmem_shared>>) target_semaphore(%run_scoped3A : memref<!tpu.dma_semaphore, #tpu.memory_space<semaphore_mem>>)
      %dma_wait3A = arith.constant 0 : i32
      %dma_wait3A_93 = tpu.memref_slice %arg22[%add3A_8, %dma_wait3A] : memref<10240x128xf32, #tpu.memory_space<vmem_shared>> -> memref<128x128xf32, #tpu.memory_space<vmem_shared>>
      %dma_wait3A_94 = arith.constant 0 : i32
      %dma_wait3A_95 = tpu.memref_slice %arg22[%add3A_8, %dma_wait3A_94] : memref<10240x128xf32, #tpu.memory_space<vmem_shared>> -> memref<128x128xf32, #tpu.memory_space<vmem_shared>>
      tpu.wait_dma2 semaphore(%run_scoped3A : memref<!tpu.dma_semaphore, #tpu.memory_space<semaphore_mem>>) src(%arg12 : memref<128x128xf32, #tpu.memory_space<vmem>>) dst(%dma_wait3A_95 : memref<128x128xf32, #tpu.memory_space<vmem_shared>>)
      tpu.yield
    }) : () -> ()
    %add3A_9 = arith.constant 384 : i32
    %add3A_10 = arith.addi %mul3A_2, %add3A_9 : i32
    "tpu.region"() ({
      %run_scoped3A = tpu.sem_alloc : memref<!tpu.dma_semaphore, #tpu.memory_space<semaphore_mem>>
      %dma_start3A_89 = arith.constant 0 : i32
      %dma_start3A_90 = tpu.memref_slice %arg22[%add3A_10, %dma_start3A_89] : memref<10240x128xf32, #tpu.memory_space<vmem_shared>> -> memref<128x128xf32, #tpu.memory_space<vmem_shared>>
      %dma_start3A_91 = arith.constant 0 : i32
      %dma_start3A_92 = tpu.memref_slice %arg22[%add3A_10, %dma_start3A_91] : memref<10240x128xf32, #tpu.memory_space<vmem_shared>> -> memref<128x128xf32, #tpu.memory_space<vmem_shared>>
      tpu.enqueue_dma source(%arg12 : memref<128x128xf32, #tpu.memory_space<vmem>>) target(%dma_start3A_92 : memref<128x128xf32, #tpu.memory_space<vmem_shared>>) target_semaphore(%run_scoped3A : memref<!tpu.dma_semaphore, #tpu.memory_space<semaphore_mem>>)
      %dma_wait3A = arith.constant 0 : i32
      %dma_wait3A_93 = tpu.memref_slice %arg22[%add3A_10, %dma_wait3A] : memref<10240x128xf32, #tpu.memory_space<vmem_shared>> -> memref<128x128xf32, #tpu.memory_space<vmem_shared>>
      %dma_wait3A_94 = arith.constant 0 : i32
      %dma_wait3A_95 = tpu.memref_slice %arg22[%add3A_10, %dma_wait3A_94] : memref<10240x128xf32, #tpu.memory_space<vmem_shared>> -> memref<128x128xf32, #tpu.memory_space<vmem_shared>>
      tpu.wait_dma2 semaphore(%run_scoped3A : memref<!tpu.dma_semaphore, #tpu.memory_space<semaphore_mem>>) src(%arg12 : memref<128x128xf32, #tpu.memory_space<vmem>>) dst(%dma_wait3A_95 : memref<128x128xf32, #tpu.memory_space<vmem_shared>>)
      tpu.yield
    }) : () -> ()
    %add3A_11 = arith.constant 512 : i32
    %add3A_12 = arith.addi %mul3A_2, %add3A_11 : i32
    "tpu.region"() ({
      %run_scoped3A = tpu.sem_alloc : memref<!tpu.dma_semaphore, #tpu.memory_space<semaphore_mem>>
      %dma_start3A_89 = arith.constant 0 : i32
      %dma_start3A_90 = tpu.memref_slice %arg22[%add3A_12, %dma_start3A_89] : memref<10240x128xf32, #tpu.memory_space<vmem_shared>> -> memref<128x128xf32, #tpu.memory_space<vmem_shared>>
      %dma_start3A_91 = arith.constant 0 : i32
      %dma_start3A_92 = tpu.memref_slice %arg22[%add3A_12, %dma_start3A_91] : memref<10240x128xf32, #tpu.memory_space<vmem_shared>> -> memref<128x128xf32, #tpu.memory_space<vmem_shared>>
      tpu.enqueue_dma source(%arg12 : memref<128x128xf32, #tpu.memory_space<vmem>>) target(%dma_start3A_92 : memref<128x128xf32, #tpu.memory_space<vmem_shared>>) target_semaphore(%run_scoped3A : memref<!tpu.dma_semaphore, #tpu.memory_space<semaphore_mem>>)
      %dma_wait3A = arith.constant 0 : i32
      %dma_wait3A_93 = tpu.memref_slice %arg22[%add3A_12, %dma_wait3A] : memref<10240x128xf32, #tpu.memory_space<vmem_shared>> -> memref<128x128xf32, #tpu.memory_space<vmem_shared>>
      %dma_wait3A_94 = arith.constant 0 : i32
      %dma_wait3A_95 = tpu.memref_slice %arg22[%add3A_12, %dma_wait3A_94] : memref<10240x128xf32, #tpu.memory_space<vmem_shared>> -> memref<128x128xf32, #tpu.memory_space<vmem_shared>>
      tpu.wait_dma2 semaphore(%run_scoped3A : memref<!tpu.dma_semaphore, #tpu.memory_space<semaphore_mem>>) src(%arg12 : memref<128x128xf32, #tpu.memory_space<vmem>>) dst(%dma_wait3A_95 : memref<128x128xf32, #tpu.memory_space<vmem_shared>>)
      tpu.yield
    }) : () -> ()
    "tpu.region"() ({
      %run_scoped3A = tpu.sem_alloc : memref<!tpu.dma_semaphore, #tpu.memory_space<semaphore_mem>>
      %dma_start3A_89 = arith.constant 0 : i32
      %dma_start3A_90 = arith.constant 0 : i32
      %dma_start3A_91 = tpu.memref_slice %arg5[%dma_start3A_89, %dma_start3A_90] : memref<128x128xf32, #tpu.memory_space<hbm>> -> memref<80x128xf32, #tpu.memory_space<hbm>>
      %dma_start3A_92 = arith.constant 0 : i32
      %dma_start3A_93 = arith.constant 0 : i32
      %dma_start3A_94 = tpu.memref_slice %arg5[%dma_start3A_92, %dma_start3A_93] : memref<128x128xf32, #tpu.memory_space<hbm>> -> memref<80x128xf32, #tpu.memory_space<hbm>>
      tpu.enqueue_dma source(%dma_start3A_94 : memref<80x128xf32, #tpu.memory_space<hbm>>) target(%arg20 : memref<80x128xf32, #tpu.memory_space<vmem>>) target_semaphore(%run_scoped3A : memref<!tpu.dma_semaphore, #tpu.memory_space<semaphore_mem>>)
      %dma_wait3A = arith.constant 0 : i32
      %dma_wait3A_95 = arith.constant 0 : i32
      %dma_wait3A_96 = tpu.memref_slice %arg5[%dma_wait3A, %dma_wait3A_95] : memref<128x128xf32, #tpu.memory_space<hbm>> -> memref<80x128xf32, #tpu.memory_space<hbm>>
      %dma_wait3A_97 = arith.constant 0 : i32
      %dma_wait3A_98 = arith.constant 0 : i32
      %dma_wait3A_99 = tpu.memref_slice %arg5[%dma_wait3A_97, %dma_wait3A_98] : memref<128x128xf32, #tpu.memory_space<hbm>> -> memref<80x128xf32, #tpu.memory_space<hbm>>
      tpu.wait_dma2 semaphore(%run_scoped3A : memref<!tpu.dma_semaphore, #tpu.memory_space<semaphore_mem>>) src(%dma_wait3A_99 : memref<80x128xf32, #tpu.memory_space<hbm>>) dst(%arg20 : memref<80x128xf32, #tpu.memory_space<vmem>>)
      tpu.yield
    }) : () -> ()
    %lt3A = arith.constant 5 : i32
    %lt3A_13 = arith.cmpi slt, %arg1, %lt3A : i32
    %convert_element_type3A = arith.extui %lt3A_13 : i1 to i32
    %cond3A = arith.constant 0 : i32
    %cond3A_14 = arith.cmpi ne, %convert_element_type3A, %cond3A : i32
    scf.if %cond3A_14 {
      %mul3A_89 = arith.constant 16 : i32
      %mul3A_90 = arith.muli %arg1, %mul3A_89 : i32
      "tpu.region"() ({
        %run_scoped3A = tpu.sem_alloc : memref<!tpu.dma_semaphore, #tpu.memory_space<semaphore_mem>>
        %dma_start3A_91 = arith.constant 0 : i32
        %dma_start3A_92 = arith.constant 0 : i32
        %dma_start3A_93 = tpu.memref_slice %arg12[%dma_start3A_91, %dma_start3A_92] : memref<128x128xf32, #tpu.memory_space<vmem>> -> memref<16x128xf32, #tpu.memory_space<vmem>>
        %dma_start3A_94 = arith.constant 0 : i32
        %dma_start3A_95 = tpu.memref_slice %arg23[%mul3A_90, %dma_start3A_94] : memref<80x128xf32, #tpu.memory_space<vmem_shared>> -> memref<16x128xf32, #tpu.memory_space<vmem_shared>>
        %dma_start3A_96 = arith.constant 0 : i32
        %dma_start3A_97 = tpu.memref_slice %arg23[%mul3A_90, %dma_start3A_96] : memref<80x128xf32, #tpu.memory_space<vmem_shared>> -> memref<16x128xf32, #tpu.memory_space<vmem_shared>>
        %dma_start3A_98 = arith.constant 0 : i32
        %dma_start3A_99 = arith.constant 0 : i32
        %dma_start3A_100 = tpu.memref_slice %arg12[%dma_start3A_98, %dma_start3A_99] : memref<128x128xf32, #tpu.memory_space<vmem>> -> memref<16x128xf32, #tpu.memory_space<vmem>>
        tpu.enqueue_dma source(%dma_start3A_100 : memref<16x128xf32, #tpu.memory_space<vmem>>) target(%dma_start3A_97 : memref<16x128xf32, #tpu.memory_space<vmem_shared>>) target_semaphore(%run_scoped3A : memref<!tpu.dma_semaphore, #tpu.memory_space<semaphore_mem>>)
        %dma_wait3A = arith.constant 0 : i32
        %dma_wait3A_101 = arith.constant 0 : i32
        %dma_wait3A_102 = tpu.memref_slice %arg12[%dma_wait3A, %dma_wait3A_101] : memref<128x128xf32, #tpu.memory_space<vmem>> -> memref<16x128xf32, #tpu.memory_space<vmem>>
        %dma_wait3A_103 = arith.constant 0 : i32
        %dma_wait3A_104 = tpu.memref_slice %arg23[%mul3A_90, %dma_wait3A_103] : memref<80x128xf32, #tpu.memory_space<vmem_shared>> -> memref<16x128xf32, #tpu.memory_space<vmem_shared>>
        %dma_wait3A_105 = arith.constant 0 : i32
        %dma_wait3A_106 = tpu.memref_slice %arg23[%mul3A_90, %dma_wait3A_105] : memref<80x128xf32, #tpu.memory_space<vmem_shared>> -> memref<16x128xf32, #tpu.memory_space<vmem_shared>>
        %dma_wait3A_107 = arith.constant 0 : i32
        %dma_wait3A_108 = arith.constant 0 : i32
        %dma_wait3A_109 = tpu.memref_slice %arg12[%dma_wait3A_107, %dma_wait3A_108] : memref<128x128xf32, #tpu.memory_space<vmem>> -> memref<16x128xf32, #tpu.memory_space<vmem>>
        tpu.wait_dma2 semaphore(%run_scoped3A : memref<!tpu.dma_semaphore, #tpu.memory_space<semaphore_mem>>) src(%dma_wait3A_109 : memref<16x128xf32, #tpu.memory_space<vmem>>) dst(%dma_wait3A_106 : memref<16x128xf32, #tpu.memory_space<vmem_shared>>)
        tpu.yield
      }) : () -> ()
    } else {
    }
    %iota3A = tpu.iota {dimensions = array<i32: 0>} : vector<16xi32>
    %add3A_15 = arith.constant 0 : i32
    %add3A_16 = vector.broadcast %add3A_15 : i32 to vector<16xi32>
    %add3A_17 = arith.addi %iota3A, %add3A_16 : vector<16xi32>
    %swap3A = arith.constant 0 : index
    %swap3A_18 = tpu.vector_load %arg21[%swap3A] {strides = array<i32>} : memref<80xi32, #tpu.memory_space<vmem>>, vector<16xi32>,
    tpu.vector_store %arg21[%swap3A], %add3A_17 {strides = array<i32>} : memref<80xi32, #tpu.memory_space<vmem>>, vector<16xi32>,
    %iota3A_19 = tpu.iota {dimensions = array<i32: 0>} : vector<16xi32>
    %add3A_20 = arith.constant 16 : i32
    %add3A_21 = vector.broadcast %add3A_20 : i32 to vector<16xi32>
    %add3A_22 = arith.addi %iota3A_19, %add3A_21 : vector<16xi32>
    %swap3A_23 = arith.constant 16 : index
    %swap3A_24 = tpu.vector_load %arg21[%swap3A_23] {strides = array<i32>} : memref<80xi32, #tpu.memory_space<vmem>>, vector<16xi32>,
    tpu.vector_store %arg21[%swap3A_23], %add3A_22 {strides = array<i32>} : memref<80xi32, #tpu.memory_space<vmem>>, vector<16xi32>,
    %iota3A_25 = tpu.iota {dimensions = array<i32: 0>} : vector<16xi32>
    %add3A_26 = arith.constant 32 : i32
    %add3A_27 = vector.broadcast %add3A_26 : i32 to vector<16xi32>
    %add3A_28 = arith.addi %iota3A_25, %add3A_27 : vector<16xi32>
    %swap3A_29 = arith.constant 32 : index
    %swap3A_30 = tpu.vector_load %arg21[%swap3A_29] {strides = array<i32>} : memref<80xi32, #tpu.memory_space<vmem>>, vector<16xi32>,
    tpu.vector_store %arg21[%swap3A_29], %add3A_28 {strides = array<i32>} : memref<80xi32, #tpu.memory_space<vmem>>, vector<16xi32>,
    %iota3A_31 = tpu.iota {dimensions = array<i32: 0>} : vector<16xi32>
    %add3A_32 = arith.constant 48 : i32
    %add3A_33 = vector.broadcast %add3A_32 : i32 to vector<16xi32>
    %add3A_34 = arith.addi %iota3A_31, %add3A_33 : vector<16xi32>
    %swap3A_35 = arith.constant 48 : index
    %swap3A_36 = tpu.vector_load %arg21[%swap3A_35] {strides = array<i32>} : memref<80xi32, #tpu.memory_space<vmem>>, vector<16xi32>,
    tpu.vector_store %arg21[%swap3A_35], %add3A_34 {strides = array<i32>} : memref<80xi32, #tpu.memory_space<vmem>>, vector<16xi32>,
    %iota3A_37 = tpu.iota {dimensions = array<i32: 0>} : vector<16xi32>
    %add3A_38 = arith.constant 64 : i32
    %add3A_39 = vector.broadcast %add3A_38 : i32 to vector<16xi32>
    %add3A_40 = arith.addi %iota3A_37, %add3A_39 : vector<16xi32>
    %swap3A_41 = arith.constant 64 : index
    %swap3A_42 = tpu.vector_load %arg21[%swap3A_41] {strides = array<i32>} : memref<80xi32, #tpu.memory_space<vmem>>, vector<16xi32>,
    tpu.vector_store %arg21[%swap3A_41], %add3A_40 {strides = array<i32>} : memref<80xi32, #tpu.memory_space<vmem>>, vector<16xi32>,
    %barrier3A = arith.constant 0 : index
    tpu.barrier barrier_id(%barrier3A)
    %dma_start3A = arith.constant 0 : i32
    %dma_start3A_43 = arith.constant 0 : i32
    %dma_start3A_44 = tpu.memref_slice %arg3[%add3A, %dma_start3A, %dma_start3A_43] : memref<32x80x128xi32, #tpu.memory_space<hbm>> -> memref<1x8x128xi32, #tpu.memory_space<hbm>>
    %dma_start3A_45 = tpu.memref_squeeze %dma_start3A_44 : memref<1x8x128xi32, #tpu.memory_space<hbm>> -> memref<8x128xi32, #tpu.memory_space<hbm>>
    %dma_start3A_46 = arith.constant 0 : i32
    %dma_start3A_47 = arith.constant 0 : i32
    %dma_start3A_48 = tpu.memref_slice %arg3[%add3A, %dma_start3A_46, %dma_start3A_47] : memref<32x80x128xi32, #tpu.memory_space<hbm>> -> memref<1x8x128xi32, #tpu.memory_space<hbm>>
    %dma_start3A_49 = tpu.memref_squeeze %dma_start3A_48 : memref<1x8x128xi32, #tpu.memory_space<hbm>> -> memref<8x128xi32, #tpu.memory_space<hbm>>
    tpu.enqueue_dma source(%dma_start3A_49 : memref<8x128xi32, #tpu.memory_space<hbm>>) target(%arg8 : memref<8x128xi32, #tpu.memory_space<vmem>>) target_semaphore(%arg14 : memref<!tpu.dma_semaphore, #tpu.memory_space<semaphore_mem>>)
    %dma_start3A_50 = arith.constant 0 : i32
    %dma_start3A_51 = arith.constant 0 : i32
    %dma_start3A_52 = tpu.memref_slice %arg4[%add3A, %dma_start3A_50, %dma_start3A_51] : memref<32x80x128xi32, #tpu.memory_space<hbm>> -> memref<1x8x128xi32, #tpu.memory_space<hbm>>
    %dma_start3A_53 = tpu.memref_squeeze %dma_start3A_52 : memref<1x8x128xi32, #tpu.memory_space<hbm>> -> memref<8x128xi32, #tpu.memory_space<hbm>>
    %dma_start3A_54 = arith.constant 0 : i32
    %dma_start3A_55 = arith.constant 0 : i32
    %dma_start3A_56 = tpu.memref_slice %arg4[%add3A, %dma_start3A_54, %dma_start3A_55] : memref<32x80x128xi32, #tpu.memory_space<hbm>> -> memref<1x8x128xi32, #tpu.memory_space<hbm>>
    %dma_start3A_57 = tpu.memref_squeeze %dma_start3A_56 : memref<1x8x128xi32, #tpu.memory_space<hbm>> -> memref<8x128xi32, #tpu.memory_space<hbm>>
    tpu.enqueue_dma source(%dma_start3A_57 : memref<8x128xi32, #tpu.memory_space<hbm>>) target(%arg10 : memref<8x128xi32, #tpu.memory_space<vmem>>) target_semaphore(%arg14 : memref<!tpu.dma_semaphore, #tpu.memory_space<semaphore_mem>>)
    %scan3A = arith.constant 0 : i32
    %scan3A_58 = arith.constant 0 : i32
    %scan3A_59 = arith.constant 5 : i32
    %scan3A_60 = arith.addi %scan3A_58, %scan3A_59 : i32
    %scan3A_61 = arith.constant 1 : i32
    scf.for %scan3A_89 = %scan3A_58 to %scan3A_60 step %scan3A_61  : i32 {
      %mul3A_90 = arith.constant 2 : i32
      %mul3A_91 = arith.muli %scan3A_89, %mul3A_90 : i32
      %add3A_92 = arith.constant 0 : i32
      %add3A_93 = arith.addi %mul3A_91, %add3A_92 : i32
      %mul3A_94 = arith.constant 8 : i32
      %mul3A_95 = arith.muli %add3A_93, %mul3A_94 : i32
      %dma_wait3A = arith.constant 0 : i32
      %dma_wait3A_96 = tpu.memref_slice %arg3[%add3A, %mul3A_95, %dma_wait3A] : memref<32x80x128xi32, #tpu.memory_space<hbm>> -> memref<1x8x128xi32, #tpu.memory_space<hbm>>
      %dma_wait3A_97 = tpu.memref_squeeze %dma_wait3A_96 : memref<1x8x128xi32, #tpu.memory_space<hbm>> -> memref<8x128xi32, #tpu.memory_space<hbm>>
      %dma_wait3A_98 = arith.constant 0 : i32
      %dma_wait3A_99 = tpu.memref_slice %arg3[%add3A, %mul3A_95, %dma_wait3A_98] : memref<32x80x128xi32, #tpu.memory_space<hbm>> -> memref<1x8x128xi32, #tpu.memory_space<hbm>>
      %dma_wait3A_100 = tpu.memref_squeeze %dma_wait3A_99 : memref<1x8x128xi32, #tpu.memory_space<hbm>> -> memref<8x128xi32, #tpu.memory_space<hbm>>
      tpu.wait_dma2 semaphore(%arg14 : memref<!tpu.dma_semaphore, #tpu.memory_space<semaphore_mem>>) src(%dma_wait3A_100 : memref<8x128xi32, #tpu.memory_space<hbm>>) dst(%arg8 : memref<8x128xi32, #tpu.memory_space<vmem>>)
      %dma_wait3A_101 = arith.constant 0 : i32
      %dma_wait3A_102 = tpu.memref_slice %arg4[%add3A, %mul3A_95, %dma_wait3A_101] : memref<32x80x128xi32, #tpu.memory_space<hbm>> -> memref<1x8x128xi32, #tpu.memory_space<hbm>>
      %dma_wait3A_103 = tpu.memref_squeeze %dma_wait3A_102 : memref<1x8x128xi32, #tpu.memory_space<hbm>> -> memref<8x128xi32, #tpu.memory_space<hbm>>
      %dma_wait3A_104 = arith.constant 0 : i32
      %dma_wait3A_105 = tpu.memref_slice %arg4[%add3A, %mul3A_95, %dma_wait3A_104] : memref<32x80x128xi32, #tpu.memory_space<hbm>> -> memref<1x8x128xi32, #tpu.memory_space<hbm>>
      %dma_wait3A_106 = tpu.memref_squeeze %dma_wait3A_105 : memref<1x8x128xi32, #tpu.memory_space<hbm>> -> memref<8x128xi32, #tpu.memory_space<hbm>>
      tpu.wait_dma2 semaphore(%arg14 : memref<!tpu.dma_semaphore, #tpu.memory_space<semaphore_mem>>) src(%dma_wait3A_106 : memref<8x128xi32, #tpu.memory_space<hbm>>) dst(%arg10 : memref<8x128xi32, #tpu.memory_space<vmem>>)
      %add3A_107 = arith.constant 1 : i32
      %add3A_108 = arith.addi %add3A_93, %add3A_107 : i32
      %lt3A_109 = arith.constant 10 : i32
      %lt3A_110 = arith.cmpi slt, %add3A_108, %lt3A_109 : i32
      %convert_element_type3A_111 = arith.extui %lt3A_110 : i1 to i32
      %cond3A_112 = arith.constant 0 : i32
      %cond3A_113 = arith.cmpi ne, %convert_element_type3A_111, %cond3A_112 : i32
      scf.if %cond3A_113 {
        %add3A_195 = arith.constant 1 : i32
        %add3A_196 = arith.addi %add3A_93, %add3A_195 : i32
        %mul3A_197 = arith.constant 8 : i32
        %mul3A_198 = arith.muli %add3A_196, %mul3A_197 : i32
        %dma_start3A_199 = arith.constant 0 : i32
        %dma_start3A_200 = tpu.memref_slice %arg3[%add3A, %mul3A_198, %dma_start3A_199] : memref<32x80x128xi32, #tpu.memory_space<hbm>> -> memref<1x8x128xi32, #tpu.memory_space<hbm>>
        %dma_start3A_201 = tpu.memref_squeeze %dma_start3A_200 : memref<1x8x128xi32, #tpu.memory_space<hbm>> -> memref<8x128xi32, #tpu.memory_space<hbm>>
        %dma_start3A_202 = arith.constant 0 : i32
        %dma_start3A_203 = tpu.memref_slice %arg3[%add3A, %mul3A_198, %dma_start3A_202] : memref<32x80x128xi32, #tpu.memory_space<hbm>> -> memref<1x8x128xi32, #tpu.memory_space<hbm>>
        %dma_start3A_204 = tpu.memref_squeeze %dma_start3A_203 : memref<1x8x128xi32, #tpu.memory_space<hbm>> -> memref<8x128xi32, #tpu.memory_space<hbm>>
        tpu.enqueue_dma source(%dma_start3A_204 : memref<8x128xi32, #tpu.memory_space<hbm>>) target(%arg9 : memref<8x128xi32, #tpu.memory_space<vmem>>) target_semaphore(%arg15 : memref<!tpu.dma_semaphore, #tpu.memory_space<semaphore_mem>>)
        %dma_start3A_205 = arith.constant 0 : i32
        %dma_start3A_206 = tpu.memref_slice %arg4[%add3A, %mul3A_198, %dma_start3A_205] : memref<32x80x128xi32, #tpu.memory_space<hbm>> -> memref<1x8x128xi32, #tpu.memory_space<hbm>>
        %dma_start3A_207 = tpu.memref_squeeze %dma_start3A_206 : memref<1x8x128xi32, #tpu.memory_space<hbm>> -> memref<8x128xi32, #tpu.memory_space<hbm>>
        %dma_start3A_208 = arith.constant 0 : i32
        %dma_start3A_209 = tpu.memref_slice %arg4[%add3A, %mul3A_198, %dma_start3A_208] : memref<32x80x128xi32, #tpu.memory_space<hbm>> -> memref<1x8x128xi32, #tpu.memory_space<hbm>>
        %dma_start3A_210 = tpu.memref_squeeze %dma_start3A_209 : memref<1x8x128xi32, #tpu.memory_space<hbm>> -> memref<8x128xi32, #tpu.memory_space<hbm>>
        tpu.enqueue_dma source(%dma_start3A_210 : memref<8x128xi32, #tpu.memory_space<hbm>>) target(%arg11 : memref<8x128xi32, #tpu.memory_space<vmem>>) target_semaphore(%arg15 : memref<!tpu.dma_semaphore, #tpu.memory_space<semaphore_mem>>)
      } else {
      }
      %dma_start3A_114 = arith.constant 0 : i32
      %dma_start3A_115 = arith.constant 0 : i32
      %dma_start3A_116 = tpu.memref_slice %arg8[%dma_start3A_114, %dma_start3A_115] : memref<8x128xi32, #tpu.memory_space<vmem>> -> memref<1x128xi32, #tpu.memory_space<vmem>>
      %dma_start3A_117 = tpu.memref_squeeze %dma_start3A_116 : memref<1x128xi32, #tpu.memory_space<vmem>> -> memref<128xi32, #tpu.memory_space<vmem>>
      %dma_start3A_118 = arith.constant 0 : i32
      %dma_start3A_119 = arith.constant 0 : i32
      %dma_start3A_120 = tpu.memref_slice %arg2[%dma_start3A_118, %dma_start3A_119] : memref<10240x128xf32, #tpu.memory_space<hbm>> -> memref<10240x128xf32, #tpu.memory_space<hbm>>
      tpu.enqueue_indirect_dma source(%dma_start3A_120 : memref<10240x128xf32, #tpu.memory_space<hbm>>) target(%arg12 : memref<128x128xf32, #tpu.memory_space<vmem>>) offsets(%dma_start3A_117 : memref<128xi32, #tpu.memory_space<vmem>>) semaphore(%arg16 : memref<!tpu.dma_semaphore, #tpu.memory_space<semaphore_mem>>)
      %dma_start3A_121 = arith.constant 1 : i32
      %dma_start3A_122 = arith.constant 0 : i32
      %dma_start3A_123 = tpu.memref_slice %arg8[%dma_start3A_121, %dma_start3A_122] : memref<8x128xi32, #tpu.memory_space<vmem>> -> memref<1x128xi32, #tpu.memory_space<vmem>>
      %dma_start3A_124 = tpu.memref_squeeze %dma_start3A_123 : memref<1x128xi32, #tpu.memory_space<vmem>> -> memref<128xi32, #tpu.memory_space<vmem>>
      %dma_start3A_125 = arith.constant 0 : i32
      %dma_start3A_126 = arith.constant 0 : i32
      %dma_start3A_127 = tpu.memref_slice %arg2[%dma_start3A_125, %dma_start3A_126] : memref<10240x128xf32, #tpu.memory_space<hbm>> -> memref<10240x128xf32, #tpu.memory_space<hbm>>
      tpu.enqueue_indirect_dma source(%dma_start3A_127 : memref<10240x128xf32, #tpu.memory_space<hbm>>) target(%arg13 : memref<128x128xf32, #tpu.memory_space<vmem>>) offsets(%dma_start3A_124 : memref<128xi32, #tpu.memory_space<vmem>>) semaphore(%arg17 : memref<!tpu.dma_semaphore, #tpu.memory_space<semaphore_mem>>)
      %scan3A_128 = arith.constant 0 : i32
      %scan3A_129 = arith.constant 0 : i32
      %scan3A_130 = arith.constant 64 : i32
      %scan3A_131 = arith.addi %scan3A_129, %scan3A_130 : i32
      %scan3A_132 = arith.constant 1 : i32
      scf.for %scan3A_195 = %scan3A_129 to %scan3A_131 step %scan3A_132  : i32 {
        %jit3A = arith.constant 8 : i32
        %div3A = arith.divsi %scan3A_195, %jit3A : i32
        %sign3A = arith.constant 0 : i32
        %sign3A_196 = arith.cmpi sgt, %scan3A_195, %sign3A : i32
        %sign3A_197 = arith.extui %sign3A_196 : i1 to i32
        %sign3A_198 = arith.constant 0 : i32
        %sign3A_199 = arith.cmpi slt, %scan3A_195, %sign3A_198 : i32
        %sign3A_200 = arith.extui %sign3A_199 : i1 to i32
        %sign3A_201 = arith.subi %sign3A_197, %sign3A_200 : i32
        %sign3A_202 = arith.constant 0 : i32
        %sign3A_203 = arith.cmpi sgt, %jit3A, %sign3A_202 : i32
        %sign3A_204 = arith.extui %sign3A_203 : i1 to i32
        %sign3A_205 = arith.constant 0 : i32
        %sign3A_206 = arith.cmpi slt, %jit3A, %sign3A_205 : i32
        %sign3A_207 = arith.extui %sign3A_206 : i1 to i32
        %sign3A_208 = arith.subi %sign3A_204, %sign3A_207 : i32
        %ne3A = arith.cmpi ne, %sign3A_201, %sign3A_208 : i32
        %rem3A = arith.remsi %scan3A_195, %jit3A : i32
        %ne3A_209 = arith.constant 0 : i32
        %ne3A_210 = arith.cmpi ne, %rem3A, %ne3A_209 : i32
        %and3A = arith.andi %ne3A, %ne3A_210 : i1
        %sub3A = arith.constant 1 : i32
        %sub3A_211 = arith.subi %div3A, %sub3A : i32
        %select_n3A = arith.select %and3A, %sub3A_211, %div3A : i32
        %jit3A_212 = arith.constant 8 : i32
        %eq3A = arith.constant 0 : i32
        %eq3A_213 = arith.cmpi eq, %jit3A_212, %eq3A : i32
        %jit3A_214 = arith.constant 1 : i32
        %select_n3A_215 = arith.select %eq3A_213, %jit3A_214, %jit3A_212 : i32
        %rem3A_216 = arith.remsi %scan3A_195, %select_n3A_215 : i32
        %ne3A_217 = arith.constant 0 : i32
        %ne3A_218 = arith.cmpi ne, %rem3A_216, %ne3A_217 : i32
        %lt3A_219 = arith.constant 0 : i32
        %lt3A_220 = arith.cmpi slt, %rem3A_216, %lt3A_219 : i32
        %lt3A_221 = arith.constant 0 : i32
        %lt3A_222 = arith.cmpi slt, %select_n3A_215, %lt3A_221 : i32
        %ne3A_223 = arith.xori %lt3A_220, %lt3A_222 : i1
        %and3A_224 = arith.andi %ne3A_223, %ne3A_218 : i1
        %add3A_225 = arith.addi %rem3A_216, %select_n3A_215 : i32
        %select_n3A_226 = arith.select %and3A_224, %add3A_225, %rem3A_216 : i32
        %mul3A_227 = arith.constant 16 : i32
        %mul3A_228 = arith.muli %select_n3A_226, %mul3A_227 : i32
        %get3A = arith.index_cast %select_n3A : i32 to index
        %get3A_229 = arith.index_cast %mul3A_228 : i32 to index
        %get3A_230 = tpu.vector_load %arg10[%get3A, %get3A_229] {strides = array<i32>} : memref<8x128xi32, #tpu.memory_space<vmem>>, vector<16xi32>,
        %shift_right_logical3A = arith.constant 7 : i32
        %shift_right_logical3A_231 = vector.broadcast %shift_right_logical3A : i32 to vector<16xi32>
        %shift_right_logical3A_232 = arith.shrui %get3A_230, %shift_right_logical3A_231 : vector<16xi32>
        %and3A_233 = arith.constant 127 : i32
        %and3A_234 = vector.broadcast %and3A_233 : i32 to vector<16xi32>
        %and3A_235 = arith.andi %get3A_230, %and3A_234 : vector<16xi32>
        %broadcast_in_dim3A = arith.constant 1.000000e+00 : f32
        %broadcast_in_dim3A_236 = vector.broadcast %broadcast_in_dim3A : f32 to vector<16xf32>
        tpu.vector_store_idx %arg20[%shift_right_logical3A_232, %and3A_235], %broadcast_in_dim3A_236 {add = true} : memref<80x128xf32, #tpu.memory_space<vmem>>[vector<16xi32>, vector<16xi32>], vector<16xf32>,
      }
      %scan3A_133 = arith.constant 64 : i32
      %scan3A_134 = arith.constant 0 : i32
      %scan3A_135 = arith.constant 0 : i32
      %scan3A_136 = arith.constant 1 : i32
      %scan3A_137 = arith.constant 0 : i32
      %scan3A_138 = arith.constant 4 : i32
      %scan3A_139 = arith.addi %scan3A_137, %scan3A_138 : i32
      %scan3A_140 = arith.constant 1 : i32
      scf.for %scan3A_195 = %scan3A_137 to %scan3A_139 step %scan3A_140  : i32 {
        %mul3A_196 = arith.constant 2 : i32
        %mul3A_197 = arith.muli %scan3A_195, %mul3A_196 : i32
        %dma_wait3A_198 = arith.constant 0 : i32
        %dma_wait3A_199 = tpu.memref_slice %arg8[%scan3A_135, %dma_wait3A_198] : memref<8x128xi32, #tpu.memory_space<vmem>> -> memref<1x128xi32, #tpu.memory_space<vmem>>
        %dma_wait3A_200 = tpu.memref_squeeze %dma_wait3A_199 : memref<1x128xi32, #tpu.memory_space<vmem>> -> memref<128xi32, #tpu.memory_space<vmem>>
        %dma_wait3A_201 = arith.constant 0 : i32
        %dma_wait3A_202 = arith.constant 0 : i32
        %dma_wait3A_203 = tpu.memref_slice %arg2[%dma_wait3A_201, %dma_wait3A_202] : memref<10240x128xf32, #tpu.memory_space<hbm>> -> memref<10240x128xf32, #tpu.memory_space<hbm>>
        tpu.wait_indirect_dma semaphore(%arg16 : memref<!tpu.dma_semaphore, #tpu.memory_space<semaphore_mem>>) src(%dma_wait3A_203 : memref<10240x128xf32, #tpu.memory_space<hbm>>) dst(%arg12 : memref<128x128xf32, #tpu.memory_space<vmem>>)
        %add3A_204 = arith.constant 0 : i32
        %add3A_205 = arith.addi %mul3A_197, %add3A_204 : i32
        %dma_start3A_206 = arith.constant 0 : i32
        %dma_start3A_207 = tpu.memref_slice %arg10[%add3A_205, %dma_start3A_206] : memref<8x128xi32, #tpu.memory_space<vmem>> -> memref<1x128xi32, #tpu.memory_space<vmem>>
        %dma_start3A_208 = tpu.memref_squeeze %dma_start3A_207 : memref<1x128xi32, #tpu.memory_space<vmem>> -> memref<128xi32, #tpu.memory_space<vmem>>
        %dma_start3A_209 = arith.constant 0 : i32
        %dma_start3A_210 = arith.constant 0 : i32
        %dma_start3A_211 = tpu.memref_slice %arg22[%dma_start3A_209, %dma_start3A_210] : memref<10240x128xf32, #tpu.memory_space<vmem_shared>> -> memref<10240x128xf32, #tpu.memory_space<vmem_shared>>
        tpu.enqueue_indirect_dma source(%arg12 : memref<128x128xf32, #tpu.memory_space<vmem>>) target(%dma_start3A_211 : memref<10240x128xf32, #tpu.memory_space<vmem_shared>>) offsets(%dma_start3A_208 : memref<128xi32, #tpu.memory_space<vmem>>) semaphore(%arg18 : memref<!tpu.dma_semaphore, #tpu.memory_space<semaphore_mem>>) {add = true}
        %dma_wait3A_212 = arith.constant 0 : i32
        %dma_wait3A_213 = tpu.memref_slice %arg8[%scan3A_136, %dma_wait3A_212] : memref<8x128xi32, #tpu.memory_space<vmem>> -> memref<1x128xi32, #tpu.memory_space<vmem>>
        %dma_wait3A_214 = tpu.memref_squeeze %dma_wait3A_213 : memref<1x128xi32, #tpu.memory_space<vmem>> -> memref<128xi32, #tpu.memory_space<vmem>>
        %dma_wait3A_215 = arith.constant 0 : i32
        %dma_wait3A_216 = arith.constant 0 : i32
        %dma_wait3A_217 = tpu.memref_slice %arg2[%dma_wait3A_215, %dma_wait3A_216] : memref<10240x128xf32, #tpu.memory_space<hbm>> -> memref<10240x128xf32, #tpu.memory_space<hbm>>
        tpu.wait_indirect_dma semaphore(%arg17 : memref<!tpu.dma_semaphore, #tpu.memory_space<semaphore_mem>>) src(%dma_wait3A_217 : memref<10240x128xf32, #tpu.memory_space<hbm>>) dst(%arg13 : memref<128x128xf32, #tpu.memory_space<vmem>>)
        %add3A_218 = arith.constant 1 : i32
        %add3A_219 = arith.addi %mul3A_197, %add3A_218 : i32
        %dma_start3A_220 = arith.constant 0 : i32
        %dma_start3A_221 = tpu.memref_slice %arg10[%add3A_219, %dma_start3A_220] : memref<8x128xi32, #tpu.memory_space<vmem>> -> memref<1x128xi32, #tpu.memory_space<vmem>>
        %dma_start3A_222 = tpu.memref_squeeze %dma_start3A_221 : memref<1x128xi32, #tpu.memory_space<vmem>> -> memref<128xi32, #tpu.memory_space<vmem>>
        %dma_start3A_223 = arith.constant 0 : i32
        %dma_start3A_224 = arith.constant 0 : i32
        %dma_start3A_225 = tpu.memref_slice %arg22[%dma_start3A_223, %dma_start3A_224] : memref<10240x128xf32, #tpu.memory_space<vmem_shared>> -> memref<10240x128xf32, #tpu.memory_space<vmem_shared>>
        tpu.enqueue_indirect_dma source(%arg13 : memref<128x128xf32, #tpu.memory_space<vmem>>) target(%dma_start3A_225 : memref<10240x128xf32, #tpu.memory_space<vmem_shared>>) offsets(%dma_start3A_222 : memref<128xi32, #tpu.memory_space<vmem>>) semaphore(%arg19 : memref<!tpu.dma_semaphore, #tpu.memory_space<semaphore_mem>>) {add = true}
        %add3A_226 = arith.constant 1 : i32
        %add3A_227 = arith.addi %scan3A_195, %add3A_226 : i32
        %lt3A_228 = arith.constant 4 : i32
        %lt3A_229 = arith.cmpi slt, %add3A_227, %lt3A_228 : i32
        %convert_element_type3A_230 = arith.extui %lt3A_229 : i1 to i32
        %cond3A_231 = arith.constant 0 : i32
        %cond3A_232 = arith.cmpi ne, %convert_element_type3A_230, %cond3A_231 : i32
        scf.if %cond3A_232 {
          %dma_wait3A_239 = arith.constant 0 : i32
          %dma_wait3A_240 = tpu.memref_slice %arg10[%add3A_205, %dma_wait3A_239] : memref<8x128xi32, #tpu.memory_space<vmem>> -> memref<1x128xi32, #tpu.memory_space<vmem>>
          %dma_wait3A_241 = tpu.memref_squeeze %dma_wait3A_240 : memref<1x128xi32, #tpu.memory_space<vmem>> -> memref<128xi32, #tpu.memory_space<vmem>>
          %dma_wait3A_242 = arith.constant 0 : i32
          %dma_wait3A_243 = arith.constant 0 : i32
          %dma_wait3A_244 = tpu.memref_slice %arg22[%dma_wait3A_242, %dma_wait3A_243] : memref<10240x128xf32, #tpu.memory_space<vmem_shared>> -> memref<10240x128xf32, #tpu.memory_space<vmem_shared>>
          tpu.wait_indirect_dma semaphore(%arg18 : memref<!tpu.dma_semaphore, #tpu.memory_space<semaphore_mem>>) src(%arg12 : memref<128x128xf32, #tpu.memory_space<vmem>>) dst(%dma_wait3A_244 : memref<10240x128xf32, #tpu.memory_space<vmem_shared>>)
          %add3A_245 = arith.constant 2 : i32
          %add3A_246 = arith.addi %mul3A_197, %add3A_245 : i32
          %add3A_247 = arith.constant 0 : i32
          %add3A_248 = arith.addi %add3A_246, %add3A_247 : i32
          %dma_start3A_249 = arith.constant 0 : i32
          %dma_start3A_250 = tpu.memref_slice %arg8[%add3A_248, %dma_start3A_249] : memref<8x128xi32, #tpu.memory_space<vmem>> -> memref<1x128xi32, #tpu.memory_space<vmem>>
          %dma_start3A_251 = tpu.memref_squeeze %dma_start3A_250 : memref<1x128xi32, #tpu.memory_space<vmem>> -> memref<128xi32, #tpu.memory_space<vmem>>
          %dma_start3A_252 = arith.constant 0 : i32
          %dma_start3A_253 = arith.constant 0 : i32
          %dma_start3A_254 = tpu.memref_slice %arg2[%dma_start3A_252, %dma_start3A_253] : memref<10240x128xf32, #tpu.memory_space<hbm>> -> memref<10240x128xf32, #tpu.memory_space<hbm>>
          tpu.enqueue_indirect_dma source(%dma_start3A_254 : memref<10240x128xf32, #tpu.memory_space<hbm>>) target(%arg12 : memref<128x128xf32, #tpu.memory_space<vmem>>) offsets(%dma_start3A_251 : memref<128xi32, #tpu.memory_space<vmem>>) semaphore(%arg16 : memref<!tpu.dma_semaphore, #tpu.memory_space<semaphore_mem>>)
          %dma_wait3A_255 = arith.constant 0 : i32
          %dma_wait3A_256 = tpu.memref_slice %arg10[%add3A_219, %dma_wait3A_255] : memref<8x128xi32, #tpu.memory_space<vmem>> -> memref<1x128xi32, #tpu.memory_space<vmem>>
          %dma_wait3A_257 = tpu.memref_squeeze %dma_wait3A_256 : memref<1x128xi32, #tpu.memory_space<vmem>> -> memref<128xi32, #tpu.memory_space<vmem>>
          %dma_wait3A_258 = arith.constant 0 : i32
          %dma_wait3A_259 = arith.constant 0 : i32
          %dma_wait3A_260 = tpu.memref_slice %arg22[%dma_wait3A_258, %dma_wait3A_259] : memref<10240x128xf32, #tpu.memory_space<vmem_shared>> -> memref<10240x128xf32, #tpu.memory_space<vmem_shared>>
          tpu.wait_indirect_dma semaphore(%arg19 : memref<!tpu.dma_semaphore, #tpu.memory_space<semaphore_mem>>) src(%arg13 : memref<128x128xf32, #tpu.memory_space<vmem>>) dst(%dma_wait3A_260 : memref<10240x128xf32, #tpu.memory_space<vmem_shared>>)
          %add3A_261 = arith.constant 2 : i32
          %add3A_262 = arith.addi %mul3A_197, %add3A_261 : i32
          %add3A_263 = arith.constant 1 : i32
          %add3A_264 = arith.addi %add3A_262, %add3A_263 : i32
          %dma_start3A_265 = arith.constant 0 : i32
          %dma_start3A_266 = tpu.memref_slice %arg8[%add3A_264, %dma_start3A_265] : memref<8x128xi32, #tpu.memory_space<vmem>> -> memref<1x128xi32, #tpu.memory_space<vmem>>
          %dma_start3A_267 = tpu.memref_squeeze %dma_start3A_266 : memref<1x128xi32, #tpu.memory_space<vmem>> -> memref<128xi32, #tpu.memory_space<vmem>>
          %dma_start3A_268 = arith.constant 0 : i32
          %dma_start3A_269 = arith.constant 0 : i32
          %dma_start3A_270 = tpu.memref_slice %arg2[%dma_start3A_268, %dma_start3A_269] : memref<10240x128xf32, #tpu.memory_space<hbm>> -> memref<10240x128xf32, #tpu.memory_space<hbm>>
          tpu.enqueue_indirect_dma source(%dma_start3A_270 : memref<10240x128xf32, #tpu.memory_space<hbm>>) target(%arg13 : memref<128x128xf32, #tpu.memory_space<vmem>>) offsets(%dma_start3A_267 : memref<128xi32, #tpu.memory_space<vmem>>) semaphore(%arg17 : memref<!tpu.dma_semaphore, #tpu.memory_space<semaphore_mem>>)
        } else {
        }
        %add3A_233 = arith.constant 1 : i32
        %add3A_234 = arith.addi %scan3A_195, %add3A_233 : i32
        %ge3A = arith.constant 4 : i32
        %ge3A_235 = arith.cmpi sge, %add3A_234, %ge3A : i32
        %convert_element_type3A_236 = arith.extui %ge3A_235 : i1 to i32
        %cond3A_237 = arith.constant 0 : i32
        %cond3A_238 = arith.cmpi ne, %convert_element_type3A_236, %cond3A_237 : i32
        scf.if %cond3A_238 {
          %dma_wait3A_239 = arith.constant 0 : i32
          %dma_wait3A_240 = tpu.memref_slice %arg10[%add3A_205, %dma_wait3A_239] : memref<8x128xi32, #tpu.memory_space<vmem>> -> memref<1x128xi32, #tpu.memory_space<vmem>>
          %dma_wait3A_241 = tpu.memref_squeeze %dma_wait3A_240 : memref<1x128xi32, #tpu.memory_space<vmem>> -> memref<128xi32, #tpu.memory_space<vmem>>
          %dma_wait3A_242 = arith.constant 0 : i32
          %dma_wait3A_243 = arith.constant 0 : i32
          %dma_wait3A_244 = tpu.memref_slice %arg22[%dma_wait3A_242, %dma_wait3A_243] : memref<10240x128xf32, #tpu.memory_space<vmem_shared>> -> memref<10240x128xf32, #tpu.memory_space<vmem_shared>>
          tpu.wait_indirect_dma semaphore(%arg18 : memref<!tpu.dma_semaphore, #tpu.memory_space<semaphore_mem>>) src(%arg12 : memref<128x128xf32, #tpu.memory_space<vmem>>) dst(%dma_wait3A_244 : memref<10240x128xf32, #tpu.memory_space<vmem_shared>>)
          %dma_wait3A_245 = arith.constant 0 : i32
          %dma_wait3A_246 = tpu.memref_slice %arg10[%add3A_219, %dma_wait3A_245] : memref<8x128xi32, #tpu.memory_space<vmem>> -> memref<1x128xi32, #tpu.memory_space<vmem>>
          %dma_wait3A_247 = tpu.memref_squeeze %dma_wait3A_246 : memref<1x128xi32, #tpu.memory_space<vmem>> -> memref<128xi32, #tpu.memory_space<vmem>>
          %dma_wait3A_248 = arith.constant 0 : i32
          %dma_wait3A_249 = arith.constant 0 : i32
          %dma_wait3A_250 = tpu.memref_slice %arg22[%dma_wait3A_248, %dma_wait3A_249] : memref<10240x128xf32, #tpu.memory_space<vmem_shared>> -> memref<10240x128xf32, #tpu.memory_space<vmem_shared>>
          tpu.wait_indirect_dma semaphore(%arg19 : memref<!tpu.dma_semaphore, #tpu.memory_space<semaphore_mem>>) src(%arg13 : memref<128x128xf32, #tpu.memory_space<vmem>>) dst(%dma_wait3A_250 : memref<10240x128xf32, #tpu.memory_space<vmem_shared>>)
        } else {
        }
      }
      %scan3A_141 = arith.constant 4 : i32
      %mul3A_142 = arith.constant 2 : i32
      %mul3A_143 = arith.muli %scan3A_89, %mul3A_142 : i32
      %add3A_144 = arith.constant 1 : i32
      %add3A_145 = arith.addi %mul3A_143, %add3A_144 : i32
      %mul3A_146 = arith.constant 8 : i32
      %mul3A_147 = arith.muli %add3A_145, %mul3A_146 : i32
      %dma_wait3A_148 = arith.constant 0 : i32
      %dma_wait3A_149 = tpu.memref_slice %arg3[%add3A, %mul3A_147, %dma_wait3A_148] : memref<32x80x128xi32, #tpu.memory_space<hbm>> -> memref<1x8x128xi32, #tpu.memory_space<hbm>>
      %dma_wait3A_150 = tpu.memref_squeeze %dma_wait3A_149 : memref<1x8x128xi32, #tpu.memory_space<hbm>> -> memref<8x128xi32, #tpu.memory_space<hbm>>
      %dma_wait3A_151 = arith.constant 0 : i32
      %dma_wait3A_152 = tpu.memref_slice %arg3[%add3A, %mul3A_147, %dma_wait3A_151] : memref<32x80x128xi32, #tpu.memory_space<hbm>> -> memref<1x8x128xi32, #tpu.memory_space<hbm>>
      %dma_wait3A_153 = tpu.memref_squeeze %dma_wait3A_152 : memref<1x8x128xi32, #tpu.memory_space<hbm>> -> memref<8x128xi32, #tpu.memory_space<hbm>>
      tpu.wait_dma2 semaphore(%arg15 : memref<!tpu.dma_semaphore, #tpu.memory_space<semaphore_mem>>) src(%dma_wait3A_153 : memref<8x128xi32, #tpu.memory_space<hbm>>) dst(%arg9 : memref<8x128xi32, #tpu.memory_space<vmem>>)
      %dma_wait3A_154 = arith.constant 0 : i32
      %dma_wait3A_155 = tpu.memref_slice %arg4[%add3A, %mul3A_147, %dma_wait3A_154] : memref<32x80x128xi32, #tpu.memory_space<hbm>> -> memref<1x8x128xi32, #tpu.memory_space<hbm>>
      %dma_wait3A_156 = tpu.memref_squeeze %dma_wait3A_155 : memref<1x8x128xi32, #tpu.memory_space<hbm>> -> memref<8x128xi32, #tpu.memory_space<hbm>>
      %dma_wait3A_157 = arith.constant 0 : i32
      %dma_wait3A_158 = tpu.memref_slice %arg4[%add3A, %mul3A_147, %dma_wait3A_157] : memref<32x80x128xi32, #tpu.memory_space<hbm>> -> memref<1x8x128xi32, #tpu.memory_space<hbm>>
      %dma_wait3A_159 = tpu.memref_squeeze %dma_wait3A_158 : memref<1x8x128xi32, #tpu.memory_space<hbm>> -> memref<8x128xi32, #tpu.memory_space<hbm>>
      tpu.wait_dma2 semaphore(%arg15 : memref<!tpu.dma_semaphore, #tpu.memory_space<semaphore_mem>>) src(%dma_wait3A_159 : memref<8x128xi32, #tpu.memory_space<hbm>>) dst(%arg11 : memref<8x128xi32, #tpu.memory_space<vmem>>)
      %add3A_160 = arith.constant 1 : i32
      %add3A_161 = arith.addi %add3A_145, %add3A_160 : i32
      %lt3A_162 = arith.constant 10 : i32
      %lt3A_163 = arith.cmpi slt, %add3A_161, %lt3A_162 : i32
      %convert_element_type3A_164 = arith.extui %lt3A_163 : i1 to i32
      %cond3A_165 = arith.constant 0 : i32
      %cond3A_166 = arith.cmpi ne, %convert_element_type3A_164, %cond3A_165 : i32
      scf.if %cond3A_166 {
        %add3A_195 = arith.constant 1 : i32
        %add3A_196 = arith.addi %add3A_145, %add3A_195 : i32
        %mul3A_197 = arith.constant 8 : i32
        %mul3A_198 = arith.muli %add3A_196, %mul3A_197 : i32
        %dma_start3A_199 = arith.constant 0 : i32
        %dma_start3A_200 = tpu.memref_slice %arg3[%add3A, %mul3A_198, %dma_start3A_199] : memref<32x80x128xi32, #tpu.memory_space<hbm>> -> memref<1x8x128xi32, #tpu.memory_space<hbm>>
        %dma_start3A_201 = tpu.memref_squeeze %dma_start3A_200 : memref<1x8x128xi32, #tpu.memory_space<hbm>> -> memref<8x128xi32, #tpu.memory_space<hbm>>
        %dma_start3A_202 = arith.constant 0 : i32
        %dma_start3A_203 = tpu.memref_slice %arg3[%add3A, %mul3A_198, %dma_start3A_202] : memref<32x80x128xi32, #tpu.memory_space<hbm>> -> memref<1x8x128xi32, #tpu.memory_space<hbm>>
        %dma_start3A_204 = tpu.memref_squeeze %dma_start3A_203 : memref<1x8x128xi32, #tpu.memory_space<hbm>> -> memref<8x128xi32, #tpu.memory_space<hbm>>
        tpu.enqueue_dma source(%dma_start3A_204 : memref<8x128xi32, #tpu.memory_space<hbm>>) target(%arg8 : memref<8x128xi32, #tpu.memory_space<vmem>>) target_semaphore(%arg14 : memref<!tpu.dma_semaphore, #tpu.memory_space<semaphore_mem>>)
        %dma_start3A_205 = arith.constant 0 : i32
        %dma_start3A_206 = tpu.memref_slice %arg4[%add3A, %mul3A_198, %dma_start3A_205] : memref<32x80x128xi32, #tpu.memory_space<hbm>> -> memref<1x8x128xi32, #tpu.memory_space<hbm>>
        %dma_start3A_207 = tpu.memref_squeeze %dma_start3A_206 : memref<1x8x128xi32, #tpu.memory_space<hbm>> -> memref<8x128xi32, #tpu.memory_space<hbm>>
        %dma_start3A_208 = arith.constant 0 : i32
        %dma_start3A_209 = tpu.memref_slice %arg4[%add3A, %mul3A_198, %dma_start3A_208] : memref<32x80x128xi32, #tpu.memory_space<hbm>> -> memref<1x8x128xi32, #tpu.memory_space<hbm>>
        %dma_start3A_210 = tpu.memref_squeeze %dma_start3A_209 : memref<1x8x128xi32, #tpu.memory_space<hbm>> -> memref<8x128xi32, #tpu.memory_space<hbm>>
        tpu.enqueue_dma source(%dma_start3A_210 : memref<8x128xi32, #tpu.memory_space<hbm>>) target(%arg10 : memref<8x128xi32, #tpu.memory_space<vmem>>) target_semaphore(%arg14 : memref<!tpu.dma_semaphore, #tpu.memory_space<semaphore_mem>>)
      } else {
      }
      %dma_start3A_167 = arith.constant 0 : i32
      %dma_start3A_168 = arith.constant 0 : i32
      %dma_start3A_169 = tpu.memref_slice %arg9[%dma_start3A_167, %dma_start3A_168] : memref<8x128xi32, #tpu.memory_space<vmem>> -> memref<1x128xi32, #tpu.memory_space<vmem>>
      %dma_start3A_170 = tpu.memref_squeeze %dma_start3A_169 : memref<1x128xi32, #tpu.memory_space<vmem>> -> memref<128xi32, #tpu.memory_space<vmem>>
      %dma_start3A_171 = arith.constant 0 : i32
      %dma_start3A_172 = arith.constant 0 : i32
      %dma_start3A_173 = tpu.memref_slice %arg2[%dma_start3A_171, %dma_start3A_172] : memref<10240x128xf32, #tpu.memory_space<hbm>> -> memref<10240x128xf32, #tpu.memory_space<hbm>>
      tpu.enqueue_indirect_dma source(%dma_start3A_173 : memref<10240x128xf32, #tpu.memory_space<hbm>>) target(%arg12 : memref<128x128xf32, #tpu.memory_space<vmem>>) offsets(%dma_start3A_170 : memref<128xi32, #tpu.memory_space<vmem>>) semaphore(%arg16 : memref<!tpu.dma_semaphore, #tpu.memory_space<semaphore_mem>>)
      %dma_start3A_174 = arith.constant 1 : i32
      %dma_start3A_175 = arith.constant 0 : i32
      %dma_start3A_176 = tpu.memref_slice %arg9[%dma_start3A_174, %dma_start3A_175] : memref<8x128xi32, #tpu.memory_space<vmem>> -> memref<1x128xi32, #tpu.memory_space<vmem>>
      %dma_start3A_177 = tpu.memref_squeeze %dma_start3A_176 : memref<1x128xi32, #tpu.memory_space<vmem>> -> memref<128xi32, #tpu.memory_space<vmem>>
      %dma_start3A_178 = arith.constant 0 : i32
      %dma_start3A_179 = arith.constant 0 : i32
      %dma_start3A_180 = tpu.memref_slice %arg2[%dma_start3A_178, %dma_start3A_179] : memref<10240x128xf32, #tpu.memory_space<hbm>> -> memref<10240x128xf32, #tpu.memory_space<hbm>>
      tpu.enqueue_indirect_dma source(%dma_start3A_180 : memref<10240x128xf32, #tpu.memory_space<hbm>>) target(%arg13 : memref<128x128xf32, #tpu.memory_space<vmem>>) offsets(%dma_start3A_177 : memref<128xi32, #tpu.memory_space<vmem>>) semaphore(%arg17 : memref<!tpu.dma_semaphore, #tpu.memory_space<semaphore_mem>>)
      %scan3A_181 = arith.constant 0 : i32
      %scan3A_182 = arith.constant 0 : i32
      %scan3A_183 = arith.constant 64 : i32
      %scan3A_184 = arith.addi %scan3A_182, %scan3A_183 : i32
      %scan3A_185 = arith.constant 1 : i32
      scf.for %scan3A_195 = %scan3A_182 to %scan3A_184 step %scan3A_185  : i32 {
        %jit3A = arith.constant 8 : i32
        %div3A = arith.divsi %scan3A_195, %jit3A : i32
        %sign3A = arith.constant 0 : i32
        %sign3A_196 = arith.cmpi sgt, %scan3A_195, %sign3A : i32
        %sign3A_197 = arith.extui %sign3A_196 : i1 to i32
        %sign3A_198 = arith.constant 0 : i32
        %sign3A_199 = arith.cmpi slt, %scan3A_195, %sign3A_198 : i32
        %sign3A_200 = arith.extui %sign3A_199 : i1 to i32
        %sign3A_201 = arith.subi %sign3A_197, %sign3A_200 : i32
        %sign3A_202 = arith.constant 0 : i32
        %sign3A_203 = arith.cmpi sgt, %jit3A, %sign3A_202 : i32
        %sign3A_204 = arith.extui %sign3A_203 : i1 to i32
        %sign3A_205 = arith.constant 0 : i32
        %sign3A_206 = arith.cmpi slt, %jit3A, %sign3A_205 : i32
        %sign3A_207 = arith.extui %sign3A_206 : i1 to i32
        %sign3A_208 = arith.subi %sign3A_204, %sign3A_207 : i32
        %ne3A = arith.cmpi ne, %sign3A_201, %sign3A_208 : i32
        %rem3A = arith.remsi %scan3A_195, %jit3A : i32
        %ne3A_209 = arith.constant 0 : i32
        %ne3A_210 = arith.cmpi ne, %rem3A, %ne3A_209 : i32
        %and3A = arith.andi %ne3A, %ne3A_210 : i1
        %sub3A = arith.constant 1 : i32
        %sub3A_211 = arith.subi %div3A, %sub3A : i32
        %select_n3A = arith.select %and3A, %sub3A_211, %div3A : i32
        %jit3A_212 = arith.constant 8 : i32
        %eq3A = arith.constant 0 : i32
        %eq3A_213 = arith.cmpi eq, %jit3A_212, %eq3A : i32
        %jit3A_214 = arith.constant 1 : i32
        %select_n3A_215 = arith.select %eq3A_213, %jit3A_214, %jit3A_212 : i32
        %rem3A_216 = arith.remsi %scan3A_195, %select_n3A_215 : i32
        %ne3A_217 = arith.constant 0 : i32
        %ne3A_218 = arith.cmpi ne, %rem3A_216, %ne3A_217 : i32
        %lt3A_219 = arith.constant 0 : i32
        %lt3A_220 = arith.cmpi slt, %rem3A_216, %lt3A_219 : i32
        %lt3A_221 = arith.constant 0 : i32
        %lt3A_222 = arith.cmpi slt, %select_n3A_215, %lt3A_221 : i32
        %ne3A_223 = arith.xori %lt3A_220, %lt3A_222 : i1
        %and3A_224 = arith.andi %ne3A_223, %ne3A_218 : i1
        %add3A_225 = arith.addi %rem3A_216, %select_n3A_215 : i32
        %select_n3A_226 = arith.select %and3A_224, %add3A_225, %rem3A_216 : i32
        %mul3A_227 = arith.constant 16 : i32
        %mul3A_228 = arith.muli %select_n3A_226, %mul3A_227 : i32
        %get3A = arith.index_cast %select_n3A : i32 to index
        %get3A_229 = arith.index_cast %mul3A_228 : i32 to index
        %get3A_230 = tpu.vector_load %arg11[%get3A, %get3A_229] {strides = array<i32>} : memref<8x128xi32, #tpu.memory_space<vmem>>, vector<16xi32>,
        %shift_right_logical3A = arith.constant 7 : i32
        %shift_right_logical3A_231 = vector.broadcast %shift_right_logical3A : i32 to vector<16xi32>
        %shift_right_logical3A_232 = arith.shrui %get3A_230, %shift_right_logical3A_231 : vector<16xi32>
        %and3A_233 = arith.constant 127 : i32
        %and3A_234 = vector.broadcast %and3A_233 : i32 to vector<16xi32>
        %and3A_235 = arith.andi %get3A_230, %and3A_234 : vector<16xi32>
        %broadcast_in_dim3A = arith.constant 1.000000e+00 : f32
        %broadcast_in_dim3A_236 = vector.broadcast %broadcast_in_dim3A : f32 to vector<16xf32>
        tpu.vector_store_idx %arg20[%shift_right_logical3A_232, %and3A_235], %broadcast_in_dim3A_236 {add = true} : memref<80x128xf32, #tpu.memory_space<vmem>>[vector<16xi32>, vector<16xi32>], vector<16xf32>,
      }
      %scan3A_186 = arith.constant 64 : i32
      %scan3A_187 = arith.constant 0 : i32
      %scan3A_188 = arith.constant 0 : i32
      %scan3A_189 = arith.constant 1 : i32
      %scan3A_190 = arith.constant 0 : i32
      %scan3A_191 = arith.constant 4 : i32
      %scan3A_192 = arith.addi %scan3A_190, %scan3A_191 : i32
      %scan3A_193 = arith.constant 1 : i32
      scf.for %scan3A_195 = %scan3A_190 to %scan3A_192 step %scan3A_193  : i32 {
        %mul3A_196 = arith.constant 2 : i32
        %mul3A_197 = arith.muli %scan3A_195, %mul3A_196 : i32
        %dma_wait3A_198 = arith.constant 0 : i32
        %dma_wait3A_199 = tpu.memref_slice %arg9[%scan3A_188, %dma_wait3A_198] : memref<8x128xi32, #tpu.memory_space<vmem>> -> memref<1x128xi32, #tpu.memory_space<vmem>>
        %dma_wait3A_200 = tpu.memref_squeeze %dma_wait3A_199 : memref<1x128xi32, #tpu.memory_space<vmem>> -> memref<128xi32, #tpu.memory_space<vmem>>
        %dma_wait3A_201 = arith.constant 0 : i32
        %dma_wait3A_202 = arith.constant 0 : i32
        %dma_wait3A_203 = tpu.memref_slice %arg2[%dma_wait3A_201, %dma_wait3A_202] : memref<10240x128xf32, #tpu.memory_space<hbm>> -> memref<10240x128xf32, #tpu.memory_space<hbm>>
        tpu.wait_indirect_dma semaphore(%arg16 : memref<!tpu.dma_semaphore, #tpu.memory_space<semaphore_mem>>) src(%dma_wait3A_203 : memref<10240x128xf32, #tpu.memory_space<hbm>>) dst(%arg12 : memref<128x128xf32, #tpu.memory_space<vmem>>)
        %add3A_204 = arith.constant 0 : i32
        %add3A_205 = arith.addi %mul3A_197, %add3A_204 : i32
        %dma_start3A_206 = arith.constant 0 : i32
        %dma_start3A_207 = tpu.memref_slice %arg11[%add3A_205, %dma_start3A_206] : memref<8x128xi32, #tpu.memory_space<vmem>> -> memref<1x128xi32, #tpu.memory_space<vmem>>
        %dma_start3A_208 = tpu.memref_squeeze %dma_start3A_207 : memref<1x128xi32, #tpu.memory_space<vmem>> -> memref<128xi32, #tpu.memory_space<vmem>>
        %dma_start3A_209 = arith.constant 0 : i32
        %dma_start3A_210 = arith.constant 0 : i32
        %dma_start3A_211 = tpu.memref_slice %arg22[%dma_start3A_209, %dma_start3A_210] : memref<10240x128xf32, #tpu.memory_space<vmem_shared>> -> memref<10240x128xf32, #tpu.memory_space<vmem_shared>>
        tpu.enqueue_indirect_dma source(%arg12 : memref<128x128xf32, #tpu.memory_space<vmem>>) target(%dma_start3A_211 : memref<10240x128xf32, #tpu.memory_space<vmem_shared>>) offsets(%dma_start3A_208 : memref<128xi32, #tpu.memory_space<vmem>>) semaphore(%arg18 : memref<!tpu.dma_semaphore, #tpu.memory_space<semaphore_mem>>) {add = true}
        %dma_wait3A_212 = arith.constant 0 : i32
        %dma_wait3A_213 = tpu.memref_slice %arg9[%scan3A_189, %dma_wait3A_212] : memref<8x128xi32, #tpu.memory_space<vmem>> -> memref<1x128xi32, #tpu.memory_space<vmem>>
        %dma_wait3A_214 = tpu.memref_squeeze %dma_wait3A_213 : memref<1x128xi32, #tpu.memory_space<vmem>> -> memref<128xi32, #tpu.memory_space<vmem>>
        %dma_wait3A_215 = arith.constant 0 : i32
        %dma_wait3A_216 = arith.constant 0 : i32
        %dma_wait3A_217 = tpu.memref_slice %arg2[%dma_wait3A_215, %dma_wait3A_216] : memref<10240x128xf32, #tpu.memory_space<hbm>> -> memref<10240x128xf32, #tpu.memory_space<hbm>>
        tpu.wait_indirect_dma semaphore(%arg17 : memref<!tpu.dma_semaphore, #tpu.memory_space<semaphore_mem>>) src(%dma_wait3A_217 : memref<10240x128xf32, #tpu.memory_space<hbm>>) dst(%arg13 : memref<128x128xf32, #tpu.memory_space<vmem>>)
        %add3A_218 = arith.constant 1 : i32
        %add3A_219 = arith.addi %mul3A_197, %add3A_218 : i32
        %dma_start3A_220 = arith.constant 0 : i32
        %dma_start3A_221 = tpu.memref_slice %arg11[%add3A_219, %dma_start3A_220] : memref<8x128xi32, #tpu.memory_space<vmem>> -> memref<1x128xi32, #tpu.memory_space<vmem>>
        %dma_start3A_222 = tpu.memref_squeeze %dma_start3A_221 : memref<1x128xi32, #tpu.memory_space<vmem>> -> memref<128xi32, #tpu.memory_space<vmem>>
        %dma_start3A_223 = arith.constant 0 : i32
        %dma_start3A_224 = arith.constant 0 : i32
        %dma_start3A_225 = tpu.memref_slice %arg22[%dma_start3A_223, %dma_start3A_224] : memref<10240x128xf32, #tpu.memory_space<vmem_shared>> -> memref<10240x128xf32, #tpu.memory_space<vmem_shared>>
        tpu.enqueue_indirect_dma source(%arg13 : memref<128x128xf32, #tpu.memory_space<vmem>>) target(%dma_start3A_225 : memref<10240x128xf32, #tpu.memory_space<vmem_shared>>) offsets(%dma_start3A_222 : memref<128xi32, #tpu.memory_space<vmem>>) semaphore(%arg19 : memref<!tpu.dma_semaphore, #tpu.memory_space<semaphore_mem>>) {add = true}
        %add3A_226 = arith.constant 1 : i32
        %add3A_227 = arith.addi %scan3A_195, %add3A_226 : i32
        %lt3A_228 = arith.constant 4 : i32
        %lt3A_229 = arith.cmpi slt, %add3A_227, %lt3A_228 : i32
        %convert_element_type3A_230 = arith.extui %lt3A_229 : i1 to i32
        %cond3A_231 = arith.constant 0 : i32
        %cond3A_232 = arith.cmpi ne, %convert_element_type3A_230, %cond3A_231 : i32
        scf.if %cond3A_232 {
          %dma_wait3A_239 = arith.constant 0 : i32
          %dma_wait3A_240 = tpu.memref_slice %arg11[%add3A_205, %dma_wait3A_239] : memref<8x128xi32, #tpu.memory_space<vmem>> -> memref<1x128xi32, #tpu.memory_space<vmem>>
          %dma_wait3A_241 = tpu.memref_squeeze %dma_wait3A_240 : memref<1x128xi32, #tpu.memory_space<vmem>> -> memref<128xi32, #tpu.memory_space<vmem>>
          %dma_wait3A_242 = arith.constant 0 : i32
          %dma_wait3A_243 = arith.constant 0 : i32
          %dma_wait3A_244 = tpu.memref_slice %arg22[%dma_wait3A_242, %dma_wait3A_243] : memref<10240x128xf32, #tpu.memory_space<vmem_shared>> -> memref<10240x128xf32, #tpu.memory_space<vmem_shared>>
          tpu.wait_indirect_dma semaphore(%arg18 : memref<!tpu.dma_semaphore, #tpu.memory_space<semaphore_mem>>) src(%arg12 : memref<128x128xf32, #tpu.memory_space<vmem>>) dst(%dma_wait3A_244 : memref<10240x128xf32, #tpu.memory_space<vmem_shared>>)
          %add3A_245 = arith.constant 2 : i32
          %add3A_246 = arith.addi %mul3A_197, %add3A_245 : i32
          %add3A_247 = arith.constant 0 : i32
          %add3A_248 = arith.addi %add3A_246, %add3A_247 : i32
          %dma_start3A_249 = arith.constant 0 : i32
          %dma_start3A_250 = tpu.memref_slice %arg9[%add3A_248, %dma_start3A_249] : memref<8x128xi32, #tpu.memory_space<vmem>> -> memref<1x128xi32, #tpu.memory_space<vmem>>
          %dma_start3A_251 = tpu.memref_squeeze %dma_start3A_250 : memref<1x128xi32, #tpu.memory_space<vmem>> -> memref<128xi32, #tpu.memory_space<vmem>>
          %dma_start3A_252 = arith.constant 0 : i32
          %dma_start3A_253 = arith.constant 0 : i32
          %dma_start3A_254 = tpu.memref_slice %arg2[%dma_start3A_252, %dma_start3A_253] : memref<10240x128xf32, #tpu.memory_space<hbm>> -> memref<10240x128xf32, #tpu.memory_space<hbm>>
          tpu.enqueue_indirect_dma source(%dma_start3A_254 : memref<10240x128xf32, #tpu.memory_space<hbm>>) target(%arg12 : memref<128x128xf32, #tpu.memory_space<vmem>>) offsets(%dma_start3A_251 : memref<128xi32, #tpu.memory_space<vmem>>) semaphore(%arg16 : memref<!tpu.dma_semaphore, #tpu.memory_space<semaphore_mem>>)
          %dma_wait3A_255 = arith.constant 0 : i32
          %dma_wait3A_256 = tpu.memref_slice %arg11[%add3A_219, %dma_wait3A_255] : memref<8x128xi32, #tpu.memory_space<vmem>> -> memref<1x128xi32, #tpu.memory_space<vmem>>
          %dma_wait3A_257 = tpu.memref_squeeze %dma_wait3A_256 : memref<1x128xi32, #tpu.memory_space<vmem>> -> memref<128xi32, #tpu.memory_space<vmem>>
          %dma_wait3A_258 = arith.constant 0 : i32
          %dma_wait3A_259 = arith.constant 0 : i32
          %dma_wait3A_260 = tpu.memref_slice %arg22[%dma_wait3A_258, %dma_wait3A_259] : memref<10240x128xf32, #tpu.memory_space<vmem_shared>> -> memref<10240x128xf32, #tpu.memory_space<vmem_shared>>
          tpu.wait_indirect_dma semaphore(%arg19 : memref<!tpu.dma_semaphore, #tpu.memory_space<semaphore_mem>>) src(%arg13 : memref<128x128xf32, #tpu.memory_space<vmem>>) dst(%dma_wait3A_260 : memref<10240x128xf32, #tpu.memory_space<vmem_shared>>)
          %add3A_261 = arith.constant 2 : i32
          %add3A_262 = arith.addi %mul3A_197, %add3A_261 : i32
          %add3A_263 = arith.constant 1 : i32
          %add3A_264 = arith.addi %add3A_262, %add3A_263 : i32
          %dma_start3A_265 = arith.constant 0 : i32
          %dma_start3A_266 = tpu.memref_slice %arg9[%add3A_264, %dma_start3A_265] : memref<8x128xi32, #tpu.memory_space<vmem>> -> memref<1x128xi32, #tpu.memory_space<vmem>>
          %dma_start3A_267 = tpu.memref_squeeze %dma_start3A_266 : memref<1x128xi32, #tpu.memory_space<vmem>> -> memref<128xi32, #tpu.memory_space<vmem>>
          %dma_start3A_268 = arith.constant 0 : i32
          %dma_start3A_269 = arith.constant 0 : i32
          %dma_start3A_270 = tpu.memref_slice %arg2[%dma_start3A_268, %dma_start3A_269] : memref<10240x128xf32, #tpu.memory_space<hbm>> -> memref<10240x128xf32, #tpu.memory_space<hbm>>
          tpu.enqueue_indirect_dma source(%dma_start3A_270 : memref<10240x128xf32, #tpu.memory_space<hbm>>) target(%arg13 : memref<128x128xf32, #tpu.memory_space<vmem>>) offsets(%dma_start3A_267 : memref<128xi32, #tpu.memory_space<vmem>>) semaphore(%arg17 : memref<!tpu.dma_semaphore, #tpu.memory_space<semaphore_mem>>)
        } else {
        }
        %add3A_233 = arith.constant 1 : i32
        %add3A_234 = arith.addi %scan3A_195, %add3A_233 : i32
        %ge3A = arith.constant 4 : i32
        %ge3A_235 = arith.cmpi sge, %add3A_234, %ge3A : i32
        %convert_element_type3A_236 = arith.extui %ge3A_235 : i1 to i32
        %cond3A_237 = arith.constant 0 : i32
        %cond3A_238 = arith.cmpi ne, %convert_element_type3A_236, %cond3A_237 : i32
        scf.if %cond3A_238 {
          %dma_wait3A_239 = arith.constant 0 : i32
          %dma_wait3A_240 = tpu.memref_slice %arg11[%add3A_205, %dma_wait3A_239] : memref<8x128xi32, #tpu.memory_space<vmem>> -> memref<1x128xi32, #tpu.memory_space<vmem>>
          %dma_wait3A_241 = tpu.memref_squeeze %dma_wait3A_240 : memref<1x128xi32, #tpu.memory_space<vmem>> -> memref<128xi32, #tpu.memory_space<vmem>>
          %dma_wait3A_242 = arith.constant 0 : i32
          %dma_wait3A_243 = arith.constant 0 : i32
          %dma_wait3A_244 = tpu.memref_slice %arg22[%dma_wait3A_242, %dma_wait3A_243] : memref<10240x128xf32, #tpu.memory_space<vmem_shared>> -> memref<10240x128xf32, #tpu.memory_space<vmem_shared>>
          tpu.wait_indirect_dma semaphore(%arg18 : memref<!tpu.dma_semaphore, #tpu.memory_space<semaphore_mem>>) src(%arg12 : memref<128x128xf32, #tpu.memory_space<vmem>>) dst(%dma_wait3A_244 : memref<10240x128xf32, #tpu.memory_space<vmem_shared>>)
          %dma_wait3A_245 = arith.constant 0 : i32
          %dma_wait3A_246 = tpu.memref_slice %arg11[%add3A_219, %dma_wait3A_245] : memref<8x128xi32, #tpu.memory_space<vmem>> -> memref<1x128xi32, #tpu.memory_space<vmem>>
          %dma_wait3A_247 = tpu.memref_squeeze %dma_wait3A_246 : memref<1x128xi32, #tpu.memory_space<vmem>> -> memref<128xi32, #tpu.memory_space<vmem>>
          %dma_wait3A_248 = arith.constant 0 : i32
          %dma_wait3A_249 = arith.constant 0 : i32
          %dma_wait3A_250 = tpu.memref_slice %arg22[%dma_wait3A_248, %dma_wait3A_249] : memref<10240x128xf32, #tpu.memory_space<vmem_shared>> -> memref<10240x128xf32, #tpu.memory_space<vmem_shared>>
          tpu.wait_indirect_dma semaphore(%arg19 : memref<!tpu.dma_semaphore, #tpu.memory_space<semaphore_mem>>) src(%arg13 : memref<128x128xf32, #tpu.memory_space<vmem>>) dst(%dma_wait3A_250 : memref<10240x128xf32, #tpu.memory_space<vmem_shared>>)
        } else {
        }
      }
      %scan3A_194 = arith.constant 4 : i32
    }
    %scan3A_62 = arith.constant 5 : i32
    "tpu.region"() ({
      %run_scoped3A = tpu.sem_alloc : memref<!tpu.dma_semaphore, #tpu.memory_space<semaphore_mem>>
      %dma_start3A_89 = arith.constant 0 : i32
      %dma_start3A_90 = arith.constant 0 : i32
      %dma_start3A_91 = tpu.memref_slice %arg23[%dma_start3A_89, %dma_start3A_90] : memref<80x128xf32, #tpu.memory_space<vmem_shared>> -> memref<80x128xf32, #tpu.memory_space<vmem_shared>>
      tpu.enqueue_indirect_dma source(%arg20 : memref<80x128xf32, #tpu.memory_space<vmem>>) target(%dma_start3A_91 : memref<80x128xf32, #tpu.memory_space<vmem_shared>>) offsets(%arg21 : memref<80xi32, #tpu.memory_space<vmem>>) semaphore(%run_scoped3A : memref<!tpu.dma_semaphore, #tpu.memory_space<semaphore_mem>>) {add = true}
      %dma_wait3A = arith.constant 0 : i32
      %dma_wait3A_92 = arith.constant 0 : i32
      %dma_wait3A_93 = tpu.memref_slice %arg23[%dma_wait3A, %dma_wait3A_92] : memref<80x128xf32, #tpu.memory_space<vmem_shared>> -> memref<80x128xf32, #tpu.memory_space<vmem_shared>>
      tpu.wait_indirect_dma semaphore(%run_scoped3A : memref<!tpu.dma_semaphore, #tpu.memory_space<semaphore_mem>>) src(%arg20 : memref<80x128xf32, #tpu.memory_space<vmem>>) dst(%dma_wait3A_93 : memref<80x128xf32, #tpu.memory_space<vmem_shared>>)
      tpu.yield
    }) : () -> ()
    %barrier3A_63 = arith.constant 0 : index
    tpu.barrier barrier_id(%barrier3A_63)
    %add3A_64 = arith.constant 0 : i32
    %add3A_65 = arith.addi %mul3A_2, %add3A_64 : i32
    "tpu.region"() ({
      %run_scoped3A = tpu.sem_alloc : memref<!tpu.dma_semaphore, #tpu.memory_space<semaphore_mem>>
      %dma_start3A_89 = arith.constant 0 : i32
      %dma_start3A_90 = tpu.memref_slice %arg22[%add3A_65, %dma_start3A_89] : memref<10240x128xf32, #tpu.memory_space<vmem_shared>> -> memref<128x128xf32, #tpu.memory_space<vmem_shared>>
      %dma_start3A_91 = arith.constant 0 : i32
      %dma_start3A_92 = tpu.memref_slice %arg22[%add3A_65, %dma_start3A_91] : memref<10240x128xf32, #tpu.memory_space<vmem_shared>> -> memref<128x128xf32, #tpu.memory_space<vmem_shared>>
      tpu.enqueue_dma source(%dma_start3A_92 : memref<128x128xf32, #tpu.memory_space<vmem_shared>>) target(%arg12 : memref<128x128xf32, #tpu.memory_space<vmem>>) target_semaphore(%run_scoped3A : memref<!tpu.dma_semaphore, #tpu.memory_space<semaphore_mem>>)
      %dma_wait3A = arith.constant 0 : i32
      %dma_wait3A_93 = tpu.memref_slice %arg22[%add3A_65, %dma_wait3A] : memref<10240x128xf32, #tpu.memory_space<vmem_shared>> -> memref<128x128xf32, #tpu.memory_space<vmem_shared>>
      %dma_wait3A_94 = arith.constant 0 : i32
      %dma_wait3A_95 = tpu.memref_slice %arg22[%add3A_65, %dma_wait3A_94] : memref<10240x128xf32, #tpu.memory_space<vmem_shared>> -> memref<128x128xf32, #tpu.memory_space<vmem_shared>>
      tpu.wait_dma2 semaphore(%run_scoped3A : memref<!tpu.dma_semaphore, #tpu.memory_space<semaphore_mem>>) src(%dma_wait3A_95 : memref<128x128xf32, #tpu.memory_space<vmem_shared>>) dst(%arg12 : memref<128x128xf32, #tpu.memory_space<vmem>>)
      tpu.yield
    }) : () -> ()
    %add3A_66 = arith.constant 0 : i32
    %add3A_67 = arith.addi %mul3A_2, %add3A_66 : i32
    "tpu.region"() ({
      %run_scoped3A = tpu.sem_alloc : memref<!tpu.dma_semaphore, #tpu.memory_space<semaphore_mem>>
      %dma_start3A_89 = arith.constant 0 : i32
      %dma_start3A_90 = tpu.memref_slice %arg6[%arg0, %add3A_67, %dma_start3A_89] : memref<2x10240x128xf32, #tpu.memory_space<hbm>> -> memref<1x128x128xf32, #tpu.memory_space<hbm>>
      %dma_start3A_91 = tpu.memref_squeeze %dma_start3A_90 : memref<1x128x128xf32, #tpu.memory_space<hbm>> -> memref<128x128xf32, #tpu.memory_space<hbm>>
      %dma_start3A_92 = arith.constant 0 : i32
      %dma_start3A_93 = tpu.memref_slice %arg6[%arg0, %add3A_67, %dma_start3A_92] : memref<2x10240x128xf32, #tpu.memory_space<hbm>> -> memref<1x128x128xf32, #tpu.memory_space<hbm>>
      %dma_start3A_94 = tpu.memref_squeeze %dma_start3A_93 : memref<1x128x128xf32, #tpu.memory_space<hbm>> -> memref<128x128xf32, #tpu.memory_space<hbm>>
      tpu.enqueue_dma source(%arg12 : memref<128x128xf32, #tpu.memory_space<vmem>>) target(%dma_start3A_94 : memref<128x128xf32, #tpu.memory_space<hbm>>) target_semaphore(%run_scoped3A : memref<!tpu.dma_semaphore, #tpu.memory_space<semaphore_mem>>)
      %dma_wait3A = arith.constant 0 : i32
      %dma_wait3A_95 = tpu.memref_slice %arg6[%arg0, %add3A_67, %dma_wait3A] : memref<2x10240x128xf32, #tpu.memory_space<hbm>> -> memref<1x128x128xf32, #tpu.memory_space<hbm>>
      %dma_wait3A_96 = tpu.memref_squeeze %dma_wait3A_95 : memref<1x128x128xf32, #tpu.memory_space<hbm>> -> memref<128x128xf32, #tpu.memory_space<hbm>>
      %dma_wait3A_97 = arith.constant 0 : i32
      %dma_wait3A_98 = tpu.memref_slice %arg6[%arg0, %add3A_67, %dma_wait3A_97] : memref<2x10240x128xf32, #tpu.memory_space<hbm>> -> memref<1x128x128xf32, #tpu.memory_space<hbm>>
      %dma_wait3A_99 = tpu.memref_squeeze %dma_wait3A_98 : memref<1x128x128xf32, #tpu.memory_space<hbm>> -> memref<128x128xf32, #tpu.memory_space<hbm>>
      tpu.wait_dma2 semaphore(%run_scoped3A : memref<!tpu.dma_semaphore, #tpu.memory_space<semaphore_mem>>) src(%arg12 : memref<128x128xf32, #tpu.memory_space<vmem>>) dst(%dma_wait3A_99 : memref<128x128xf32, #tpu.memory_space<hbm>>)
      tpu.yield
    }) : () -> ()
    %add3A_68 = arith.constant 128 : i32
    %add3A_69 = arith.addi %mul3A_2, %add3A_68 : i32
    "tpu.region"() ({
      %run_scoped3A = tpu.sem_alloc : memref<!tpu.dma_semaphore, #tpu.memory_space<semaphore_mem>>
      %dma_start3A_89 = arith.constant 0 : i32
      %dma_start3A_90 = tpu.memref_slice %arg22[%add3A_69, %dma_start3A_89] : memref<10240x128xf32, #tpu.memory_space<vmem_shared>> -> memref<128x128xf32, #tpu.memory_space<vmem_shared>>
      %dma_start3A_91 = arith.constant 0 : i32
      %dma_start3A_92 = tpu.memref_slice %arg22[%add3A_69, %dma_start3A_91] : memref<10240x128xf32, #tpu.memory_space<vmem_shared>> -> memref<128x128xf32, #tpu.memory_space<vmem_shared>>
      tpu.enqueue_dma source(%dma_start3A_92 : memref<128x128xf32, #tpu.memory_space<vmem_shared>>) target(%arg13 : memref<128x128xf32, #tpu.memory_space<vmem>>) target_semaphore(%run_scoped3A : memref<!tpu.dma_semaphore, #tpu.memory_space<semaphore_mem>>)
      %dma_wait3A = arith.constant 0 : i32
      %dma_wait3A_93 = tpu.memref_slice %arg22[%add3A_69, %dma_wait3A] : memref<10240x128xf32, #tpu.memory_space<vmem_shared>> -> memref<128x128xf32, #tpu.memory_space<vmem_shared>>
      %dma_wait3A_94 = arith.constant 0 : i32
      %dma_wait3A_95 = tpu.memref_slice %arg22[%add3A_69, %dma_wait3A_94] : memref<10240x128xf32, #tpu.memory_space<vmem_shared>> -> memref<128x128xf32, #tpu.memory_space<vmem_shared>>
      tpu.wait_dma2 semaphore(%run_scoped3A : memref<!tpu.dma_semaphore, #tpu.memory_space<semaphore_mem>>) src(%dma_wait3A_95 : memref<128x128xf32, #tpu.memory_space<vmem_shared>>) dst(%arg13 : memref<128x128xf32, #tpu.memory_space<vmem>>)
      tpu.yield
    }) : () -> ()
    %add3A_70 = arith.constant 128 : i32
    %add3A_71 = arith.addi %mul3A_2, %add3A_70 : i32
    "tpu.region"() ({
      %run_scoped3A = tpu.sem_alloc : memref<!tpu.dma_semaphore, #tpu.memory_space<semaphore_mem>>
      %dma_start3A_89 = arith.constant 0 : i32
      %dma_start3A_90 = tpu.memref_slice %arg6[%arg0, %add3A_71, %dma_start3A_89] : memref<2x10240x128xf32, #tpu.memory_space<hbm>> -> memref<1x128x128xf32, #tpu.memory_space<hbm>>
      %dma_start3A_91 = tpu.memref_squeeze %dma_start3A_90 : memref<1x128x128xf32, #tpu.memory_space<hbm>> -> memref<128x128xf32, #tpu.memory_space<hbm>>
      %dma_start3A_92 = arith.constant 0 : i32
      %dma_start3A_93 = tpu.memref_slice %arg6[%arg0, %add3A_71, %dma_start3A_92] : memref<2x10240x128xf32, #tpu.memory_space<hbm>> -> memref<1x128x128xf32, #tpu.memory_space<hbm>>
      %dma_start3A_94 = tpu.memref_squeeze %dma_start3A_93 : memref<1x128x128xf32, #tpu.memory_space<hbm>> -> memref<128x128xf32, #tpu.memory_space<hbm>>
      tpu.enqueue_dma source(%arg13 : memref<128x128xf32, #tpu.memory_space<vmem>>) target(%dma_start3A_94 : memref<128x128xf32, #tpu.memory_space<hbm>>) target_semaphore(%run_scoped3A : memref<!tpu.dma_semaphore, #tpu.memory_space<semaphore_mem>>)
      %dma_wait3A = arith.constant 0 : i32
      %dma_wait3A_95 = tpu.memref_slice %arg6[%arg0, %add3A_71, %dma_wait3A] : memref<2x10240x128xf32, #tpu.memory_space<hbm>> -> memref<1x128x128xf32, #tpu.memory_space<hbm>>
      %dma_wait3A_96 = tpu.memref_squeeze %dma_wait3A_95 : memref<1x128x128xf32, #tpu.memory_space<hbm>> -> memref<128x128xf32, #tpu.memory_space<hbm>>
      %dma_wait3A_97 = arith.constant 0 : i32
      %dma_wait3A_98 = tpu.memref_slice %arg6[%arg0, %add3A_71, %dma_wait3A_97] : memref<2x10240x128xf32, #tpu.memory_space<hbm>> -> memref<1x128x128xf32, #tpu.memory_space<hbm>>
      %dma_wait3A_99 = tpu.memref_squeeze %dma_wait3A_98 : memref<1x128x128xf32, #tpu.memory_space<hbm>> -> memref<128x128xf32, #tpu.memory_space<hbm>>
      tpu.wait_dma2 semaphore(%run_scoped3A : memref<!tpu.dma_semaphore, #tpu.memory_space<semaphore_mem>>) src(%arg13 : memref<128x128xf32, #tpu.memory_space<vmem>>) dst(%dma_wait3A_99 : memref<128x128xf32, #tpu.memory_space<hbm>>)
      tpu.yield
    }) : () -> ()
    %add3A_72 = arith.constant 256 : i32
    %add3A_73 = arith.addi %mul3A_2, %add3A_72 : i32
    "tpu.region"() ({
      %run_scoped3A = tpu.sem_alloc : memref<!tpu.dma_semaphore, #tpu.memory_space<semaphore_mem>>
      %dma_start3A_89 = arith.constant 0 : i32
      %dma_start3A_90 = tpu.memref_slice %arg22[%add3A_73, %dma_start3A_89] : memref<10240x128xf32, #tpu.memory_space<vmem_shared>> -> memref<128x128xf32, #tpu.memory_space<vmem_shared>>
      %dma_start3A_91 = arith.constant 0 : i32
      %dma_start3A_92 = tpu.memref_slice %arg22[%add3A_73, %dma_start3A_91] : memref<10240x128xf32, #tpu.memory_space<vmem_shared>> -> memref<128x128xf32, #tpu.memory_space<vmem_shared>>
      tpu.enqueue_dma source(%dma_start3A_92 : memref<128x128xf32, #tpu.memory_space<vmem_shared>>) target(%arg12 : memref<128x128xf32, #tpu.memory_space<vmem>>) target_semaphore(%run_scoped3A : memref<!tpu.dma_semaphore, #tpu.memory_space<semaphore_mem>>)
      %dma_wait3A = arith.constant 0 : i32
      %dma_wait3A_93 = tpu.memref_slice %arg22[%add3A_73, %dma_wait3A] : memref<10240x128xf32, #tpu.memory_space<vmem_shared>> -> memref<128x128xf32, #tpu.memory_space<vmem_shared>>
      %dma_wait3A_94 = arith.constant 0 : i32
      %dma_wait3A_95 = tpu.memref_slice %arg22[%add3A_73, %dma_wait3A_94] : memref<10240x128xf32, #tpu.memory_space<vmem_shared>> -> memref<128x128xf32, #tpu.memory_space<vmem_shared>>
      tpu.wait_dma2 semaphore(%run_scoped3A : memref<!tpu.dma_semaphore, #tpu.memory_space<semaphore_mem>>) src(%dma_wait3A_95 : memref<128x128xf32, #tpu.memory_space<vmem_shared>>) dst(%arg12 : memref<128x128xf32, #tpu.memory_space<vmem>>)
      tpu.yield
    }) : () -> ()
    %add3A_74 = arith.constant 256 : i32
    %add3A_75 = arith.addi %mul3A_2, %add3A_74 : i32
    "tpu.region"() ({
      %run_scoped3A = tpu.sem_alloc : memref<!tpu.dma_semaphore, #tpu.memory_space<semaphore_mem>>
      %dma_start3A_89 = arith.constant 0 : i32
      %dma_start3A_90 = tpu.memref_slice %arg6[%arg0, %add3A_75, %dma_start3A_89] : memref<2x10240x128xf32, #tpu.memory_space<hbm>> -> memref<1x128x128xf32, #tpu.memory_space<hbm>>
      %dma_start3A_91 = tpu.memref_squeeze %dma_start3A_90 : memref<1x128x128xf32, #tpu.memory_space<hbm>> -> memref<128x128xf32, #tpu.memory_space<hbm>>
      %dma_start3A_92 = arith.constant 0 : i32
      %dma_start3A_93 = tpu.memref_slice %arg6[%arg0, %add3A_75, %dma_start3A_92] : memref<2x10240x128xf32, #tpu.memory_space<hbm>> -> memref<1x128x128xf32, #tpu.memory_space<hbm>>
      %dma_start3A_94 = tpu.memref_squeeze %dma_start3A_93 : memref<1x128x128xf32, #tpu.memory_space<hbm>> -> memref<128x128xf32, #tpu.memory_space<hbm>>
      tpu.enqueue_dma source(%arg12 : memref<128x128xf32, #tpu.memory_space<vmem>>) target(%dma_start3A_94 : memref<128x128xf32, #tpu.memory_space<hbm>>) target_semaphore(%run_scoped3A : memref<!tpu.dma_semaphore, #tpu.memory_space<semaphore_mem>>)
      %dma_wait3A = arith.constant 0 : i32
      %dma_wait3A_95 = tpu.memref_slice %arg6[%arg0, %add3A_75, %dma_wait3A] : memref<2x10240x128xf32, #tpu.memory_space<hbm>> -> memref<1x128x128xf32, #tpu.memory_space<hbm>>
      %dma_wait3A_96 = tpu.memref_squeeze %dma_wait3A_95 : memref<1x128x128xf32, #tpu.memory_space<hbm>> -> memref<128x128xf32, #tpu.memory_space<hbm>>
      %dma_wait3A_97 = arith.constant 0 : i32
      %dma_wait3A_98 = tpu.memref_slice %arg6[%arg0, %add3A_75, %dma_wait3A_97] : memref<2x10240x128xf32, #tpu.memory_space<hbm>> -> memref<1x128x128xf32, #tpu.memory_space<hbm>>
      %dma_wait3A_99 = tpu.memref_squeeze %dma_wait3A_98 : memref<1x128x128xf32, #tpu.memory_space<hbm>> -> memref<128x128xf32, #tpu.memory_space<hbm>>
      tpu.wait_dma2 semaphore(%run_scoped3A : memref<!tpu.dma_semaphore, #tpu.memory_space<semaphore_mem>>) src(%arg12 : memref<128x128xf32, #tpu.memory_space<vmem>>) dst(%dma_wait3A_99 : memref<128x128xf32, #tpu.memory_space<hbm>>)
      tpu.yield
    }) : () -> ()
    %add3A_76 = arith.constant 384 : i32
    %add3A_77 = arith.addi %mul3A_2, %add3A_76 : i32
    "tpu.region"() ({
      %run_scoped3A = tpu.sem_alloc : memref<!tpu.dma_semaphore, #tpu.memory_space<semaphore_mem>>
      %dma_start3A_89 = arith.constant 0 : i32
      %dma_start3A_90 = tpu.memref_slice %arg22[%add3A_77, %dma_start3A_89] : memref<10240x128xf32, #tpu.memory_space<vmem_shared>> -> memref<128x128xf32, #tpu.memory_space<vmem_shared>>
      %dma_start3A_91 = arith.constant 0 : i32
      %dma_start3A_92 = tpu.memref_slice %arg22[%add3A_77, %dma_start3A_91] : memref<10240x128xf32, #tpu.memory_space<vmem_shared>> -> memref<128x128xf32, #tpu.memory_space<vmem_shared>>
      tpu.enqueue_dma source(%dma_start3A_92 : memref<128x128xf32, #tpu.memory_space<vmem_shared>>) target(%arg13 : memref<128x128xf32, #tpu.memory_space<vmem>>) target_semaphore(%run_scoped3A : memref<!tpu.dma_semaphore, #tpu.memory_space<semaphore_mem>>)
      %dma_wait3A = arith.constant 0 : i32
      %dma_wait3A_93 = tpu.memref_slice %arg22[%add3A_77, %dma_wait3A] : memref<10240x128xf32, #tpu.memory_space<vmem_shared>> -> memref<128x128xf32, #tpu.memory_space<vmem_shared>>
      %dma_wait3A_94 = arith.constant 0 : i32
      %dma_wait3A_95 = tpu.memref_slice %arg22[%add3A_77, %dma_wait3A_94] : memref<10240x128xf32, #tpu.memory_space<vmem_shared>> -> memref<128x128xf32, #tpu.memory_space<vmem_shared>>
      tpu.wait_dma2 semaphore(%run_scoped3A : memref<!tpu.dma_semaphore, #tpu.memory_space<semaphore_mem>>) src(%dma_wait3A_95 : memref<128x128xf32, #tpu.memory_space<vmem_shared>>) dst(%arg13 : memref<128x128xf32, #tpu.memory_space<vmem>>)
      tpu.yield
    }) : () -> ()
    %add3A_78 = arith.constant 384 : i32
    %add3A_79 = arith.addi %mul3A_2, %add3A_78 : i32
    "tpu.region"() ({
      %run_scoped3A = tpu.sem_alloc : memref<!tpu.dma_semaphore, #tpu.memory_space<semaphore_mem>>
      %dma_start3A_89 = arith.constant 0 : i32
      %dma_start3A_90 = tpu.memref_slice %arg6[%arg0, %add3A_79, %dma_start3A_89] : memref<2x10240x128xf32, #tpu.memory_space<hbm>> -> memref<1x128x128xf32, #tpu.memory_space<hbm>>
      %dma_start3A_91 = tpu.memref_squeeze %dma_start3A_90 : memref<1x128x128xf32, #tpu.memory_space<hbm>> -> memref<128x128xf32, #tpu.memory_space<hbm>>
      %dma_start3A_92 = arith.constant 0 : i32
      %dma_start3A_93 = tpu.memref_slice %arg6[%arg0, %add3A_79, %dma_start3A_92] : memref<2x10240x128xf32, #tpu.memory_space<hbm>> -> memref<1x128x128xf32, #tpu.memory_space<hbm>>
      %dma_start3A_94 = tpu.memref_squeeze %dma_start3A_93 : memref<1x128x128xf32, #tpu.memory_space<hbm>> -> memref<128x128xf32, #tpu.memory_space<hbm>>
      tpu.enqueue_dma source(%arg13 : memref<128x128xf32, #tpu.memory_space<vmem>>) target(%dma_start3A_94 : memref<128x128xf32, #tpu.memory_space<hbm>>) target_semaphore(%run_scoped3A : memref<!tpu.dma_semaphore, #tpu.memory_space<semaphore_mem>>)
      %dma_wait3A = arith.constant 0 : i32
      %dma_wait3A_95 = tpu.memref_slice %arg6[%arg0, %add3A_79, %dma_wait3A] : memref<2x10240x128xf32, #tpu.memory_space<hbm>> -> memref<1x128x128xf32, #tpu.memory_space<hbm>>
      %dma_wait3A_96 = tpu.memref_squeeze %dma_wait3A_95 : memref<1x128x128xf32, #tpu.memory_space<hbm>> -> memref<128x128xf32, #tpu.memory_space<hbm>>
      %dma_wait3A_97 = arith.constant 0 : i32
      %dma_wait3A_98 = tpu.memref_slice %arg6[%arg0, %add3A_79, %dma_wait3A_97] : memref<2x10240x128xf32, #tpu.memory_space<hbm>> -> memref<1x128x128xf32, #tpu.memory_space<hbm>>
      %dma_wait3A_99 = tpu.memref_squeeze %dma_wait3A_98 : memref<1x128x128xf32, #tpu.memory_space<hbm>> -> memref<128x128xf32, #tpu.memory_space<hbm>>
      tpu.wait_dma2 semaphore(%run_scoped3A : memref<!tpu.dma_semaphore, #tpu.memory_space<semaphore_mem>>) src(%arg13 : memref<128x128xf32, #tpu.memory_space<vmem>>) dst(%dma_wait3A_99 : memref<128x128xf32, #tpu.memory_space<hbm>>)
      tpu.yield
    }) : () -> ()
    %add3A_80 = arith.constant 512 : i32
    %add3A_81 = arith.addi %mul3A_2, %add3A_80 : i32
    "tpu.region"() ({
      %run_scoped3A = tpu.sem_alloc : memref<!tpu.dma_semaphore, #tpu.memory_space<semaphore_mem>>
      %dma_start3A_89 = arith.constant 0 : i32
      %dma_start3A_90 = tpu.memref_slice %arg22[%add3A_81, %dma_start3A_89] : memref<10240x128xf32, #tpu.memory_space<vmem_shared>> -> memref<128x128xf32, #tpu.memory_space<vmem_shared>>
      %dma_start3A_91 = arith.constant 0 : i32
      %dma_start3A_92 = tpu.memref_slice %arg22[%add3A_81, %dma_start3A_91] : memref<10240x128xf32, #tpu.memory_space<vmem_shared>> -> memref<128x128xf32, #tpu.memory_space<vmem_shared>>
      tpu.enqueue_dma source(%dma_start3A_92 : memref<128x128xf32, #tpu.memory_space<vmem_shared>>) target(%arg12 : memref<128x128xf32, #tpu.memory_space<vmem>>) target_semaphore(%run_scoped3A : memref<!tpu.dma_semaphore, #tpu.memory_space<semaphore_mem>>)
      %dma_wait3A = arith.constant 0 : i32
      %dma_wait3A_93 = tpu.memref_slice %arg22[%add3A_81, %dma_wait3A] : memref<10240x128xf32, #tpu.memory_space<vmem_shared>> -> memref<128x128xf32, #tpu.memory_space<vmem_shared>>
      %dma_wait3A_94 = arith.constant 0 : i32
      %dma_wait3A_95 = tpu.memref_slice %arg22[%add3A_81, %dma_wait3A_94] : memref<10240x128xf32, #tpu.memory_space<vmem_shared>> -> memref<128x128xf32, #tpu.memory_space<vmem_shared>>
      tpu.wait_dma2 semaphore(%run_scoped3A : memref<!tpu.dma_semaphore, #tpu.memory_space<semaphore_mem>>) src(%dma_wait3A_95 : memref<128x128xf32, #tpu.memory_space<vmem_shared>>) dst(%arg12 : memref<128x128xf32, #tpu.memory_space<vmem>>)
      tpu.yield
    }) : () -> ()
    %add3A_82 = arith.constant 512 : i32
    %add3A_83 = arith.addi %mul3A_2, %add3A_82 : i32
    "tpu.region"() ({
      %run_scoped3A = tpu.sem_alloc : memref<!tpu.dma_semaphore, #tpu.memory_space<semaphore_mem>>
      %dma_start3A_89 = arith.constant 0 : i32
      %dma_start3A_90 = tpu.memref_slice %arg6[%arg0, %add3A_83, %dma_start3A_89] : memref<2x10240x128xf32, #tpu.memory_space<hbm>> -> memref<1x128x128xf32, #tpu.memory_space<hbm>>
      %dma_start3A_91 = tpu.memref_squeeze %dma_start3A_90 : memref<1x128x128xf32, #tpu.memory_space<hbm>> -> memref<128x128xf32, #tpu.memory_space<hbm>>
      %dma_start3A_92 = arith.constant 0 : i32
      %dma_start3A_93 = tpu.memref_slice %arg6[%arg0, %add3A_83, %dma_start3A_92] : memref<2x10240x128xf32, #tpu.memory_space<hbm>> -> memref<1x128x128xf32, #tpu.memory_space<hbm>>
      %dma_start3A_94 = tpu.memref_squeeze %dma_start3A_93 : memref<1x128x128xf32, #tpu.memory_space<hbm>> -> memref<128x128xf32, #tpu.memory_space<hbm>>
      tpu.enqueue_dma source(%arg12 : memref<128x128xf32, #tpu.memory_space<vmem>>) target(%dma_start3A_94 : memref<128x128xf32, #tpu.memory_space<hbm>>) target_semaphore(%run_scoped3A : memref<!tpu.dma_semaphore, #tpu.memory_space<semaphore_mem>>)
      %dma_wait3A = arith.constant 0 : i32
      %dma_wait3A_95 = tpu.memref_slice %arg6[%arg0, %add3A_83, %dma_wait3A] : memref<2x10240x128xf32, #tpu.memory_space<hbm>> -> memref<1x128x128xf32, #tpu.memory_space<hbm>>
      %dma_wait3A_96 = tpu.memref_squeeze %dma_wait3A_95 : memref<1x128x128xf32, #tpu.memory_space<hbm>> -> memref<128x128xf32, #tpu.memory_space<hbm>>
      %dma_wait3A_97 = arith.constant 0 : i32
      %dma_wait3A_98 = tpu.memref_slice %arg6[%arg0, %add3A_83, %dma_wait3A_97] : memref<2x10240x128xf32, #tpu.memory_space<hbm>> -> memref<1x128x128xf32, #tpu.memory_space<hbm>>
      %dma_wait3A_99 = tpu.memref_squeeze %dma_wait3A_98 : memref<1x128x128xf32, #tpu.memory_space<hbm>> -> memref<128x128xf32, #tpu.memory_space<hbm>>
      tpu.wait_dma2 semaphore(%run_scoped3A : memref<!tpu.dma_semaphore, #tpu.memory_space<semaphore_mem>>) src(%arg12 : memref<128x128xf32, #tpu.memory_space<vmem>>) dst(%dma_wait3A_99 : memref<128x128xf32, #tpu.memory_space<hbm>>)
      tpu.yield
    }) : () -> ()
    %lt3A_84 = arith.constant 5 : i32
    %lt3A_85 = arith.cmpi slt, %arg1, %lt3A_84 : i32
    %convert_element_type3A_86 = arith.extui %lt3A_85 : i1 to i32
    %cond3A_87 = arith.constant 0 : i32
    %cond3A_88 = arith.cmpi ne, %convert_element_type3A_86, %cond3A_87 : i32
    scf.if %cond3A_88 {
      %mul3A_89 = arith.constant 16 : i32
      %mul3A_90 = arith.muli %arg1, %mul3A_89 : i32
      "tpu.region"() ({
        %run_scoped3A = tpu.sem_alloc : memref<!tpu.dma_semaphore, #tpu.memory_space<semaphore_mem>>
        %dma_start3A_93 = arith.constant 0 : i32
        %dma_start3A_94 = arith.constant 0 : i32
        %dma_start3A_95 = tpu.memref_slice %arg12[%dma_start3A_93, %dma_start3A_94] : memref<128x128xf32, #tpu.memory_space<vmem>> -> memref<16x128xf32, #tpu.memory_space<vmem>>
        %dma_start3A_96 = arith.constant 0 : i32
        %dma_start3A_97 = tpu.memref_slice %arg23[%mul3A_90, %dma_start3A_96] : memref<80x128xf32, #tpu.memory_space<vmem_shared>> -> memref<16x128xf32, #tpu.memory_space<vmem_shared>>
        %dma_start3A_98 = arith.constant 0 : i32
        %dma_start3A_99 = arith.constant 0 : i32
        %dma_start3A_100 = tpu.memref_slice %arg12[%dma_start3A_98, %dma_start3A_99] : memref<128x128xf32, #tpu.memory_space<vmem>> -> memref<16x128xf32, #tpu.memory_space<vmem>>
        %dma_start3A_101 = arith.constant 0 : i32
        %dma_start3A_102 = tpu.memref_slice %arg23[%mul3A_90, %dma_start3A_101] : memref<80x128xf32, #tpu.memory_space<vmem_shared>> -> memref<16x128xf32, #tpu.memory_space<vmem_shared>>
        tpu.enqueue_dma source(%dma_start3A_102 : memref<16x128xf32, #tpu.memory_space<vmem_shared>>) target(%dma_start3A_100 : memref<16x128xf32, #tpu.memory_space<vmem>>) target_semaphore(%run_scoped3A : memref<!tpu.dma_semaphore, #tpu.memory_space<semaphore_mem>>)
        %dma_wait3A = arith.constant 0 : i32
        %dma_wait3A_103 = arith.constant 0 : i32
        %dma_wait3A_104 = tpu.memref_slice %arg12[%dma_wait3A, %dma_wait3A_103] : memref<128x128xf32, #tpu.memory_space<vmem>> -> memref<16x128xf32, #tpu.memory_space<vmem>>
        %dma_wait3A_105 = arith.constant 0 : i32
        %dma_wait3A_106 = tpu.memref_slice %arg23[%mul3A_90, %dma_wait3A_105] : memref<80x128xf32, #tpu.memory_space<vmem_shared>> -> memref<16x128xf32, #tpu.memory_space<vmem_shared>>
        %dma_wait3A_107 = arith.constant 0 : i32
        %dma_wait3A_108 = arith.constant 0 : i32
        %dma_wait3A_109 = tpu.memref_slice %arg12[%dma_wait3A_107, %dma_wait3A_108] : memref<128x128xf32, #tpu.memory_space<vmem>> -> memref<16x128xf32, #tpu.memory_space<vmem>>
        %dma_wait3A_110 = arith.constant 0 : i32
        %dma_wait3A_111 = tpu.memref_slice %arg23[%mul3A_90, %dma_wait3A_110] : memref<80x128xf32, #tpu.memory_space<vmem_shared>> -> memref<16x128xf32, #tpu.memory_space<vmem_shared>>
        tpu.wait_dma2 semaphore(%run_scoped3A : memref<!tpu.dma_semaphore, #tpu.memory_space<semaphore_mem>>) src(%dma_wait3A_111 : memref<16x128xf32, #tpu.memory_space<vmem_shared>>) dst(%dma_wait3A_109 : memref<16x128xf32, #tpu.memory_space<vmem>>)
        tpu.yield
      }) : () -> ()
      %mul3A_91 = arith.constant 16 : i32
      %mul3A_92 = arith.muli %arg1, %mul3A_91 : i32
      "tpu.region"() ({
        %run_scoped3A = tpu.sem_alloc : memref<!tpu.dma_semaphore, #tpu.memory_space<semaphore_mem>>
        %dma_start3A_93 = arith.constant 0 : i32
        %dma_start3A_94 = arith.constant 0 : i32
        %dma_start3A_95 = tpu.memref_slice %arg12[%dma_start3A_93, %dma_start3A_94] : memref<128x128xf32, #tpu.memory_space<vmem>> -> memref<16x128xf32, #tpu.memory_space<vmem>>
        %dma_start3A_96 = arith.constant 0 : i32
        %dma_start3A_97 = tpu.memref_slice %arg7[%arg0, %mul3A_92, %dma_start3A_96] : memref<2x80x128xf32, #tpu.memory_space<hbm>> -> memref<1x16x128xf32, #tpu.memory_space<hbm>>
        %dma_start3A_98 = tpu.memref_squeeze %dma_start3A_97 : memref<1x16x128xf32, #tpu.memory_space<hbm>> -> memref<16x128xf32, #tpu.memory_space<hbm>>
        %dma_start3A_99 = arith.constant 0 : i32
        %dma_start3A_100 = tpu.memref_slice %arg7[%arg0, %mul3A_92, %dma_start3A_99] : memref<2x80x128xf32, #tpu.memory_space<hbm>> -> memref<1x16x128xf32, #tpu.memory_space<hbm>>
        %dma_start3A_101 = tpu.memref_squeeze %dma_start3A_100 : memref<1x16x128xf32, #tpu.memory_space<hbm>> -> memref<16x128xf32, #tpu.memory_space<hbm>>
        %dma_start3A_102 = arith.constant 0 : i32
        %dma_start3A_103 = arith.constant 0 : i32
        %dma_start3A_104 = tpu.memref_slice %arg12[%dma_start3A_102, %dma_start3A_103] : memref<128x128xf32, #tpu.memory_space<vmem>> -> memref<16x128xf32, #tpu.memory_space<vmem>>
        tpu.enqueue_dma source(%dma_start3A_104 : memref<16x128xf32, #tpu.memory_space<vmem>>) target(%dma_start3A_101 : memref<16x128xf32, #tpu.memory_space<hbm>>) target_semaphore(%run_scoped3A : memref<!tpu.dma_semaphore, #tpu.memory_space<semaphore_mem>>)
        %dma_wait3A = arith.constant 0 : i32
        %dma_wait3A_105 = arith.constant 0 : i32
        %dma_wait3A_106 = tpu.memref_slice %arg12[%dma_wait3A, %dma_wait3A_105] : memref<128x128xf32, #tpu.memory_space<vmem>> -> memref<16x128xf32, #tpu.memory_space<vmem>>
        %dma_wait3A_107 = arith.constant 0 : i32
        %dma_wait3A_108 = tpu.memref_slice %arg7[%arg0, %mul3A_92, %dma_wait3A_107] : memref<2x80x128xf32, #tpu.memory_space<hbm>> -> memref<1x16x128xf32, #tpu.memory_space<hbm>>
        %dma_wait3A_109 = tpu.memref_squeeze %dma_wait3A_108 : memref<1x16x128xf32, #tpu.memory_space<hbm>> -> memref<16x128xf32, #tpu.memory_space<hbm>>
        %dma_wait3A_110 = arith.constant 0 : i32
        %dma_wait3A_111 = tpu.memref_slice %arg7[%arg0, %mul3A_92, %dma_wait3A_110] : memref<2x80x128xf32, #tpu.memory_space<hbm>> -> memref<1x16x128xf32, #tpu.memory_space<hbm>>
        %dma_wait3A_112 = tpu.memref_squeeze %dma_wait3A_111 : memref<1x16x128xf32, #tpu.memory_space<hbm>> -> memref<16x128xf32, #tpu.memory_space<hbm>>
        %dma_wait3A_113 = arith.constant 0 : i32
        %dma_wait3A_114 = arith.constant 0 : i32
        %dma_wait3A_115 = tpu.memref_slice %arg12[%dma_wait3A_113, %dma_wait3A_114] : memref<128x128xf32, #tpu.memory_space<vmem>> -> memref<16x128xf32, #tpu.memory_space<vmem>>
        tpu.wait_dma2 semaphore(%run_scoped3A : memref<!tpu.dma_semaphore, #tpu.memory_space<semaphore_mem>>) src(%dma_wait3A_115 : memref<16x128xf32, #tpu.memory_space<vmem>>) dst(%dma_wait3A_112 : memref<16x128xf32, #tpu.memory_space<hbm>>)
        tpu.yield
      }) : () -> ()
    } else {
    }
    return
  }
}

#map = affine_map<(d0, d1) -> (0, 0)>
#map1 = affine_map<(d0, d1) -> (0, 0, 0)>
module attributes {stable_mosaic.version = 14 : i64} {
  func.func @body(%arg0: i32, %arg1: i32, %arg2: memref<10240x128xf32, #tpu.memory_space<hbm>>, %arg3: memref<32x80x128xi32, #tpu.memory_space<hbm>>, %arg4: memref<32x80x128xi32, #tpu.memory_space<hbm>>, %arg5: memref<128x128xf32, #tpu.memory_space<hbm>>, %arg6: memref<2x10240x128xf32, #tpu.memory_space<hbm>>, %arg7: memref<8x128xi32, #tpu.memory_space<vmem>>, %arg8: memref<8x128xi32, #tpu.memory_space<vmem>>, %arg9: memref<8x128xi32, #tpu.memory_space<vmem>>, %arg10: memref<8x128xi32, #tpu.memory_space<vmem>>, %arg11: memref<128x128xf32, #tpu.memory_space<vmem>>, %arg12: memref<128x128xf32, #tpu.memory_space<vmem>>, %arg13: memref<!tpu.dma_semaphore, #tpu.memory_space<semaphore_mem>>, %arg14: memref<!tpu.dma_semaphore, #tpu.memory_space<semaphore_mem>>, %arg15: memref<!tpu.dma_semaphore, #tpu.memory_space<semaphore_mem>>, %arg16: memref<!tpu.dma_semaphore, #tpu.memory_space<semaphore_mem>>, %arg17: memref<!tpu.dma_semaphore, #tpu.memory_space<semaphore_mem>>, %arg18: memref<!tpu.dma_semaphore, #tpu.memory_space<semaphore_mem>>, %arg19: memref<10240x128xf32, #tpu.memory_space<vmem_shared>>) attributes {dimension_semantics = [#tpu.dimension_semantics<core_parallel>, #tpu.dimension_semantics<subcore_parallel>], iteration_bounds = array<i64: 2, 16>, scalar_prefetch = 0 : i64, scratch_operands = 13 : i64, tpu.core_type = #tpu.core_type<sc_vector_subcore>, window_params = [{transform_indices = #map}, {transform_indices = #map1}, {transform_indices = #map1}, {transform_indices = #map}, {transform_indices = #map1}]} {
    %mul3A = arith.constant 16 : i32
    %mul3A_0 = arith.muli %arg0, %mul3A : i32
    %add3A = arith.addi %mul3A_0, %arg1 : i32
    %mul3A_1 = arith.constant 640 : i32
    %mul3A_2 = arith.muli %arg1, %mul3A_1 : i32
    "tpu.region"() ({
      %run_scoped3A = tpu.sem_alloc : memref<!tpu.dma_semaphore, #tpu.memory_space<semaphore_mem>>
      tpu.enqueue_dma source(%arg5 : memref<128x128xf32, #tpu.memory_space<hbm>>) target(%arg11 : memref<128x128xf32, #tpu.memory_space<vmem>>) target_semaphore(%run_scoped3A : memref<!tpu.dma_semaphore, #tpu.memory_space<semaphore_mem>>)
      tpu.wait_dma2 semaphore(%run_scoped3A : memref<!tpu.dma_semaphore, #tpu.memory_space<semaphore_mem>>) src(%arg5 : memref<128x128xf32, #tpu.memory_space<hbm>>) dst(%arg11 : memref<128x128xf32, #tpu.memory_space<vmem>>)
      tpu.yield
    }) : () -> ()
    %add3A_3 = arith.constant 0 : i32
    %add3A_4 = arith.addi %mul3A_2, %add3A_3 : i32
    "tpu.region"() ({
      %run_scoped3A = tpu.sem_alloc : memref<!tpu.dma_semaphore, #tpu.memory_space<semaphore_mem>>
      %dma_start3A_54 = arith.constant 0 : i32
      %dma_start3A_55 = tpu.memref_slice %arg19[%add3A_4, %dma_start3A_54] : memref<10240x128xf32, #tpu.memory_space<vmem_shared>> -> memref<128x128xf32, #tpu.memory_space<vmem_shared>>
      %dma_start3A_56 = arith.constant 0 : i32
      %dma_start3A_57 = tpu.memref_slice %arg19[%add3A_4, %dma_start3A_56] : memref<10240x128xf32, #tpu.memory_space<vmem_shared>> -> memref<128x128xf32, #tpu.memory_space<vmem_shared>>
      tpu.enqueue_dma source(%arg11 : memref<128x128xf32, #tpu.memory_space<vmem>>) target(%dma_start3A_57 : memref<128x128xf32, #tpu.memory_space<vmem_shared>>) target_semaphore(%run_scoped3A : memref<!tpu.dma_semaphore, #tpu.memory_space<semaphore_mem>>)
      %dma_wait3A = arith.constant 0 : i32
      %dma_wait3A_58 = tpu.memref_slice %arg19[%add3A_4, %dma_wait3A] : memref<10240x128xf32, #tpu.memory_space<vmem_shared>> -> memref<128x128xf32, #tpu.memory_space<vmem_shared>>
      %dma_wait3A_59 = arith.constant 0 : i32
      %dma_wait3A_60 = tpu.memref_slice %arg19[%add3A_4, %dma_wait3A_59] : memref<10240x128xf32, #tpu.memory_space<vmem_shared>> -> memref<128x128xf32, #tpu.memory_space<vmem_shared>>
      tpu.wait_dma2 semaphore(%run_scoped3A : memref<!tpu.dma_semaphore, #tpu.memory_space<semaphore_mem>>) src(%arg11 : memref<128x128xf32, #tpu.memory_space<vmem>>) dst(%dma_wait3A_60 : memref<128x128xf32, #tpu.memory_space<vmem_shared>>)
      tpu.yield
    }) : () -> ()
    %add3A_5 = arith.constant 128 : i32
    %add3A_6 = arith.addi %mul3A_2, %add3A_5 : i32
    "tpu.region"() ({
      %run_scoped3A = tpu.sem_alloc : memref<!tpu.dma_semaphore, #tpu.memory_space<semaphore_mem>>
      %dma_start3A_54 = arith.constant 0 : i32
      %dma_start3A_55 = tpu.memref_slice %arg19[%add3A_6, %dma_start3A_54] : memref<10240x128xf32, #tpu.memory_space<vmem_shared>> -> memref<128x128xf32, #tpu.memory_space<vmem_shared>>
      %dma_start3A_56 = arith.constant 0 : i32
      %dma_start3A_57 = tpu.memref_slice %arg19[%add3A_6, %dma_start3A_56] : memref<10240x128xf32, #tpu.memory_space<vmem_shared>> -> memref<128x128xf32, #tpu.memory_space<vmem_shared>>
      tpu.enqueue_dma source(%arg11 : memref<128x128xf32, #tpu.memory_space<vmem>>) target(%dma_start3A_57 : memref<128x128xf32, #tpu.memory_space<vmem_shared>>) target_semaphore(%run_scoped3A : memref<!tpu.dma_semaphore, #tpu.memory_space<semaphore_mem>>)
      %dma_wait3A = arith.constant 0 : i32
      %dma_wait3A_58 = tpu.memref_slice %arg19[%add3A_6, %dma_wait3A] : memref<10240x128xf32, #tpu.memory_space<vmem_shared>> -> memref<128x128xf32, #tpu.memory_space<vmem_shared>>
      %dma_wait3A_59 = arith.constant 0 : i32
      %dma_wait3A_60 = tpu.memref_slice %arg19[%add3A_6, %dma_wait3A_59] : memref<10240x128xf32, #tpu.memory_space<vmem_shared>> -> memref<128x128xf32, #tpu.memory_space<vmem_shared>>
      tpu.wait_dma2 semaphore(%run_scoped3A : memref<!tpu.dma_semaphore, #tpu.memory_space<semaphore_mem>>) src(%arg11 : memref<128x128xf32, #tpu.memory_space<vmem>>) dst(%dma_wait3A_60 : memref<128x128xf32, #tpu.memory_space<vmem_shared>>)
      tpu.yield
    }) : () -> ()
    %add3A_7 = arith.constant 256 : i32
    %add3A_8 = arith.addi %mul3A_2, %add3A_7 : i32
    "tpu.region"() ({
      %run_scoped3A = tpu.sem_alloc : memref<!tpu.dma_semaphore, #tpu.memory_space<semaphore_mem>>
      %dma_start3A_54 = arith.constant 0 : i32
      %dma_start3A_55 = tpu.memref_slice %arg19[%add3A_8, %dma_start3A_54] : memref<10240x128xf32, #tpu.memory_space<vmem_shared>> -> memref<128x128xf32, #tpu.memory_space<vmem_shared>>
      %dma_start3A_56 = arith.constant 0 : i32
      %dma_start3A_57 = tpu.memref_slice %arg19[%add3A_8, %dma_start3A_56] : memref<10240x128xf32, #tpu.memory_space<vmem_shared>> -> memref<128x128xf32, #tpu.memory_space<vmem_shared>>
      tpu.enqueue_dma source(%arg11 : memref<128x128xf32, #tpu.memory_space<vmem>>) target(%dma_start3A_57 : memref<128x128xf32, #tpu.memory_space<vmem_shared>>) target_semaphore(%run_scoped3A : memref<!tpu.dma_semaphore, #tpu.memory_space<semaphore_mem>>)
      %dma_wait3A = arith.constant 0 : i32
      %dma_wait3A_58 = tpu.memref_slice %arg19[%add3A_8, %dma_wait3A] : memref<10240x128xf32, #tpu.memory_space<vmem_shared>> -> memref<128x128xf32, #tpu.memory_space<vmem_shared>>
      %dma_wait3A_59 = arith.constant 0 : i32
      %dma_wait3A_60 = tpu.memref_slice %arg19[%add3A_8, %dma_wait3A_59] : memref<10240x128xf32, #tpu.memory_space<vmem_shared>> -> memref<128x128xf32, #tpu.memory_space<vmem_shared>>
      tpu.wait_dma2 semaphore(%run_scoped3A : memref<!tpu.dma_semaphore, #tpu.memory_space<semaphore_mem>>) src(%arg11 : memref<128x128xf32, #tpu.memory_space<vmem>>) dst(%dma_wait3A_60 : memref<128x128xf32, #tpu.memory_space<vmem_shared>>)
      tpu.yield
    }) : () -> ()
    %add3A_9 = arith.constant 384 : i32
    %add3A_10 = arith.addi %mul3A_2, %add3A_9 : i32
    "tpu.region"() ({
      %run_scoped3A = tpu.sem_alloc : memref<!tpu.dma_semaphore, #tpu.memory_space<semaphore_mem>>
      %dma_start3A_54 = arith.constant 0 : i32
      %dma_start3A_55 = tpu.memref_slice %arg19[%add3A_10, %dma_start3A_54] : memref<10240x128xf32, #tpu.memory_space<vmem_shared>> -> memref<128x128xf32, #tpu.memory_space<vmem_shared>>
      %dma_start3A_56 = arith.constant 0 : i32
      %dma_start3A_57 = tpu.memref_slice %arg19[%add3A_10, %dma_start3A_56] : memref<10240x128xf32, #tpu.memory_space<vmem_shared>> -> memref<128x128xf32, #tpu.memory_space<vmem_shared>>
      tpu.enqueue_dma source(%arg11 : memref<128x128xf32, #tpu.memory_space<vmem>>) target(%dma_start3A_57 : memref<128x128xf32, #tpu.memory_space<vmem_shared>>) target_semaphore(%run_scoped3A : memref<!tpu.dma_semaphore, #tpu.memory_space<semaphore_mem>>)
      %dma_wait3A = arith.constant 0 : i32
      %dma_wait3A_58 = tpu.memref_slice %arg19[%add3A_10, %dma_wait3A] : memref<10240x128xf32, #tpu.memory_space<vmem_shared>> -> memref<128x128xf32, #tpu.memory_space<vmem_shared>>
      %dma_wait3A_59 = arith.constant 0 : i32
      %dma_wait3A_60 = tpu.memref_slice %arg19[%add3A_10, %dma_wait3A_59] : memref<10240x128xf32, #tpu.memory_space<vmem_shared>> -> memref<128x128xf32, #tpu.memory_space<vmem_shared>>
      tpu.wait_dma2 semaphore(%run_scoped3A : memref<!tpu.dma_semaphore, #tpu.memory_space<semaphore_mem>>) src(%arg11 : memref<128x128xf32, #tpu.memory_space<vmem>>) dst(%dma_wait3A_60 : memref<128x128xf32, #tpu.memory_space<vmem_shared>>)
      tpu.yield
    }) : () -> ()
    %add3A_11 = arith.constant 512 : i32
    %add3A_12 = arith.addi %mul3A_2, %add3A_11 : i32
    "tpu.region"() ({
      %run_scoped3A = tpu.sem_alloc : memref<!tpu.dma_semaphore, #tpu.memory_space<semaphore_mem>>
      %dma_start3A_54 = arith.constant 0 : i32
      %dma_start3A_55 = tpu.memref_slice %arg19[%add3A_12, %dma_start3A_54] : memref<10240x128xf32, #tpu.memory_space<vmem_shared>> -> memref<128x128xf32, #tpu.memory_space<vmem_shared>>
      %dma_start3A_56 = arith.constant 0 : i32
      %dma_start3A_57 = tpu.memref_slice %arg19[%add3A_12, %dma_start3A_56] : memref<10240x128xf32, #tpu.memory_space<vmem_shared>> -> memref<128x128xf32, #tpu.memory_space<vmem_shared>>
      tpu.enqueue_dma source(%arg11 : memref<128x128xf32, #tpu.memory_space<vmem>>) target(%dma_start3A_57 : memref<128x128xf32, #tpu.memory_space<vmem_shared>>) target_semaphore(%run_scoped3A : memref<!tpu.dma_semaphore, #tpu.memory_space<semaphore_mem>>)
      %dma_wait3A = arith.constant 0 : i32
      %dma_wait3A_58 = tpu.memref_slice %arg19[%add3A_12, %dma_wait3A] : memref<10240x128xf32, #tpu.memory_space<vmem_shared>> -> memref<128x128xf32, #tpu.memory_space<vmem_shared>>
      %dma_wait3A_59 = arith.constant 0 : i32
      %dma_wait3A_60 = tpu.memref_slice %arg19[%add3A_12, %dma_wait3A_59] : memref<10240x128xf32, #tpu.memory_space<vmem_shared>> -> memref<128x128xf32, #tpu.memory_space<vmem_shared>>
      tpu.wait_dma2 semaphore(%run_scoped3A : memref<!tpu.dma_semaphore, #tpu.memory_space<semaphore_mem>>) src(%arg11 : memref<128x128xf32, #tpu.memory_space<vmem>>) dst(%dma_wait3A_60 : memref<128x128xf32, #tpu.memory_space<vmem_shared>>)
      tpu.yield
    }) : () -> ()
    %barrier3A = arith.constant 0 : index
    tpu.barrier barrier_id(%barrier3A)
    %dma_start3A = arith.constant 0 : i32
    %dma_start3A_13 = arith.constant 0 : i32
    %dma_start3A_14 = tpu.memref_slice %arg3[%add3A, %dma_start3A, %dma_start3A_13] : memref<32x80x128xi32, #tpu.memory_space<hbm>> -> memref<1x8x128xi32, #tpu.memory_space<hbm>>
    %dma_start3A_15 = tpu.memref_squeeze %dma_start3A_14 : memref<1x8x128xi32, #tpu.memory_space<hbm>> -> memref<8x128xi32, #tpu.memory_space<hbm>>
    %dma_start3A_16 = arith.constant 0 : i32
    %dma_start3A_17 = arith.constant 0 : i32
    %dma_start3A_18 = tpu.memref_slice %arg3[%add3A, %dma_start3A_16, %dma_start3A_17] : memref<32x80x128xi32, #tpu.memory_space<hbm>> -> memref<1x8x128xi32, #tpu.memory_space<hbm>>
    %dma_start3A_19 = tpu.memref_squeeze %dma_start3A_18 : memref<1x8x128xi32, #tpu.memory_space<hbm>> -> memref<8x128xi32, #tpu.memory_space<hbm>>
    tpu.enqueue_dma source(%dma_start3A_19 : memref<8x128xi32, #tpu.memory_space<hbm>>) target(%arg7 : memref<8x128xi32, #tpu.memory_space<vmem>>) target_semaphore(%arg13 : memref<!tpu.dma_semaphore, #tpu.memory_space<semaphore_mem>>)
    %dma_start3A_20 = arith.constant 0 : i32
    %dma_start3A_21 = arith.constant 0 : i32
    %dma_start3A_22 = tpu.memref_slice %arg4[%add3A, %dma_start3A_20, %dma_start3A_21] : memref<32x80x128xi32, #tpu.memory_space<hbm>> -> memref<1x8x128xi32, #tpu.memory_space<hbm>>
    %dma_start3A_23 = tpu.memref_squeeze %dma_start3A_22 : memref<1x8x128xi32, #tpu.memory_space<hbm>> -> memref<8x128xi32, #tpu.memory_space<hbm>>
    %dma_start3A_24 = arith.constant 0 : i32
    %dma_start3A_25 = arith.constant 0 : i32
    %dma_start3A_26 = tpu.memref_slice %arg4[%add3A, %dma_start3A_24, %dma_start3A_25] : memref<32x80x128xi32, #tpu.memory_space<hbm>> -> memref<1x8x128xi32, #tpu.memory_space<hbm>>
    %dma_start3A_27 = tpu.memref_squeeze %dma_start3A_26 : memref<1x8x128xi32, #tpu.memory_space<hbm>> -> memref<8x128xi32, #tpu.memory_space<hbm>>
    tpu.enqueue_dma source(%dma_start3A_27 : memref<8x128xi32, #tpu.memory_space<hbm>>) target(%arg9 : memref<8x128xi32, #tpu.memory_space<vmem>>) target_semaphore(%arg13 : memref<!tpu.dma_semaphore, #tpu.memory_space<semaphore_mem>>)
    %scan3A = arith.constant 0 : i32
    %scan3A_28 = arith.constant 0 : i32
    %scan3A_29 = arith.constant 5 : i32
    %scan3A_30 = arith.addi %scan3A_28, %scan3A_29 : i32
    %scan3A_31 = arith.constant 1 : i32
    scf.for %scan3A_54 = %scan3A_28 to %scan3A_30 step %scan3A_31  : i32 {
      %mul3A_55 = arith.constant 2 : i32
      %mul3A_56 = arith.muli %scan3A_54, %mul3A_55 : i32
      %add3A_57 = arith.constant 0 : i32
      %add3A_58 = arith.addi %mul3A_56, %add3A_57 : i32
      %mul3A_59 = arith.constant 8 : i32
      %mul3A_60 = arith.muli %add3A_58, %mul3A_59 : i32
      %dma_wait3A = arith.constant 0 : i32
      %dma_wait3A_61 = tpu.memref_slice %arg3[%add3A, %mul3A_60, %dma_wait3A] : memref<32x80x128xi32, #tpu.memory_space<hbm>> -> memref<1x8x128xi32, #tpu.memory_space<hbm>>
      %dma_wait3A_62 = tpu.memref_squeeze %dma_wait3A_61 : memref<1x8x128xi32, #tpu.memory_space<hbm>> -> memref<8x128xi32, #tpu.memory_space<hbm>>
      %dma_wait3A_63 = arith.constant 0 : i32
      %dma_wait3A_64 = tpu.memref_slice %arg3[%add3A, %mul3A_60, %dma_wait3A_63] : memref<32x80x128xi32, #tpu.memory_space<hbm>> -> memref<1x8x128xi32, #tpu.memory_space<hbm>>
      %dma_wait3A_65 = tpu.memref_squeeze %dma_wait3A_64 : memref<1x8x128xi32, #tpu.memory_space<hbm>> -> memref<8x128xi32, #tpu.memory_space<hbm>>
      tpu.wait_dma2 semaphore(%arg13 : memref<!tpu.dma_semaphore, #tpu.memory_space<semaphore_mem>>) src(%dma_wait3A_65 : memref<8x128xi32, #tpu.memory_space<hbm>>) dst(%arg7 : memref<8x128xi32, #tpu.memory_space<vmem>>)
      %dma_wait3A_66 = arith.constant 0 : i32
      %dma_wait3A_67 = tpu.memref_slice %arg4[%add3A, %mul3A_60, %dma_wait3A_66] : memref<32x80x128xi32, #tpu.memory_space<hbm>> -> memref<1x8x128xi32, #tpu.memory_space<hbm>>
      %dma_wait3A_68 = tpu.memref_squeeze %dma_wait3A_67 : memref<1x8x128xi32, #tpu.memory_space<hbm>> -> memref<8x128xi32, #tpu.memory_space<hbm>>
      %dma_wait3A_69 = arith.constant 0 : i32
      %dma_wait3A_70 = tpu.memref_slice %arg4[%add3A, %mul3A_60, %dma_wait3A_69] : memref<32x80x128xi32, #tpu.memory_space<hbm>> -> memref<1x8x128xi32, #tpu.memory_space<hbm>>
      %dma_wait3A_71 = tpu.memref_squeeze %dma_wait3A_70 : memref<1x8x128xi32, #tpu.memory_space<hbm>> -> memref<8x128xi32, #tpu.memory_space<hbm>>
      tpu.wait_dma2 semaphore(%arg13 : memref<!tpu.dma_semaphore, #tpu.memory_space<semaphore_mem>>) src(%dma_wait3A_71 : memref<8x128xi32, #tpu.memory_space<hbm>>) dst(%arg9 : memref<8x128xi32, #tpu.memory_space<vmem>>)
      %add3A_72 = arith.constant 1 : i32
      %add3A_73 = arith.addi %add3A_58, %add3A_72 : i32
      %lt3A = arith.constant 10 : i32
      %lt3A_74 = arith.cmpi slt, %add3A_73, %lt3A : i32
      %convert_element_type3A = arith.extui %lt3A_74 : i1 to i32
      %cond3A = arith.constant 0 : i32
      %cond3A_75 = arith.cmpi ne, %convert_element_type3A, %cond3A : i32
      scf.if %cond3A_75 {
        %add3A_145 = arith.constant 1 : i32
        %add3A_146 = arith.addi %add3A_58, %add3A_145 : i32
        %mul3A_147 = arith.constant 8 : i32
        %mul3A_148 = arith.muli %add3A_146, %mul3A_147 : i32
        %dma_start3A_149 = arith.constant 0 : i32
        %dma_start3A_150 = tpu.memref_slice %arg3[%add3A, %mul3A_148, %dma_start3A_149] : memref<32x80x128xi32, #tpu.memory_space<hbm>> -> memref<1x8x128xi32, #tpu.memory_space<hbm>>
        %dma_start3A_151 = tpu.memref_squeeze %dma_start3A_150 : memref<1x8x128xi32, #tpu.memory_space<hbm>> -> memref<8x128xi32, #tpu.memory_space<hbm>>
        %dma_start3A_152 = arith.constant 0 : i32
        %dma_start3A_153 = tpu.memref_slice %arg3[%add3A, %mul3A_148, %dma_start3A_152] : memref<32x80x128xi32, #tpu.memory_space<hbm>> -> memref<1x8x128xi32, #tpu.memory_space<hbm>>
        %dma_start3A_154 = tpu.memref_squeeze %dma_start3A_153 : memref<1x8x128xi32, #tpu.memory_space<hbm>> -> memref<8x128xi32, #tpu.memory_space<hbm>>
        tpu.enqueue_dma source(%dma_start3A_154 : memref<8x128xi32, #tpu.memory_space<hbm>>) target(%arg8 : memref<8x128xi32, #tpu.memory_space<vmem>>) target_semaphore(%arg14 : memref<!tpu.dma_semaphore, #tpu.memory_space<semaphore_mem>>)
        %dma_start3A_155 = arith.constant 0 : i32
        %dma_start3A_156 = tpu.memref_slice %arg4[%add3A, %mul3A_148, %dma_start3A_155] : memref<32x80x128xi32, #tpu.memory_space<hbm>> -> memref<1x8x128xi32, #tpu.memory_space<hbm>>
        %dma_start3A_157 = tpu.memref_squeeze %dma_start3A_156 : memref<1x8x128xi32, #tpu.memory_space<hbm>> -> memref<8x128xi32, #tpu.memory_space<hbm>>
        %dma_start3A_158 = arith.constant 0 : i32
        %dma_start3A_159 = tpu.memref_slice %arg4[%add3A, %mul3A_148, %dma_start3A_158] : memref<32x80x128xi32, #tpu.memory_space<hbm>> -> memref<1x8x128xi32, #tpu.memory_space<hbm>>
        %dma_start3A_160 = tpu.memref_squeeze %dma_start3A_159 : memref<1x8x128xi32, #tpu.memory_space<hbm>> -> memref<8x128xi32, #tpu.memory_space<hbm>>
        tpu.enqueue_dma source(%dma_start3A_160 : memref<8x128xi32, #tpu.memory_space<hbm>>) target(%arg10 : memref<8x128xi32, #tpu.memory_space<vmem>>) target_semaphore(%arg14 : memref<!tpu.dma_semaphore, #tpu.memory_space<semaphore_mem>>)
      } else {
      }
      %dma_start3A_76 = arith.constant 0 : i32
      %dma_start3A_77 = arith.constant 0 : i32
      %dma_start3A_78 = tpu.memref_slice %arg7[%dma_start3A_76, %dma_start3A_77] : memref<8x128xi32, #tpu.memory_space<vmem>> -> memref<1x128xi32, #tpu.memory_space<vmem>>
      %dma_start3A_79 = tpu.memref_squeeze %dma_start3A_78 : memref<1x128xi32, #tpu.memory_space<vmem>> -> memref<128xi32, #tpu.memory_space<vmem>>
      %dma_start3A_80 = arith.constant 0 : i32
      %dma_start3A_81 = arith.constant 0 : i32
      %dma_start3A_82 = tpu.memref_slice %arg2[%dma_start3A_80, %dma_start3A_81] : memref<10240x128xf32, #tpu.memory_space<hbm>> -> memref<10240x128xf32, #tpu.memory_space<hbm>>
      tpu.enqueue_indirect_dma source(%dma_start3A_82 : memref<10240x128xf32, #tpu.memory_space<hbm>>) target(%arg11 : memref<128x128xf32, #tpu.memory_space<vmem>>) offsets(%dma_start3A_79 : memref<128xi32, #tpu.memory_space<vmem>>) semaphore(%arg15 : memref<!tpu.dma_semaphore, #tpu.memory_space<semaphore_mem>>)
      %dma_start3A_83 = arith.constant 1 : i32
      %dma_start3A_84 = arith.constant 0 : i32
      %dma_start3A_85 = tpu.memref_slice %arg7[%dma_start3A_83, %dma_start3A_84] : memref<8x128xi32, #tpu.memory_space<vmem>> -> memref<1x128xi32, #tpu.memory_space<vmem>>
      %dma_start3A_86 = tpu.memref_squeeze %dma_start3A_85 : memref<1x128xi32, #tpu.memory_space<vmem>> -> memref<128xi32, #tpu.memory_space<vmem>>
      %dma_start3A_87 = arith.constant 0 : i32
      %dma_start3A_88 = arith.constant 0 : i32
      %dma_start3A_89 = tpu.memref_slice %arg2[%dma_start3A_87, %dma_start3A_88] : memref<10240x128xf32, #tpu.memory_space<hbm>> -> memref<10240x128xf32, #tpu.memory_space<hbm>>
      tpu.enqueue_indirect_dma source(%dma_start3A_89 : memref<10240x128xf32, #tpu.memory_space<hbm>>) target(%arg12 : memref<128x128xf32, #tpu.memory_space<vmem>>) offsets(%dma_start3A_86 : memref<128xi32, #tpu.memory_space<vmem>>) semaphore(%arg16 : memref<!tpu.dma_semaphore, #tpu.memory_space<semaphore_mem>>)
      %scan3A_90 = arith.constant 0 : i32
      %scan3A_91 = arith.constant 0 : i32
      %scan3A_92 = arith.constant 1 : i32
      %scan3A_93 = arith.constant 0 : i32
      %scan3A_94 = arith.constant 4 : i32
      %scan3A_95 = arith.addi %scan3A_93, %scan3A_94 : i32
      %scan3A_96 = arith.constant 1 : i32
      scf.for %scan3A_145 = %scan3A_93 to %scan3A_95 step %scan3A_96  : i32 {
        %mul3A_146 = arith.constant 2 : i32
        %mul3A_147 = arith.muli %scan3A_145, %mul3A_146 : i32
        %dma_wait3A_148 = arith.constant 0 : i32
        %dma_wait3A_149 = tpu.memref_slice %arg7[%scan3A_91, %dma_wait3A_148] : memref<8x128xi32, #tpu.memory_space<vmem>> -> memref<1x128xi32, #tpu.memory_space<vmem>>
        %dma_wait3A_150 = tpu.memref_squeeze %dma_wait3A_149 : memref<1x128xi32, #tpu.memory_space<vmem>> -> memref<128xi32, #tpu.memory_space<vmem>>
        %dma_wait3A_151 = arith.constant 0 : i32
        %dma_wait3A_152 = arith.constant 0 : i32
        %dma_wait3A_153 = tpu.memref_slice %arg2[%dma_wait3A_151, %dma_wait3A_152] : memref<10240x128xf32, #tpu.memory_space<hbm>> -> memref<10240x128xf32, #tpu.memory_space<hbm>>
        tpu.wait_indirect_dma semaphore(%arg15 : memref<!tpu.dma_semaphore, #tpu.memory_space<semaphore_mem>>) src(%dma_wait3A_153 : memref<10240x128xf32, #tpu.memory_space<hbm>>) dst(%arg11 : memref<128x128xf32, #tpu.memory_space<vmem>>)
        %add3A_154 = arith.constant 0 : i32
        %add3A_155 = arith.addi %mul3A_147, %add3A_154 : i32
        %dma_start3A_156 = arith.constant 0 : i32
        %dma_start3A_157 = tpu.memref_slice %arg9[%add3A_155, %dma_start3A_156] : memref<8x128xi32, #tpu.memory_space<vmem>> -> memref<1x128xi32, #tpu.memory_space<vmem>>
        %dma_start3A_158 = tpu.memref_squeeze %dma_start3A_157 : memref<1x128xi32, #tpu.memory_space<vmem>> -> memref<128xi32, #tpu.memory_space<vmem>>
        %dma_start3A_159 = arith.constant 0 : i32
        %dma_start3A_160 = arith.constant 0 : i32
        %dma_start3A_161 = tpu.memref_slice %arg19[%dma_start3A_159, %dma_start3A_160] : memref<10240x128xf32, #tpu.memory_space<vmem_shared>> -> memref<10240x128xf32, #tpu.memory_space<vmem_shared>>
        tpu.enqueue_indirect_dma source(%arg11 : memref<128x128xf32, #tpu.memory_space<vmem>>) target(%dma_start3A_161 : memref<10240x128xf32, #tpu.memory_space<vmem_shared>>) offsets(%dma_start3A_158 : memref<128xi32, #tpu.memory_space<vmem>>) semaphore(%arg17 : memref<!tpu.dma_semaphore, #tpu.memory_space<semaphore_mem>>) {add = true}
        %dma_wait3A_162 = arith.constant 0 : i32
        %dma_wait3A_163 = tpu.memref_slice %arg7[%scan3A_92, %dma_wait3A_162] : memref<8x128xi32, #tpu.memory_space<vmem>> -> memref<1x128xi32, #tpu.memory_space<vmem>>
        %dma_wait3A_164 = tpu.memref_squeeze %dma_wait3A_163 : memref<1x128xi32, #tpu.memory_space<vmem>> -> memref<128xi32, #tpu.memory_space<vmem>>
        %dma_wait3A_165 = arith.constant 0 : i32
        %dma_wait3A_166 = arith.constant 0 : i32
        %dma_wait3A_167 = tpu.memref_slice %arg2[%dma_wait3A_165, %dma_wait3A_166] : memref<10240x128xf32, #tpu.memory_space<hbm>> -> memref<10240x128xf32, #tpu.memory_space<hbm>>
        tpu.wait_indirect_dma semaphore(%arg16 : memref<!tpu.dma_semaphore, #tpu.memory_space<semaphore_mem>>) src(%dma_wait3A_167 : memref<10240x128xf32, #tpu.memory_space<hbm>>) dst(%arg12 : memref<128x128xf32, #tpu.memory_space<vmem>>)
        %add3A_168 = arith.constant 1 : i32
        %add3A_169 = arith.addi %mul3A_147, %add3A_168 : i32
        %dma_start3A_170 = arith.constant 0 : i32
        %dma_start3A_171 = tpu.memref_slice %arg9[%add3A_169, %dma_start3A_170] : memref<8x128xi32, #tpu.memory_space<vmem>> -> memref<1x128xi32, #tpu.memory_space<vmem>>
        %dma_start3A_172 = tpu.memref_squeeze %dma_start3A_171 : memref<1x128xi32, #tpu.memory_space<vmem>> -> memref<128xi32, #tpu.memory_space<vmem>>
        %dma_start3A_173 = arith.constant 0 : i32
        %dma_start3A_174 = arith.constant 0 : i32
        %dma_start3A_175 = tpu.memref_slice %arg19[%dma_start3A_173, %dma_start3A_174] : memref<10240x128xf32, #tpu.memory_space<vmem_shared>> -> memref<10240x128xf32, #tpu.memory_space<vmem_shared>>
        tpu.enqueue_indirect_dma source(%arg12 : memref<128x128xf32, #tpu.memory_space<vmem>>) target(%dma_start3A_175 : memref<10240x128xf32, #tpu.memory_space<vmem_shared>>) offsets(%dma_start3A_172 : memref<128xi32, #tpu.memory_space<vmem>>) semaphore(%arg18 : memref<!tpu.dma_semaphore, #tpu.memory_space<semaphore_mem>>) {add = true}
        %add3A_176 = arith.constant 1 : i32
        %add3A_177 = arith.addi %scan3A_145, %add3A_176 : i32
        %lt3A_178 = arith.constant 4 : i32
        %lt3A_179 = arith.cmpi slt, %add3A_177, %lt3A_178 : i32
        %convert_element_type3A_180 = arith.extui %lt3A_179 : i1 to i32
        %cond3A_181 = arith.constant 0 : i32
        %cond3A_182 = arith.cmpi ne, %convert_element_type3A_180, %cond3A_181 : i32
        scf.if %cond3A_182 {
          %dma_wait3A_189 = arith.constant 0 : i32
          %dma_wait3A_190 = tpu.memref_slice %arg9[%add3A_155, %dma_wait3A_189] : memref<8x128xi32, #tpu.memory_space<vmem>> -> memref<1x128xi32, #tpu.memory_space<vmem>>
          %dma_wait3A_191 = tpu.memref_squeeze %dma_wait3A_190 : memref<1x128xi32, #tpu.memory_space<vmem>> -> memref<128xi32, #tpu.memory_space<vmem>>
          %dma_wait3A_192 = arith.constant 0 : i32
          %dma_wait3A_193 = arith.constant 0 : i32
          %dma_wait3A_194 = tpu.memref_slice %arg19[%dma_wait3A_192, %dma_wait3A_193] : memref<10240x128xf32, #tpu.memory_space<vmem_shared>> -> memref<10240x128xf32, #tpu.memory_space<vmem_shared>>
          tpu.wait_indirect_dma semaphore(%arg17 : memref<!tpu.dma_semaphore, #tpu.memory_space<semaphore_mem>>) src(%arg11 : memref<128x128xf32, #tpu.memory_space<vmem>>) dst(%dma_wait3A_194 : memref<10240x128xf32, #tpu.memory_space<vmem_shared>>)
          %add3A_195 = arith.constant 2 : i32
          %add3A_196 = arith.addi %mul3A_147, %add3A_195 : i32
          %add3A_197 = arith.constant 0 : i32
          %add3A_198 = arith.addi %add3A_196, %add3A_197 : i32
          %dma_start3A_199 = arith.constant 0 : i32
          %dma_start3A_200 = tpu.memref_slice %arg7[%add3A_198, %dma_start3A_199] : memref<8x128xi32, #tpu.memory_space<vmem>> -> memref<1x128xi32, #tpu.memory_space<vmem>>
          %dma_start3A_201 = tpu.memref_squeeze %dma_start3A_200 : memref<1x128xi32, #tpu.memory_space<vmem>> -> memref<128xi32, #tpu.memory_space<vmem>>
          %dma_start3A_202 = arith.constant 0 : i32
          %dma_start3A_203 = arith.constant 0 : i32
          %dma_start3A_204 = tpu.memref_slice %arg2[%dma_start3A_202, %dma_start3A_203] : memref<10240x128xf32, #tpu.memory_space<hbm>> -> memref<10240x128xf32, #tpu.memory_space<hbm>>
          tpu.enqueue_indirect_dma source(%dma_start3A_204 : memref<10240x128xf32, #tpu.memory_space<hbm>>) target(%arg11 : memref<128x128xf32, #tpu.memory_space<vmem>>) offsets(%dma_start3A_201 : memref<128xi32, #tpu.memory_space<vmem>>) semaphore(%arg15 : memref<!tpu.dma_semaphore, #tpu.memory_space<semaphore_mem>>)
          %dma_wait3A_205 = arith.constant 0 : i32
          %dma_wait3A_206 = tpu.memref_slice %arg9[%add3A_169, %dma_wait3A_205] : memref<8x128xi32, #tpu.memory_space<vmem>> -> memref<1x128xi32, #tpu.memory_space<vmem>>
          %dma_wait3A_207 = tpu.memref_squeeze %dma_wait3A_206 : memref<1x128xi32, #tpu.memory_space<vmem>> -> memref<128xi32, #tpu.memory_space<vmem>>
          %dma_wait3A_208 = arith.constant 0 : i32
          %dma_wait3A_209 = arith.constant 0 : i32
          %dma_wait3A_210 = tpu.memref_slice %arg19[%dma_wait3A_208, %dma_wait3A_209] : memref<10240x128xf32, #tpu.memory_space<vmem_shared>> -> memref<10240x128xf32, #tpu.memory_space<vmem_shared>>
          tpu.wait_indirect_dma semaphore(%arg18 : memref<!tpu.dma_semaphore, #tpu.memory_space<semaphore_mem>>) src(%arg12 : memref<128x128xf32, #tpu.memory_space<vmem>>) dst(%dma_wait3A_210 : memref<10240x128xf32, #tpu.memory_space<vmem_shared>>)
          %add3A_211 = arith.constant 2 : i32
          %add3A_212 = arith.addi %mul3A_147, %add3A_211 : i32
          %add3A_213 = arith.constant 1 : i32
          %add3A_214 = arith.addi %add3A_212, %add3A_213 : i32
          %dma_start3A_215 = arith.constant 0 : i32
          %dma_start3A_216 = tpu.memref_slice %arg7[%add3A_214, %dma_start3A_215] : memref<8x128xi32, #tpu.memory_space<vmem>> -> memref<1x128xi32, #tpu.memory_space<vmem>>
          %dma_start3A_217 = tpu.memref_squeeze %dma_start3A_216 : memref<1x128xi32, #tpu.memory_space<vmem>> -> memref<128xi32, #tpu.memory_space<vmem>>
          %dma_start3A_218 = arith.constant 0 : i32
          %dma_start3A_219 = arith.constant 0 : i32
          %dma_start3A_220 = tpu.memref_slice %arg2[%dma_start3A_218, %dma_start3A_219] : memref<10240x128xf32, #tpu.memory_space<hbm>> -> memref<10240x128xf32, #tpu.memory_space<hbm>>
          tpu.enqueue_indirect_dma source(%dma_start3A_220 : memref<10240x128xf32, #tpu.memory_space<hbm>>) target(%arg12 : memref<128x128xf32, #tpu.memory_space<vmem>>) offsets(%dma_start3A_217 : memref<128xi32, #tpu.memory_space<vmem>>) semaphore(%arg16 : memref<!tpu.dma_semaphore, #tpu.memory_space<semaphore_mem>>)
        } else {
        }
        %add3A_183 = arith.constant 1 : i32
        %add3A_184 = arith.addi %scan3A_145, %add3A_183 : i32
        %ge3A = arith.constant 4 : i32
        %ge3A_185 = arith.cmpi sge, %add3A_184, %ge3A : i32
        %convert_element_type3A_186 = arith.extui %ge3A_185 : i1 to i32
        %cond3A_187 = arith.constant 0 : i32
        %cond3A_188 = arith.cmpi ne, %convert_element_type3A_186, %cond3A_187 : i32
        scf.if %cond3A_188 {
          %dma_wait3A_189 = arith.constant 0 : i32
          %dma_wait3A_190 = tpu.memref_slice %arg9[%add3A_155, %dma_wait3A_189] : memref<8x128xi32, #tpu.memory_space<vmem>> -> memref<1x128xi32, #tpu.memory_space<vmem>>
          %dma_wait3A_191 = tpu.memref_squeeze %dma_wait3A_190 : memref<1x128xi32, #tpu.memory_space<vmem>> -> memref<128xi32, #tpu.memory_space<vmem>>
          %dma_wait3A_192 = arith.constant 0 : i32
          %dma_wait3A_193 = arith.constant 0 : i32
          %dma_wait3A_194 = tpu.memref_slice %arg19[%dma_wait3A_192, %dma_wait3A_193] : memref<10240x128xf32, #tpu.memory_space<vmem_shared>> -> memref<10240x128xf32, #tpu.memory_space<vmem_shared>>
          tpu.wait_indirect_dma semaphore(%arg17 : memref<!tpu.dma_semaphore, #tpu.memory_space<semaphore_mem>>) src(%arg11 : memref<128x128xf32, #tpu.memory_space<vmem>>) dst(%dma_wait3A_194 : memref<10240x128xf32, #tpu.memory_space<vmem_shared>>)
          %dma_wait3A_195 = arith.constant 0 : i32
          %dma_wait3A_196 = tpu.memref_slice %arg9[%add3A_169, %dma_wait3A_195] : memref<8x128xi32, #tpu.memory_space<vmem>> -> memref<1x128xi32, #tpu.memory_space<vmem>>
          %dma_wait3A_197 = tpu.memref_squeeze %dma_wait3A_196 : memref<1x128xi32, #tpu.memory_space<vmem>> -> memref<128xi32, #tpu.memory_space<vmem>>
          %dma_wait3A_198 = arith.constant 0 : i32
          %dma_wait3A_199 = arith.constant 0 : i32
          %dma_wait3A_200 = tpu.memref_slice %arg19[%dma_wait3A_198, %dma_wait3A_199] : memref<10240x128xf32, #tpu.memory_space<vmem_shared>> -> memref<10240x128xf32, #tpu.memory_space<vmem_shared>>
          tpu.wait_indirect_dma semaphore(%arg18 : memref<!tpu.dma_semaphore, #tpu.memory_space<semaphore_mem>>) src(%arg12 : memref<128x128xf32, #tpu.memory_space<vmem>>) dst(%dma_wait3A_200 : memref<10240x128xf32, #tpu.memory_space<vmem_shared>>)
        } else {
        }
      }
      %scan3A_97 = arith.constant 4 : i32
      %mul3A_98 = arith.constant 2 : i32
      %mul3A_99 = arith.muli %scan3A_54, %mul3A_98 : i32
      %add3A_100 = arith.constant 1 : i32
      %add3A_101 = arith.addi %mul3A_99, %add3A_100 : i32
      %mul3A_102 = arith.constant 8 : i32
      %mul3A_103 = arith.muli %add3A_101, %mul3A_102 : i32
      %dma_wait3A_104 = arith.constant 0 : i32
      %dma_wait3A_105 = tpu.memref_slice %arg3[%add3A, %mul3A_103, %dma_wait3A_104] : memref<32x80x128xi32, #tpu.memory_space<hbm>> -> memref<1x8x128xi32, #tpu.memory_space<hbm>>
      %dma_wait3A_106 = tpu.memref_squeeze %dma_wait3A_105 : memref<1x8x128xi32, #tpu.memory_space<hbm>> -> memref<8x128xi32, #tpu.memory_space<hbm>>
      %dma_wait3A_107 = arith.constant 0 : i32
      %dma_wait3A_108 = tpu.memref_slice %arg3[%add3A, %mul3A_103, %dma_wait3A_107] : memref<32x80x128xi32, #tpu.memory_space<hbm>> -> memref<1x8x128xi32, #tpu.memory_space<hbm>>
      %dma_wait3A_109 = tpu.memref_squeeze %dma_wait3A_108 : memref<1x8x128xi32, #tpu.memory_space<hbm>> -> memref<8x128xi32, #tpu.memory_space<hbm>>
      tpu.wait_dma2 semaphore(%arg14 : memref<!tpu.dma_semaphore, #tpu.memory_space<semaphore_mem>>) src(%dma_wait3A_109 : memref<8x128xi32, #tpu.memory_space<hbm>>) dst(%arg8 : memref<8x128xi32, #tpu.memory_space<vmem>>)
      %dma_wait3A_110 = arith.constant 0 : i32
      %dma_wait3A_111 = tpu.memref_slice %arg4[%add3A, %mul3A_103, %dma_wait3A_110] : memref<32x80x128xi32, #tpu.memory_space<hbm>> -> memref<1x8x128xi32, #tpu.memory_space<hbm>>
      %dma_wait3A_112 = tpu.memref_squeeze %dma_wait3A_111 : memref<1x8x128xi32, #tpu.memory_space<hbm>> -> memref<8x128xi32, #tpu.memory_space<hbm>>
      %dma_wait3A_113 = arith.constant 0 : i32
      %dma_wait3A_114 = tpu.memref_slice %arg4[%add3A, %mul3A_103, %dma_wait3A_113] : memref<32x80x128xi32, #tpu.memory_space<hbm>> -> memref<1x8x128xi32, #tpu.memory_space<hbm>>
      %dma_wait3A_115 = tpu.memref_squeeze %dma_wait3A_114 : memref<1x8x128xi32, #tpu.memory_space<hbm>> -> memref<8x128xi32, #tpu.memory_space<hbm>>
      tpu.wait_dma2 semaphore(%arg14 : memref<!tpu.dma_semaphore, #tpu.memory_space<semaphore_mem>>) src(%dma_wait3A_115 : memref<8x128xi32, #tpu.memory_space<hbm>>) dst(%arg10 : memref<8x128xi32, #tpu.memory_space<vmem>>)
      %add3A_116 = arith.constant 1 : i32
      %add3A_117 = arith.addi %add3A_101, %add3A_116 : i32
      %lt3A_118 = arith.constant 10 : i32
      %lt3A_119 = arith.cmpi slt, %add3A_117, %lt3A_118 : i32
      %convert_element_type3A_120 = arith.extui %lt3A_119 : i1 to i32
      %cond3A_121 = arith.constant 0 : i32
      %cond3A_122 = arith.cmpi ne, %convert_element_type3A_120, %cond3A_121 : i32
      scf.if %cond3A_122 {
        %add3A_145 = arith.constant 1 : i32
        %add3A_146 = arith.addi %add3A_101, %add3A_145 : i32
        %mul3A_147 = arith.constant 8 : i32
        %mul3A_148 = arith.muli %add3A_146, %mul3A_147 : i32
        %dma_start3A_149 = arith.constant 0 : i32
        %dma_start3A_150 = tpu.memref_slice %arg3[%add3A, %mul3A_148, %dma_start3A_149] : memref<32x80x128xi32, #tpu.memory_space<hbm>> -> memref<1x8x128xi32, #tpu.memory_space<hbm>>
        %dma_start3A_151 = tpu.memref_squeeze %dma_start3A_150 : memref<1x8x128xi32, #tpu.memory_space<hbm>> -> memref<8x128xi32, #tpu.memory_space<hbm>>
        %dma_start3A_152 = arith.constant 0 : i32
        %dma_start3A_153 = tpu.memref_slice %arg3[%add3A, %mul3A_148, %dma_start3A_152] : memref<32x80x128xi32, #tpu.memory_space<hbm>> -> memref<1x8x128xi32, #tpu.memory_space<hbm>>
        %dma_start3A_154 = tpu.memref_squeeze %dma_start3A_153 : memref<1x8x128xi32, #tpu.memory_space<hbm>> -> memref<8x128xi32, #tpu.memory_space<hbm>>
        tpu.enqueue_dma source(%dma_start3A_154 : memref<8x128xi32, #tpu.memory_space<hbm>>) target(%arg7 : memref<8x128xi32, #tpu.memory_space<vmem>>) target_semaphore(%arg13 : memref<!tpu.dma_semaphore, #tpu.memory_space<semaphore_mem>>)
        %dma_start3A_155 = arith.constant 0 : i32
        %dma_start3A_156 = tpu.memref_slice %arg4[%add3A, %mul3A_148, %dma_start3A_155] : memref<32x80x128xi32, #tpu.memory_space<hbm>> -> memref<1x8x128xi32, #tpu.memory_space<hbm>>
        %dma_start3A_157 = tpu.memref_squeeze %dma_start3A_156 : memref<1x8x128xi32, #tpu.memory_space<hbm>> -> memref<8x128xi32, #tpu.memory_space<hbm>>
        %dma_start3A_158 = arith.constant 0 : i32
        %dma_start3A_159 = tpu.memref_slice %arg4[%add3A, %mul3A_148, %dma_start3A_158] : memref<32x80x128xi32, #tpu.memory_space<hbm>> -> memref<1x8x128xi32, #tpu.memory_space<hbm>>
        %dma_start3A_160 = tpu.memref_squeeze %dma_start3A_159 : memref<1x8x128xi32, #tpu.memory_space<hbm>> -> memref<8x128xi32, #tpu.memory_space<hbm>>
        tpu.enqueue_dma source(%dma_start3A_160 : memref<8x128xi32, #tpu.memory_space<hbm>>) target(%arg9 : memref<8x128xi32, #tpu.memory_space<vmem>>) target_semaphore(%arg13 : memref<!tpu.dma_semaphore, #tpu.memory_space<semaphore_mem>>)
      } else {
      }
      %dma_start3A_123 = arith.constant 0 : i32
      %dma_start3A_124 = arith.constant 0 : i32
      %dma_start3A_125 = tpu.memref_slice %arg8[%dma_start3A_123, %dma_start3A_124] : memref<8x128xi32, #tpu.memory_space<vmem>> -> memref<1x128xi32, #tpu.memory_space<vmem>>
      %dma_start3A_126 = tpu.memref_squeeze %dma_start3A_125 : memref<1x128xi32, #tpu.memory_space<vmem>> -> memref<128xi32, #tpu.memory_space<vmem>>
      %dma_start3A_127 = arith.constant 0 : i32
      %dma_start3A_128 = arith.constant 0 : i32
      %dma_start3A_129 = tpu.memref_slice %arg2[%dma_start3A_127, %dma_start3A_128] : memref<10240x128xf32, #tpu.memory_space<hbm>> -> memref<10240x128xf32, #tpu.memory_space<hbm>>
      tpu.enqueue_indirect_dma source(%dma_start3A_129 : memref<10240x128xf32, #tpu.memory_space<hbm>>) target(%arg11 : memref<128x128xf32, #tpu.memory_space<vmem>>) offsets(%dma_start3A_126 : memref<128xi32, #tpu.memory_space<vmem>>) semaphore(%arg15 : memref<!tpu.dma_semaphore, #tpu.memory_space<semaphore_mem>>)
      %dma_start3A_130 = arith.constant 1 : i32
      %dma_start3A_131 = arith.constant 0 : i32
      %dma_start3A_132 = tpu.memref_slice %arg8[%dma_start3A_130, %dma_start3A_131] : memref<8x128xi32, #tpu.memory_space<vmem>> -> memref<1x128xi32, #tpu.memory_space<vmem>>
      %dma_start3A_133 = tpu.memref_squeeze %dma_start3A_132 : memref<1x128xi32, #tpu.memory_space<vmem>> -> memref<128xi32, #tpu.memory_space<vmem>>
      %dma_start3A_134 = arith.constant 0 : i32
      %dma_start3A_135 = arith.constant 0 : i32
      %dma_start3A_136 = tpu.memref_slice %arg2[%dma_start3A_134, %dma_start3A_135] : memref<10240x128xf32, #tpu.memory_space<hbm>> -> memref<10240x128xf32, #tpu.memory_space<hbm>>
      tpu.enqueue_indirect_dma source(%dma_start3A_136 : memref<10240x128xf32, #tpu.memory_space<hbm>>) target(%arg12 : memref<128x128xf32, #tpu.memory_space<vmem>>) offsets(%dma_start3A_133 : memref<128xi32, #tpu.memory_space<vmem>>) semaphore(%arg16 : memref<!tpu.dma_semaphore, #tpu.memory_space<semaphore_mem>>)
      %scan3A_137 = arith.constant 0 : i32
      %scan3A_138 = arith.constant 0 : i32
      %scan3A_139 = arith.constant 1 : i32
      %scan3A_140 = arith.constant 0 : i32
      %scan3A_141 = arith.constant 4 : i32
      %scan3A_142 = arith.addi %scan3A_140, %scan3A_141 : i32
      %scan3A_143 = arith.constant 1 : i32
      scf.for %scan3A_145 = %scan3A_140 to %scan3A_142 step %scan3A_143  : i32 {
        %mul3A_146 = arith.constant 2 : i32
        %mul3A_147 = arith.muli %scan3A_145, %mul3A_146 : i32
        %dma_wait3A_148 = arith.constant 0 : i32
        %dma_wait3A_149 = tpu.memref_slice %arg8[%scan3A_138, %dma_wait3A_148] : memref<8x128xi32, #tpu.memory_space<vmem>> -> memref<1x128xi32, #tpu.memory_space<vmem>>
        %dma_wait3A_150 = tpu.memref_squeeze %dma_wait3A_149 : memref<1x128xi32, #tpu.memory_space<vmem>> -> memref<128xi32, #tpu.memory_space<vmem>>
        %dma_wait3A_151 = arith.constant 0 : i32
        %dma_wait3A_152 = arith.constant 0 : i32
        %dma_wait3A_153 = tpu.memref_slice %arg2[%dma_wait3A_151, %dma_wait3A_152] : memref<10240x128xf32, #tpu.memory_space<hbm>> -> memref<10240x128xf32, #tpu.memory_space<hbm>>
        tpu.wait_indirect_dma semaphore(%arg15 : memref<!tpu.dma_semaphore, #tpu.memory_space<semaphore_mem>>) src(%dma_wait3A_153 : memref<10240x128xf32, #tpu.memory_space<hbm>>) dst(%arg11 : memref<128x128xf32, #tpu.memory_space<vmem>>)
        %add3A_154 = arith.constant 0 : i32
        %add3A_155 = arith.addi %mul3A_147, %add3A_154 : i32
        %dma_start3A_156 = arith.constant 0 : i32
        %dma_start3A_157 = tpu.memref_slice %arg10[%add3A_155, %dma_start3A_156] : memref<8x128xi32, #tpu.memory_space<vmem>> -> memref<1x128xi32, #tpu.memory_space<vmem>>
        %dma_start3A_158 = tpu.memref_squeeze %dma_start3A_157 : memref<1x128xi32, #tpu.memory_space<vmem>> -> memref<128xi32, #tpu.memory_space<vmem>>
        %dma_start3A_159 = arith.constant 0 : i32
        %dma_start3A_160 = arith.constant 0 : i32
        %dma_start3A_161 = tpu.memref_slice %arg19[%dma_start3A_159, %dma_start3A_160] : memref<10240x128xf32, #tpu.memory_space<vmem_shared>> -> memref<10240x128xf32, #tpu.memory_space<vmem_shared>>
        tpu.enqueue_indirect_dma source(%arg11 : memref<128x128xf32, #tpu.memory_space<vmem>>) target(%dma_start3A_161 : memref<10240x128xf32, #tpu.memory_space<vmem_shared>>) offsets(%dma_start3A_158 : memref<128xi32, #tpu.memory_space<vmem>>) semaphore(%arg17 : memref<!tpu.dma_semaphore, #tpu.memory_space<semaphore_mem>>) {add = true}
        %dma_wait3A_162 = arith.constant 0 : i32
        %dma_wait3A_163 = tpu.memref_slice %arg8[%scan3A_139, %dma_wait3A_162] : memref<8x128xi32, #tpu.memory_space<vmem>> -> memref<1x128xi32, #tpu.memory_space<vmem>>
        %dma_wait3A_164 = tpu.memref_squeeze %dma_wait3A_163 : memref<1x128xi32, #tpu.memory_space<vmem>> -> memref<128xi32, #tpu.memory_space<vmem>>
        %dma_wait3A_165 = arith.constant 0 : i32
        %dma_wait3A_166 = arith.constant 0 : i32
        %dma_wait3A_167 = tpu.memref_slice %arg2[%dma_wait3A_165, %dma_wait3A_166] : memref<10240x128xf32, #tpu.memory_space<hbm>> -> memref<10240x128xf32, #tpu.memory_space<hbm>>
        tpu.wait_indirect_dma semaphore(%arg16 : memref<!tpu.dma_semaphore, #tpu.memory_space<semaphore_mem>>) src(%dma_wait3A_167 : memref<10240x128xf32, #tpu.memory_space<hbm>>) dst(%arg12 : memref<128x128xf32, #tpu.memory_space<vmem>>)
        %add3A_168 = arith.constant 1 : i32
        %add3A_169 = arith.addi %mul3A_147, %add3A_168 : i32
        %dma_start3A_170 = arith.constant 0 : i32
        %dma_start3A_171 = tpu.memref_slice %arg10[%add3A_169, %dma_start3A_170] : memref<8x128xi32, #tpu.memory_space<vmem>> -> memref<1x128xi32, #tpu.memory_space<vmem>>
        %dma_start3A_172 = tpu.memref_squeeze %dma_start3A_171 : memref<1x128xi32, #tpu.memory_space<vmem>> -> memref<128xi32, #tpu.memory_space<vmem>>
        %dma_start3A_173 = arith.constant 0 : i32
        %dma_start3A_174 = arith.constant 0 : i32
        %dma_start3A_175 = tpu.memref_slice %arg19[%dma_start3A_173, %dma_start3A_174] : memref<10240x128xf32, #tpu.memory_space<vmem_shared>> -> memref<10240x128xf32, #tpu.memory_space<vmem_shared>>
        tpu.enqueue_indirect_dma source(%arg12 : memref<128x128xf32, #tpu.memory_space<vmem>>) target(%dma_start3A_175 : memref<10240x128xf32, #tpu.memory_space<vmem_shared>>) offsets(%dma_start3A_172 : memref<128xi32, #tpu.memory_space<vmem>>) semaphore(%arg18 : memref<!tpu.dma_semaphore, #tpu.memory_space<semaphore_mem>>) {add = true}
        %add3A_176 = arith.constant 1 : i32
        %add3A_177 = arith.addi %scan3A_145, %add3A_176 : i32
        %lt3A_178 = arith.constant 4 : i32
        %lt3A_179 = arith.cmpi slt, %add3A_177, %lt3A_178 : i32
        %convert_element_type3A_180 = arith.extui %lt3A_179 : i1 to i32
        %cond3A_181 = arith.constant 0 : i32
        %cond3A_182 = arith.cmpi ne, %convert_element_type3A_180, %cond3A_181 : i32
        scf.if %cond3A_182 {
          %dma_wait3A_189 = arith.constant 0 : i32
          %dma_wait3A_190 = tpu.memref_slice %arg10[%add3A_155, %dma_wait3A_189] : memref<8x128xi32, #tpu.memory_space<vmem>> -> memref<1x128xi32, #tpu.memory_space<vmem>>
          %dma_wait3A_191 = tpu.memref_squeeze %dma_wait3A_190 : memref<1x128xi32, #tpu.memory_space<vmem>> -> memref<128xi32, #tpu.memory_space<vmem>>
          %dma_wait3A_192 = arith.constant 0 : i32
          %dma_wait3A_193 = arith.constant 0 : i32
          %dma_wait3A_194 = tpu.memref_slice %arg19[%dma_wait3A_192, %dma_wait3A_193] : memref<10240x128xf32, #tpu.memory_space<vmem_shared>> -> memref<10240x128xf32, #tpu.memory_space<vmem_shared>>
          tpu.wait_indirect_dma semaphore(%arg17 : memref<!tpu.dma_semaphore, #tpu.memory_space<semaphore_mem>>) src(%arg11 : memref<128x128xf32, #tpu.memory_space<vmem>>) dst(%dma_wait3A_194 : memref<10240x128xf32, #tpu.memory_space<vmem_shared>>)
          %add3A_195 = arith.constant 2 : i32
          %add3A_196 = arith.addi %mul3A_147, %add3A_195 : i32
          %add3A_197 = arith.constant 0 : i32
          %add3A_198 = arith.addi %add3A_196, %add3A_197 : i32
          %dma_start3A_199 = arith.constant 0 : i32
          %dma_start3A_200 = tpu.memref_slice %arg8[%add3A_198, %dma_start3A_199] : memref<8x128xi32, #tpu.memory_space<vmem>> -> memref<1x128xi32, #tpu.memory_space<vmem>>
          %dma_start3A_201 = tpu.memref_squeeze %dma_start3A_200 : memref<1x128xi32, #tpu.memory_space<vmem>> -> memref<128xi32, #tpu.memory_space<vmem>>
          %dma_start3A_202 = arith.constant 0 : i32
          %dma_start3A_203 = arith.constant 0 : i32
          %dma_start3A_204 = tpu.memref_slice %arg2[%dma_start3A_202, %dma_start3A_203] : memref<10240x128xf32, #tpu.memory_space<hbm>> -> memref<10240x128xf32, #tpu.memory_space<hbm>>
          tpu.enqueue_indirect_dma source(%dma_start3A_204 : memref<10240x128xf32, #tpu.memory_space<hbm>>) target(%arg11 : memref<128x128xf32, #tpu.memory_space<vmem>>) offsets(%dma_start3A_201 : memref<128xi32, #tpu.memory_space<vmem>>) semaphore(%arg15 : memref<!tpu.dma_semaphore, #tpu.memory_space<semaphore_mem>>)
          %dma_wait3A_205 = arith.constant 0 : i32
          %dma_wait3A_206 = tpu.memref_slice %arg10[%add3A_169, %dma_wait3A_205] : memref<8x128xi32, #tpu.memory_space<vmem>> -> memref<1x128xi32, #tpu.memory_space<vmem>>
          %dma_wait3A_207 = tpu.memref_squeeze %dma_wait3A_206 : memref<1x128xi32, #tpu.memory_space<vmem>> -> memref<128xi32, #tpu.memory_space<vmem>>
          %dma_wait3A_208 = arith.constant 0 : i32
          %dma_wait3A_209 = arith.constant 0 : i32
          %dma_wait3A_210 = tpu.memref_slice %arg19[%dma_wait3A_208, %dma_wait3A_209] : memref<10240x128xf32, #tpu.memory_space<vmem_shared>> -> memref<10240x128xf32, #tpu.memory_space<vmem_shared>>
          tpu.wait_indirect_dma semaphore(%arg18 : memref<!tpu.dma_semaphore, #tpu.memory_space<semaphore_mem>>) src(%arg12 : memref<128x128xf32, #tpu.memory_space<vmem>>) dst(%dma_wait3A_210 : memref<10240x128xf32, #tpu.memory_space<vmem_shared>>)
          %add3A_211 = arith.constant 2 : i32
          %add3A_212 = arith.addi %mul3A_147, %add3A_211 : i32
          %add3A_213 = arith.constant 1 : i32
          %add3A_214 = arith.addi %add3A_212, %add3A_213 : i32
          %dma_start3A_215 = arith.constant 0 : i32
          %dma_start3A_216 = tpu.memref_slice %arg8[%add3A_214, %dma_start3A_215] : memref<8x128xi32, #tpu.memory_space<vmem>> -> memref<1x128xi32, #tpu.memory_space<vmem>>
          %dma_start3A_217 = tpu.memref_squeeze %dma_start3A_216 : memref<1x128xi32, #tpu.memory_space<vmem>> -> memref<128xi32, #tpu.memory_space<vmem>>
          %dma_start3A_218 = arith.constant 0 : i32
          %dma_start3A_219 = arith.constant 0 : i32
          %dma_start3A_220 = tpu.memref_slice %arg2[%dma_start3A_218, %dma_start3A_219] : memref<10240x128xf32, #tpu.memory_space<hbm>> -> memref<10240x128xf32, #tpu.memory_space<hbm>>
          tpu.enqueue_indirect_dma source(%dma_start3A_220 : memref<10240x128xf32, #tpu.memory_space<hbm>>) target(%arg12 : memref<128x128xf32, #tpu.memory_space<vmem>>) offsets(%dma_start3A_217 : memref<128xi32, #tpu.memory_space<vmem>>) semaphore(%arg16 : memref<!tpu.dma_semaphore, #tpu.memory_space<semaphore_mem>>)
        } else {
        }
        %add3A_183 = arith.constant 1 : i32
        %add3A_184 = arith.addi %scan3A_145, %add3A_183 : i32
        %ge3A = arith.constant 4 : i32
        %ge3A_185 = arith.cmpi sge, %add3A_184, %ge3A : i32
        %convert_element_type3A_186 = arith.extui %ge3A_185 : i1 to i32
        %cond3A_187 = arith.constant 0 : i32
        %cond3A_188 = arith.cmpi ne, %convert_element_type3A_186, %cond3A_187 : i32
        scf.if %cond3A_188 {
          %dma_wait3A_189 = arith.constant 0 : i32
          %dma_wait3A_190 = tpu.memref_slice %arg10[%add3A_155, %dma_wait3A_189] : memref<8x128xi32, #tpu.memory_space<vmem>> -> memref<1x128xi32, #tpu.memory_space<vmem>>
          %dma_wait3A_191 = tpu.memref_squeeze %dma_wait3A_190 : memref<1x128xi32, #tpu.memory_space<vmem>> -> memref<128xi32, #tpu.memory_space<vmem>>
          %dma_wait3A_192 = arith.constant 0 : i32
          %dma_wait3A_193 = arith.constant 0 : i32
          %dma_wait3A_194 = tpu.memref_slice %arg19[%dma_wait3A_192, %dma_wait3A_193] : memref<10240x128xf32, #tpu.memory_space<vmem_shared>> -> memref<10240x128xf32, #tpu.memory_space<vmem_shared>>
          tpu.wait_indirect_dma semaphore(%arg17 : memref<!tpu.dma_semaphore, #tpu.memory_space<semaphore_mem>>) src(%arg11 : memref<128x128xf32, #tpu.memory_space<vmem>>) dst(%dma_wait3A_194 : memref<10240x128xf32, #tpu.memory_space<vmem_shared>>)
          %dma_wait3A_195 = arith.constant 0 : i32
          %dma_wait3A_196 = tpu.memref_slice %arg10[%add3A_169, %dma_wait3A_195] : memref<8x128xi32, #tpu.memory_space<vmem>> -> memref<1x128xi32, #tpu.memory_space<vmem>>
          %dma_wait3A_197 = tpu.memref_squeeze %dma_wait3A_196 : memref<1x128xi32, #tpu.memory_space<vmem>> -> memref<128xi32, #tpu.memory_space<vmem>>
          %dma_wait3A_198 = arith.constant 0 : i32
          %dma_wait3A_199 = arith.constant 0 : i32
          %dma_wait3A_200 = tpu.memref_slice %arg19[%dma_wait3A_198, %dma_wait3A_199] : memref<10240x128xf32, #tpu.memory_space<vmem_shared>> -> memref<10240x128xf32, #tpu.memory_space<vmem_shared>>
          tpu.wait_indirect_dma semaphore(%arg18 : memref<!tpu.dma_semaphore, #tpu.memory_space<semaphore_mem>>) src(%arg12 : memref<128x128xf32, #tpu.memory_space<vmem>>) dst(%dma_wait3A_200 : memref<10240x128xf32, #tpu.memory_space<vmem_shared>>)
        } else {
        }
      }
      %scan3A_144 = arith.constant 4 : i32
    }
    %scan3A_32 = arith.constant 5 : i32
    %barrier3A_33 = arith.constant 0 : index
    tpu.barrier barrier_id(%barrier3A_33)
    %add3A_34 = arith.constant 0 : i32
    %add3A_35 = arith.addi %mul3A_2, %add3A_34 : i32
    "tpu.region"() ({
      %run_scoped3A = tpu.sem_alloc : memref<!tpu.dma_semaphore, #tpu.memory_space<semaphore_mem>>
      %dma_start3A_54 = arith.constant 0 : i32
      %dma_start3A_55 = tpu.memref_slice %arg19[%add3A_35, %dma_start3A_54] : memref<10240x128xf32, #tpu.memory_space<vmem_shared>> -> memref<128x128xf32, #tpu.memory_space<vmem_shared>>
      %dma_start3A_56 = arith.constant 0 : i32
      %dma_start3A_57 = tpu.memref_slice %arg19[%add3A_35, %dma_start3A_56] : memref<10240x128xf32, #tpu.memory_space<vmem_shared>> -> memref<128x128xf32, #tpu.memory_space<vmem_shared>>
      tpu.enqueue_dma source(%dma_start3A_57 : memref<128x128xf32, #tpu.memory_space<vmem_shared>>) target(%arg11 : memref<128x128xf32, #tpu.memory_space<vmem>>) target_semaphore(%run_scoped3A : memref<!tpu.dma_semaphore, #tpu.memory_space<semaphore_mem>>)
      %dma_wait3A = arith.constant 0 : i32
      %dma_wait3A_58 = tpu.memref_slice %arg19[%add3A_35, %dma_wait3A] : memref<10240x128xf32, #tpu.memory_space<vmem_shared>> -> memref<128x128xf32, #tpu.memory_space<vmem_shared>>
      %dma_wait3A_59 = arith.constant 0 : i32
      %dma_wait3A_60 = tpu.memref_slice %arg19[%add3A_35, %dma_wait3A_59] : memref<10240x128xf32, #tpu.memory_space<vmem_shared>> -> memref<128x128xf32, #tpu.memory_space<vmem_shared>>
      tpu.wait_dma2 semaphore(%run_scoped3A : memref<!tpu.dma_semaphore, #tpu.memory_space<semaphore_mem>>) src(%dma_wait3A_60 : memref<128x128xf32, #tpu.memory_space<vmem_shared>>) dst(%arg11 : memref<128x128xf32, #tpu.memory_space<vmem>>)
      tpu.yield
    }) : () -> ()
    %add3A_36 = arith.constant 0 : i32
    %add3A_37 = arith.addi %mul3A_2, %add3A_36 : i32
    "tpu.region"() ({
      %run_scoped3A = tpu.sem_alloc : memref<!tpu.dma_semaphore, #tpu.memory_space<semaphore_mem>>
      %dma_start3A_54 = arith.constant 0 : i32
      %dma_start3A_55 = tpu.memref_slice %arg6[%arg0, %add3A_37, %dma_start3A_54] : memref<2x10240x128xf32, #tpu.memory_space<hbm>> -> memref<1x128x128xf32, #tpu.memory_space<hbm>>
      %dma_start3A_56 = tpu.memref_squeeze %dma_start3A_55 : memref<1x128x128xf32, #tpu.memory_space<hbm>> -> memref<128x128xf32, #tpu.memory_space<hbm>>
      %dma_start3A_57 = arith.constant 0 : i32
      %dma_start3A_58 = tpu.memref_slice %arg6[%arg0, %add3A_37, %dma_start3A_57] : memref<2x10240x128xf32, #tpu.memory_space<hbm>> -> memref<1x128x128xf32, #tpu.memory_space<hbm>>
      %dma_start3A_59 = tpu.memref_squeeze %dma_start3A_58 : memref<1x128x128xf32, #tpu.memory_space<hbm>> -> memref<128x128xf32, #tpu.memory_space<hbm>>
      tpu.enqueue_dma source(%arg11 : memref<128x128xf32, #tpu.memory_space<vmem>>) target(%dma_start3A_59 : memref<128x128xf32, #tpu.memory_space<hbm>>) target_semaphore(%run_scoped3A : memref<!tpu.dma_semaphore, #tpu.memory_space<semaphore_mem>>)
      %dma_wait3A = arith.constant 0 : i32
      %dma_wait3A_60 = tpu.memref_slice %arg6[%arg0, %add3A_37, %dma_wait3A] : memref<2x10240x128xf32, #tpu.memory_space<hbm>> -> memref<1x128x128xf32, #tpu.memory_space<hbm>>
      %dma_wait3A_61 = tpu.memref_squeeze %dma_wait3A_60 : memref<1x128x128xf32, #tpu.memory_space<hbm>> -> memref<128x128xf32, #tpu.memory_space<hbm>>
      %dma_wait3A_62 = arith.constant 0 : i32
      %dma_wait3A_63 = tpu.memref_slice %arg6[%arg0, %add3A_37, %dma_wait3A_62] : memref<2x10240x128xf32, #tpu.memory_space<hbm>> -> memref<1x128x128xf32, #tpu.memory_space<hbm>>
      %dma_wait3A_64 = tpu.memref_squeeze %dma_wait3A_63 : memref<1x128x128xf32, #tpu.memory_space<hbm>> -> memref<128x128xf32, #tpu.memory_space<hbm>>
      tpu.wait_dma2 semaphore(%run_scoped3A : memref<!tpu.dma_semaphore, #tpu.memory_space<semaphore_mem>>) src(%arg11 : memref<128x128xf32, #tpu.memory_space<vmem>>) dst(%dma_wait3A_64 : memref<128x128xf32, #tpu.memory_space<hbm>>)
      tpu.yield
    }) : () -> ()
    %add3A_38 = arith.constant 128 : i32
    %add3A_39 = arith.addi %mul3A_2, %add3A_38 : i32
    "tpu.region"() ({
      %run_scoped3A = tpu.sem_alloc : memref<!tpu.dma_semaphore, #tpu.memory_space<semaphore_mem>>
      %dma_start3A_54 = arith.constant 0 : i32
      %dma_start3A_55 = tpu.memref_slice %arg19[%add3A_39, %dma_start3A_54] : memref<10240x128xf32, #tpu.memory_space<vmem_shared>> -> memref<128x128xf32, #tpu.memory_space<vmem_shared>>
      %dma_start3A_56 = arith.constant 0 : i32
      %dma_start3A_57 = tpu.memref_slice %arg19[%add3A_39, %dma_start3A_56] : memref<10240x128xf32, #tpu.memory_space<vmem_shared>> -> memref<128x128xf32, #tpu.memory_space<vmem_shared>>
      tpu.enqueue_dma source(%dma_start3A_57 : memref<128x128xf32, #tpu.memory_space<vmem_shared>>) target(%arg12 : memref<128x128xf32, #tpu.memory_space<vmem>>) target_semaphore(%run_scoped3A : memref<!tpu.dma_semaphore, #tpu.memory_space<semaphore_mem>>)
      %dma_wait3A = arith.constant 0 : i32
      %dma_wait3A_58 = tpu.memref_slice %arg19[%add3A_39, %dma_wait3A] : memref<10240x128xf32, #tpu.memory_space<vmem_shared>> -> memref<128x128xf32, #tpu.memory_space<vmem_shared>>
      %dma_wait3A_59 = arith.constant 0 : i32
      %dma_wait3A_60 = tpu.memref_slice %arg19[%add3A_39, %dma_wait3A_59] : memref<10240x128xf32, #tpu.memory_space<vmem_shared>> -> memref<128x128xf32, #tpu.memory_space<vmem_shared>>
      tpu.wait_dma2 semaphore(%run_scoped3A : memref<!tpu.dma_semaphore, #tpu.memory_space<semaphore_mem>>) src(%dma_wait3A_60 : memref<128x128xf32, #tpu.memory_space<vmem_shared>>) dst(%arg12 : memref<128x128xf32, #tpu.memory_space<vmem>>)
      tpu.yield
    }) : () -> ()
    %add3A_40 = arith.constant 128 : i32
    %add3A_41 = arith.addi %mul3A_2, %add3A_40 : i32
    "tpu.region"() ({
      %run_scoped3A = tpu.sem_alloc : memref<!tpu.dma_semaphore, #tpu.memory_space<semaphore_mem>>
      %dma_start3A_54 = arith.constant 0 : i32
      %dma_start3A_55 = tpu.memref_slice %arg6[%arg0, %add3A_41, %dma_start3A_54] : memref<2x10240x128xf32, #tpu.memory_space<hbm>> -> memref<1x128x128xf32, #tpu.memory_space<hbm>>
      %dma_start3A_56 = tpu.memref_squeeze %dma_start3A_55 : memref<1x128x128xf32, #tpu.memory_space<hbm>> -> memref<128x128xf32, #tpu.memory_space<hbm>>
      %dma_start3A_57 = arith.constant 0 : i32
      %dma_start3A_58 = tpu.memref_slice %arg6[%arg0, %add3A_41, %dma_start3A_57] : memref<2x10240x128xf32, #tpu.memory_space<hbm>> -> memref<1x128x128xf32, #tpu.memory_space<hbm>>
      %dma_start3A_59 = tpu.memref_squeeze %dma_start3A_58 : memref<1x128x128xf32, #tpu.memory_space<hbm>> -> memref<128x128xf32, #tpu.memory_space<hbm>>
      tpu.enqueue_dma source(%arg12 : memref<128x128xf32, #tpu.memory_space<vmem>>) target(%dma_start3A_59 : memref<128x128xf32, #tpu.memory_space<hbm>>) target_semaphore(%run_scoped3A : memref<!tpu.dma_semaphore, #tpu.memory_space<semaphore_mem>>)
      %dma_wait3A = arith.constant 0 : i32
      %dma_wait3A_60 = tpu.memref_slice %arg6[%arg0, %add3A_41, %dma_wait3A] : memref<2x10240x128xf32, #tpu.memory_space<hbm>> -> memref<1x128x128xf32, #tpu.memory_space<hbm>>
      %dma_wait3A_61 = tpu.memref_squeeze %dma_wait3A_60 : memref<1x128x128xf32, #tpu.memory_space<hbm>> -> memref<128x128xf32, #tpu.memory_space<hbm>>
      %dma_wait3A_62 = arith.constant 0 : i32
      %dma_wait3A_63 = tpu.memref_slice %arg6[%arg0, %add3A_41, %dma_wait3A_62] : memref<2x10240x128xf32, #tpu.memory_space<hbm>> -> memref<1x128x128xf32, #tpu.memory_space<hbm>>
      %dma_wait3A_64 = tpu.memref_squeeze %dma_wait3A_63 : memref<1x128x128xf32, #tpu.memory_space<hbm>> -> memref<128x128xf32, #tpu.memory_space<hbm>>
      tpu.wait_dma2 semaphore(%run_scoped3A : memref<!tpu.dma_semaphore, #tpu.memory_space<semaphore_mem>>) src(%arg12 : memref<128x128xf32, #tpu.memory_space<vmem>>) dst(%dma_wait3A_64 : memref<128x128xf32, #tpu.memory_space<hbm>>)
      tpu.yield
    }) : () -> ()
    %add3A_42 = arith.constant 256 : i32
    %add3A_43 = arith.addi %mul3A_2, %add3A_42 : i32
    "tpu.region"() ({
      %run_scoped3A = tpu.sem_alloc : memref<!tpu.dma_semaphore, #tpu.memory_space<semaphore_mem>>
      %dma_start3A_54 = arith.constant 0 : i32
      %dma_start3A_55 = tpu.memref_slice %arg19[%add3A_43, %dma_start3A_54] : memref<10240x128xf32, #tpu.memory_space<vmem_shared>> -> memref<128x128xf32, #tpu.memory_space<vmem_shared>>
      %dma_start3A_56 = arith.constant 0 : i32
      %dma_start3A_57 = tpu.memref_slice %arg19[%add3A_43, %dma_start3A_56] : memref<10240x128xf32, #tpu.memory_space<vmem_shared>> -> memref<128x128xf32, #tpu.memory_space<vmem_shared>>
      tpu.enqueue_dma source(%dma_start3A_57 : memref<128x128xf32, #tpu.memory_space<vmem_shared>>) target(%arg11 : memref<128x128xf32, #tpu.memory_space<vmem>>) target_semaphore(%run_scoped3A : memref<!tpu.dma_semaphore, #tpu.memory_space<semaphore_mem>>)
      %dma_wait3A = arith.constant 0 : i32
      %dma_wait3A_58 = tpu.memref_slice %arg19[%add3A_43, %dma_wait3A] : memref<10240x128xf32, #tpu.memory_space<vmem_shared>> -> memref<128x128xf32, #tpu.memory_space<vmem_shared>>
      %dma_wait3A_59 = arith.constant 0 : i32
      %dma_wait3A_60 = tpu.memref_slice %arg19[%add3A_43, %dma_wait3A_59] : memref<10240x128xf32, #tpu.memory_space<vmem_shared>> -> memref<128x128xf32, #tpu.memory_space<vmem_shared>>
      tpu.wait_dma2 semaphore(%run_scoped3A : memref<!tpu.dma_semaphore, #tpu.memory_space<semaphore_mem>>) src(%dma_wait3A_60 : memref<128x128xf32, #tpu.memory_space<vmem_shared>>) dst(%arg11 : memref<128x128xf32, #tpu.memory_space<vmem>>)
      tpu.yield
    }) : () -> ()
    %add3A_44 = arith.constant 256 : i32
    %add3A_45 = arith.addi %mul3A_2, %add3A_44 : i32
    "tpu.region"() ({
      %run_scoped3A = tpu.sem_alloc : memref<!tpu.dma_semaphore, #tpu.memory_space<semaphore_mem>>
      %dma_start3A_54 = arith.constant 0 : i32
      %dma_start3A_55 = tpu.memref_slice %arg6[%arg0, %add3A_45, %dma_start3A_54] : memref<2x10240x128xf32, #tpu.memory_space<hbm>> -> memref<1x128x128xf32, #tpu.memory_space<hbm>>
      %dma_start3A_56 = tpu.memref_squeeze %dma_start3A_55 : memref<1x128x128xf32, #tpu.memory_space<hbm>> -> memref<128x128xf32, #tpu.memory_space<hbm>>
      %dma_start3A_57 = arith.constant 0 : i32
      %dma_start3A_58 = tpu.memref_slice %arg6[%arg0, %add3A_45, %dma_start3A_57] : memref<2x10240x128xf32, #tpu.memory_space<hbm>> -> memref<1x128x128xf32, #tpu.memory_space<hbm>>
      %dma_start3A_59 = tpu.memref_squeeze %dma_start3A_58 : memref<1x128x128xf32, #tpu.memory_space<hbm>> -> memref<128x128xf32, #tpu.memory_space<hbm>>
      tpu.enqueue_dma source(%arg11 : memref<128x128xf32, #tpu.memory_space<vmem>>) target(%dma_start3A_59 : memref<128x128xf32, #tpu.memory_space<hbm>>) target_semaphore(%run_scoped3A : memref<!tpu.dma_semaphore, #tpu.memory_space<semaphore_mem>>)
      %dma_wait3A = arith.constant 0 : i32
      %dma_wait3A_60 = tpu.memref_slice %arg6[%arg0, %add3A_45, %dma_wait3A] : memref<2x10240x128xf32, #tpu.memory_space<hbm>> -> memref<1x128x128xf32, #tpu.memory_space<hbm>>
      %dma_wait3A_61 = tpu.memref_squeeze %dma_wait3A_60 : memref<1x128x128xf32, #tpu.memory_space<hbm>> -> memref<128x128xf32, #tpu.memory_space<hbm>>
      %dma_wait3A_62 = arith.constant 0 : i32
      %dma_wait3A_63 = tpu.memref_slice %arg6[%arg0, %add3A_45, %dma_wait3A_62] : memref<2x10240x128xf32, #tpu.memory_space<hbm>> -> memref<1x128x128xf32, #tpu.memory_space<hbm>>
      %dma_wait3A_64 = tpu.memref_squeeze %dma_wait3A_63 : memref<1x128x128xf32, #tpu.memory_space<hbm>> -> memref<128x128xf32, #tpu.memory_space<hbm>>
      tpu.wait_dma2 semaphore(%run_scoped3A : memref<!tpu.dma_semaphore, #tpu.memory_space<semaphore_mem>>) src(%arg11 : memref<128x128xf32, #tpu.memory_space<vmem>>) dst(%dma_wait3A_64 : memref<128x128xf32, #tpu.memory_space<hbm>>)
      tpu.yield
    }) : () -> ()
    %add3A_46 = arith.constant 384 : i32
    %add3A_47 = arith.addi %mul3A_2, %add3A_46 : i32
    "tpu.region"() ({
      %run_scoped3A = tpu.sem_alloc : memref<!tpu.dma_semaphore, #tpu.memory_space<semaphore_mem>>
      %dma_start3A_54 = arith.constant 0 : i32
      %dma_start3A_55 = tpu.memref_slice %arg19[%add3A_47, %dma_start3A_54] : memref<10240x128xf32, #tpu.memory_space<vmem_shared>> -> memref<128x128xf32, #tpu.memory_space<vmem_shared>>
      %dma_start3A_56 = arith.constant 0 : i32
      %dma_start3A_57 = tpu.memref_slice %arg19[%add3A_47, %dma_start3A_56] : memref<10240x128xf32, #tpu.memory_space<vmem_shared>> -> memref<128x128xf32, #tpu.memory_space<vmem_shared>>
      tpu.enqueue_dma source(%dma_start3A_57 : memref<128x128xf32, #tpu.memory_space<vmem_shared>>) target(%arg12 : memref<128x128xf32, #tpu.memory_space<vmem>>) target_semaphore(%run_scoped3A : memref<!tpu.dma_semaphore, #tpu.memory_space<semaphore_mem>>)
      %dma_wait3A = arith.constant 0 : i32
      %dma_wait3A_58 = tpu.memref_slice %arg19[%add3A_47, %dma_wait3A] : memref<10240x128xf32, #tpu.memory_space<vmem_shared>> -> memref<128x128xf32, #tpu.memory_space<vmem_shared>>
      %dma_wait3A_59 = arith.constant 0 : i32
      %dma_wait3A_60 = tpu.memref_slice %arg19[%add3A_47, %dma_wait3A_59] : memref<10240x128xf32, #tpu.memory_space<vmem_shared>> -> memref<128x128xf32, #tpu.memory_space<vmem_shared>>
      tpu.wait_dma2 semaphore(%run_scoped3A : memref<!tpu.dma_semaphore, #tpu.memory_space<semaphore_mem>>) src(%dma_wait3A_60 : memref<128x128xf32, #tpu.memory_space<vmem_shared>>) dst(%arg12 : memref<128x128xf32, #tpu.memory_space<vmem>>)
      tpu.yield
    }) : () -> ()
    %add3A_48 = arith.constant 384 : i32
    %add3A_49 = arith.addi %mul3A_2, %add3A_48 : i32
    "tpu.region"() ({
      %run_scoped3A = tpu.sem_alloc : memref<!tpu.dma_semaphore, #tpu.memory_space<semaphore_mem>>
      %dma_start3A_54 = arith.constant 0 : i32
      %dma_start3A_55 = tpu.memref_slice %arg6[%arg0, %add3A_49, %dma_start3A_54] : memref<2x10240x128xf32, #tpu.memory_space<hbm>> -> memref<1x128x128xf32, #tpu.memory_space<hbm>>
      %dma_start3A_56 = tpu.memref_squeeze %dma_start3A_55 : memref<1x128x128xf32, #tpu.memory_space<hbm>> -> memref<128x128xf32, #tpu.memory_space<hbm>>
      %dma_start3A_57 = arith.constant 0 : i32
      %dma_start3A_58 = tpu.memref_slice %arg6[%arg0, %add3A_49, %dma_start3A_57] : memref<2x10240x128xf32, #tpu.memory_space<hbm>> -> memref<1x128x128xf32, #tpu.memory_space<hbm>>
      %dma_start3A_59 = tpu.memref_squeeze %dma_start3A_58 : memref<1x128x128xf32, #tpu.memory_space<hbm>> -> memref<128x128xf32, #tpu.memory_space<hbm>>
      tpu.enqueue_dma source(%arg12 : memref<128x128xf32, #tpu.memory_space<vmem>>) target(%dma_start3A_59 : memref<128x128xf32, #tpu.memory_space<hbm>>) target_semaphore(%run_scoped3A : memref<!tpu.dma_semaphore, #tpu.memory_space<semaphore_mem>>)
      %dma_wait3A = arith.constant 0 : i32
      %dma_wait3A_60 = tpu.memref_slice %arg6[%arg0, %add3A_49, %dma_wait3A] : memref<2x10240x128xf32, #tpu.memory_space<hbm>> -> memref<1x128x128xf32, #tpu.memory_space<hbm>>
      %dma_wait3A_61 = tpu.memref_squeeze %dma_wait3A_60 : memref<1x128x128xf32, #tpu.memory_space<hbm>> -> memref<128x128xf32, #tpu.memory_space<hbm>>
      %dma_wait3A_62 = arith.constant 0 : i32
      %dma_wait3A_63 = tpu.memref_slice %arg6[%arg0, %add3A_49, %dma_wait3A_62] : memref<2x10240x128xf32, #tpu.memory_space<hbm>> -> memref<1x128x128xf32, #tpu.memory_space<hbm>>
      %dma_wait3A_64 = tpu.memref_squeeze %dma_wait3A_63 : memref<1x128x128xf32, #tpu.memory_space<hbm>> -> memref<128x128xf32, #tpu.memory_space<hbm>>
      tpu.wait_dma2 semaphore(%run_scoped3A : memref<!tpu.dma_semaphore, #tpu.memory_space<semaphore_mem>>) src(%arg12 : memref<128x128xf32, #tpu.memory_space<vmem>>) dst(%dma_wait3A_64 : memref<128x128xf32, #tpu.memory_space<hbm>>)
      tpu.yield
    }) : () -> ()
    %add3A_50 = arith.constant 512 : i32
    %add3A_51 = arith.addi %mul3A_2, %add3A_50 : i32
    "tpu.region"() ({
      %run_scoped3A = tpu.sem_alloc : memref<!tpu.dma_semaphore, #tpu.memory_space<semaphore_mem>>
      %dma_start3A_54 = arith.constant 0 : i32
      %dma_start3A_55 = tpu.memref_slice %arg19[%add3A_51, %dma_start3A_54] : memref<10240x128xf32, #tpu.memory_space<vmem_shared>> -> memref<128x128xf32, #tpu.memory_space<vmem_shared>>
      %dma_start3A_56 = arith.constant 0 : i32
      %dma_start3A_57 = tpu.memref_slice %arg19[%add3A_51, %dma_start3A_56] : memref<10240x128xf32, #tpu.memory_space<vmem_shared>> -> memref<128x128xf32, #tpu.memory_space<vmem_shared>>
      tpu.enqueue_dma source(%dma_start3A_57 : memref<128x128xf32, #tpu.memory_space<vmem_shared>>) target(%arg11 : memref<128x128xf32, #tpu.memory_space<vmem>>) target_semaphore(%run_scoped3A : memref<!tpu.dma_semaphore, #tpu.memory_space<semaphore_mem>>)
      %dma_wait3A = arith.constant 0 : i32
      %dma_wait3A_58 = tpu.memref_slice %arg19[%add3A_51, %dma_wait3A] : memref<10240x128xf32, #tpu.memory_space<vmem_shared>> -> memref<128x128xf32, #tpu.memory_space<vmem_shared>>
      %dma_wait3A_59 = arith.constant 0 : i32
      %dma_wait3A_60 = tpu.memref_slice %arg19[%add3A_51, %dma_wait3A_59] : memref<10240x128xf32, #tpu.memory_space<vmem_shared>> -> memref<128x128xf32, #tpu.memory_space<vmem_shared>>
      tpu.wait_dma2 semaphore(%run_scoped3A : memref<!tpu.dma_semaphore, #tpu.memory_space<semaphore_mem>>) src(%dma_wait3A_60 : memref<128x128xf32, #tpu.memory_space<vmem_shared>>) dst(%arg11 : memref<128x128xf32, #tpu.memory_space<vmem>>)
      tpu.yield
    }) : () -> ()
    %add3A_52 = arith.constant 512 : i32
    %add3A_53 = arith.addi %mul3A_2, %add3A_52 : i32
    "tpu.region"() ({
      %run_scoped3A = tpu.sem_alloc : memref<!tpu.dma_semaphore, #tpu.memory_space<semaphore_mem>>
      %dma_start3A_54 = arith.constant 0 : i32
      %dma_start3A_55 = tpu.memref_slice %arg6[%arg0, %add3A_53, %dma_start3A_54] : memref<2x10240x128xf32, #tpu.memory_space<hbm>> -> memref<1x128x128xf32, #tpu.memory_space<hbm>>
      %dma_start3A_56 = tpu.memref_squeeze %dma_start3A_55 : memref<1x128x128xf32, #tpu.memory_space<hbm>> -> memref<128x128xf32, #tpu.memory_space<hbm>>
      %dma_start3A_57 = arith.constant 0 : i32
      %dma_start3A_58 = tpu.memref_slice %arg6[%arg0, %add3A_53, %dma_start3A_57] : memref<2x10240x128xf32, #tpu.memory_space<hbm>> -> memref<1x128x128xf32, #tpu.memory_space<hbm>>
      %dma_start3A_59 = tpu.memref_squeeze %dma_start3A_58 : memref<1x128x128xf32, #tpu.memory_space<hbm>> -> memref<128x128xf32, #tpu.memory_space<hbm>>
      tpu.enqueue_dma source(%arg11 : memref<128x128xf32, #tpu.memory_space<vmem>>) target(%dma_start3A_59 : memref<128x128xf32, #tpu.memory_space<hbm>>) target_semaphore(%run_scoped3A : memref<!tpu.dma_semaphore, #tpu.memory_space<semaphore_mem>>)
      %dma_wait3A = arith.constant 0 : i32
      %dma_wait3A_60 = tpu.memref_slice %arg6[%arg0, %add3A_53, %dma_wait3A] : memref<2x10240x128xf32, #tpu.memory_space<hbm>> -> memref<1x128x128xf32, #tpu.memory_space<hbm>>
      %dma_wait3A_61 = tpu.memref_squeeze %dma_wait3A_60 : memref<1x128x128xf32, #tpu.memory_space<hbm>> -> memref<128x128xf32, #tpu.memory_space<hbm>>
      %dma_wait3A_62 = arith.constant 0 : i32
      %dma_wait3A_63 = tpu.memref_slice %arg6[%arg0, %add3A_53, %dma_wait3A_62] : memref<2x10240x128xf32, #tpu.memory_space<hbm>> -> memref<1x128x128xf32, #tpu.memory_space<hbm>>
      %dma_wait3A_64 = tpu.memref_squeeze %dma_wait3A_63 : memref<1x128x128xf32, #tpu.memory_space<hbm>> -> memref<128x128xf32, #tpu.memory_space<hbm>>
      tpu.wait_dma2 semaphore(%run_scoped3A : memref<!tpu.dma_semaphore, #tpu.memory_space<semaphore_mem>>) src(%arg11 : memref<128x128xf32, #tpu.memory_space<vmem>>) dst(%dma_wait3A_64 : memref<128x128xf32, #tpu.memory_space<hbm>>)
      tpu.yield
    }) : () -> ()
    return
  }
}

module attributes {stable_mosaic.version = 14 : i64} {
  func.func @_tc1_body(%arg0: i32, %arg1: memref<1024x128xf32, #tpu.memory_space<vmem>>, %arg2: memref<128x256xf32, #tpu.memory_space<vmem>>, %arg3: memref<1x128xf32, #tpu.memory_space<vmem>>, %arg4: memref<1024x128xf32, #tpu.memory_space<vmem>>, %arg5: memref<1024x128xf32, #tpu.memory_space<vmem>>) attributes {dimension_semantics = [#tpu.dimension_semantics<arbitrary>], iteration_bounds = array<i64: 10>, scalar_prefetch = 0 : i64, scratch_operands = 0 : i64, tpu.core_type = #tpu.core_type<tc>, window_params = [{transform_indices = @transform_0, window_bounds = array<i64: 1024, 128>}, {pipeline_mode = #tpu.pipeline_mode<synchronous>, transform_indices = @transform_1, window_bounds = array<i64: 128, 256>}, {pipeline_mode = #tpu.pipeline_mode<synchronous>, transform_indices = @transform_2, window_bounds = array<i64: 1, 128>}, {transform_indices = @transform_3, window_bounds = array<i64: 1024, 128>}, {transform_indices = @transform_4, window_bounds = array<i64: 1024, 128>}]} {
    %get3A = arith.constant 0 : index
    %get3A_0 = arith.constant 0 : index
    %get3A_1 = vector.load %arg1[%get3A, %get3A_0] : memref<1024x128xf32, #tpu.memory_space<vmem>>, vector<1024x128xf32>
    %get3A_2 = arith.constant 0 : index
    %get3A_3 = arith.constant 0 : index
    %get3A_4 = vector.load %arg2[%get3A_2, %get3A_3] : memref<128x256xf32, #tpu.memory_space<vmem>>, vector<128x256xf32>
    %dot_general3A = arith.constant dense<0.000000e+00> : vector<1024x256xf32>
    %dot_general3A_5 = tpu.matmul %get3A_1, %get3A_4, %dot_general3A {dimension_numbers = #tpu.dot_dimension_numbers<[1], [0], [0], [1], [0, 0, 1, 1], [], []>, transpose_lhs_hint = false} : vector<1024x128xf32>, vector<128x256xf32>, vector<1024x256xf32> -> vector<1024x256xf32>
    %slice3A = vector.extract_strided_slice %dot_general3A_5 {offsets = [0, 0], sizes = [1024, 128], strides = [1, 1]} : vector<1024x256xf32> to vector<1024x128xf32>
    %swap3A = arith.constant 0 : index
    %swap3A_6 = arith.constant 0 : index
    %swap3A_7 = vector.load %arg4[%swap3A, %swap3A_6] : memref<1024x128xf32, #tpu.memory_space<vmem>>, vector<1024x128xf32>
    tpu.vector_store %arg4[%swap3A, %swap3A_6], %slice3A {strides = array<i32>} : memref<1024x128xf32, #tpu.memory_space<vmem>>, vector<1024x128xf32>,
    %slice3A_8 = vector.extract_strided_slice %dot_general3A_5 {offsets = [0, 128], sizes = [1024, 128], strides = [1, 1]} : vector<1024x256xf32> to vector<1024x128xf32>
    %get3A_9 = arith.constant 0 : index
    %get3A_10 = arith.constant 0 : index
    %get3A_11 = vector.load %arg3[%get3A_9, %get3A_10] : memref<1x128xf32, #tpu.memory_space<vmem>>, vector<1x128xf32>
    %add3A = vector.broadcast %get3A_11 : vector<1x128xf32> to vector<1024x128xf32>
    %add3A_12 = arith.addf %slice3A_8, %add3A : vector<1024x128xf32>
    %swap3A_13 = arith.constant 0 : index
    %swap3A_14 = arith.constant 0 : index
    %swap3A_15 = vector.load %arg5[%swap3A_13, %swap3A_14] : memref<1024x128xf32, #tpu.memory_space<vmem>>, vector<1024x128xf32>
    tpu.vector_store %arg5[%swap3A_13, %swap3A_14], %add3A_12 {strides = array<i32>} : memref<1024x128xf32, #tpu.memory_space<vmem>>, vector<1024x128xf32>,
    return
  }
  func.func @transform_0(%arg0: i32) -> (i32, i32) {
    %c0_i32 = arith.constant 0 : i32
    %c0_i32_0 = arith.constant 0 : i32
    return %arg0, %c0_i32 : i32, i32
  }
  func.func @transform_1(%arg0: i32) -> (i32, i32) {
    %c0_i32 = arith.constant 0 : i32
    %c0_i32_0 = arith.constant 0 : i32
    %c0_i32_1 = arith.constant 0 : i32
    return %c0_i32, %c0_i32_0 : i32, i32
  }
  func.func @transform_2(%arg0: i32) -> (i32, i32) {
    %c0_i32 = arith.constant 0 : i32
    %c0_i32_0 = arith.constant 0 : i32
    %c0_i32_1 = arith.constant 0 : i32
    return %c0_i32, %c0_i32_0 : i32, i32
  }
  func.func @transform_3(%arg0: i32) -> (i32, i32) {
    %c0_i32 = arith.constant 0 : i32
    %c0_i32_0 = arith.constant 0 : i32
    return %arg0, %c0_i32 : i32, i32
  }
  func.func @transform_4(%arg0: i32) -> (i32, i32) {
    %c0_i32 = arith.constant 0 : i32
    %c0_i32_0 = arith.constant 0 : i32
    return %arg0, %c0_i32 : i32, i32
  }
}

module attributes {stable_mosaic.version = 14 : i64} {
  func.func @_tc2_body(%arg0: i32, %arg1: memref<2x1024x128xf32, #tpu.memory_space<vmem>>, %arg2: memref<1024x128xf32, #tpu.memory_space<vmem>>, %arg3: memref<1024x1xf32, #tpu.memory_space<vmem>>, %arg4: memref<128x40xf32, #tpu.memory_space<vmem>>, %arg5: memref<1x40xf32, #tpu.memory_space<vmem>>, %arg6: memref<1024x128xf32, #tpu.memory_space<vmem>>, %arg7: memref<1024x40xf32, #tpu.memory_space<vmem>>) attributes {dimension_semantics = [#tpu.dimension_semantics<arbitrary>], iteration_bounds = array<i64: 10>, scalar_prefetch = 0 : i64, scratch_operands = 0 : i64, tpu.core_type = #tpu.core_type<tc>, window_params = [{transform_indices = @transform_0, window_bounds = array<i64: 2, 1024, 128>}, {transform_indices = @transform_1, window_bounds = array<i64: 1024, 128>}, {transform_indices = @transform_2, window_bounds = array<i64: 1024, 1>}, {pipeline_mode = #tpu.pipeline_mode<synchronous>, transform_indices = @transform_3, window_bounds = array<i64: 128, 40>}, {pipeline_mode = #tpu.pipeline_mode<synchronous>, transform_indices = @transform_4, window_bounds = array<i64: 1, 40>}, {transform_indices = @transform_5, window_bounds = array<i64: 1024, 128>}, {transform_indices = @transform_6, window_bounds = array<i64: 1024, 40>}]} {
    %get3A = arith.constant 0 : index
    %get3A_0 = arith.constant 0 : index
    %get3A_1 = vector.load %arg3[%get3A, %get3A_0] : memref<1024x1xf32, #tpu.memory_space<vmem>>, vector<1024x1xf32>
    %max3A = arith.constant 1.000000e+00 : f32
    %max3A_2 = vector.broadcast %max3A : f32 to vector<1024x1xf32>
    %max3A_3 = arith.maximumf %get3A_1, %max3A_2 : vector<1024x1xf32>
    %get3A_4 = arith.constant 0 : index
    %get3A_5 = arith.constant 0 : index
    %get3A_6 = arith.constant 0 : index
    %get3A_7 = vector.load %arg1[%get3A_4, %get3A_5, %get3A_6] : memref<2x1024x128xf32, #tpu.memory_space<vmem>>, vector<1x1024x128xf32>
    %get3A_8 = vector.shape_cast %get3A_7 : vector<1x1024x128xf32> to vector<1024x128xf32>
    %get3A_9 = arith.constant 1 : index
    %get3A_10 = arith.constant 0 : index
    %get3A_11 = arith.constant 0 : index
    %get3A_12 = vector.load %arg1[%get3A_9, %get3A_10, %get3A_11] : memref<2x1024x128xf32, #tpu.memory_space<vmem>>, vector<1x1024x128xf32>
    %get3A_13 = vector.shape_cast %get3A_12 : vector<1x1024x128xf32> to vector<1024x128xf32>
    %add3A = arith.addf %get3A_8, %get3A_13 : vector<1024x128xf32>
    %get3A_14 = arith.constant 0 : index
    %get3A_15 = arith.constant 0 : index
    %get3A_16 = vector.load %arg2[%get3A_14, %get3A_15] : memref<1024x128xf32, #tpu.memory_space<vmem>>, vector<1024x128xf32>
    %div3A = vector.broadcast %max3A_3 : vector<1024x1xf32> to vector<1024x128xf32>
    %div3A_17 = arith.divf %add3A, %div3A : vector<1024x128xf32>
    %add3A_18 = arith.addf %get3A_16, %div3A_17 : vector<1024x128xf32>
    %tanh3A = math.tanh %add3A_18 : vector<1024x128xf32>
    %swap3A = arith.constant 0 : index
    %swap3A_19 = arith.constant 0 : index
    %swap3A_20 = vector.load %arg6[%swap3A, %swap3A_19] : memref<1024x128xf32, #tpu.memory_space<vmem>>, vector<1024x128xf32>
    tpu.vector_store %arg6[%swap3A, %swap3A_19], %tanh3A {strides = array<i32>} : memref<1024x128xf32, #tpu.memory_space<vmem>>, vector<1024x128xf32>,
    %get3A_21 = arith.constant 0 : index
    %get3A_22 = arith.constant 0 : index
    %get3A_23 = vector.load %arg4[%get3A_21, %get3A_22] : memref<128x40xf32, #tpu.memory_space<vmem>>, vector<128x40xf32>
    %dot_general3A = arith.constant dense<0.000000e+00> : vector<1024x40xf32>
    %dot_general3A_24 = tpu.matmul %tanh3A, %get3A_23, %dot_general3A {dimension_numbers = #tpu.dot_dimension_numbers<[1], [0], [0], [1], [0, 0, 1, 1], [], []>, transpose_lhs_hint = false} : vector<1024x128xf32>, vector<128x40xf32>, vector<1024x40xf32> -> vector<1024x40xf32>
    %get3A_25 = arith.constant 0 : index
    %get3A_26 = arith.constant 0 : index
    %get3A_27 = vector.load %arg5[%get3A_25, %get3A_26] : memref<1x40xf32, #tpu.memory_space<vmem>>, vector<1x40xf32>
    %add3A_28 = vector.broadcast %get3A_27 : vector<1x40xf32> to vector<1024x40xf32>
    %add3A_29 = arith.addf %dot_general3A_24, %add3A_28 : vector<1024x40xf32>
    %swap3A_30 = arith.constant 0 : index
    %swap3A_31 = arith.constant 0 : index
    %swap3A_32 = vector.load %arg7[%swap3A_30, %swap3A_31] : memref<1024x40xf32, #tpu.memory_space<vmem>>, vector<1024x40xf32>
    tpu.vector_store %arg7[%swap3A_30, %swap3A_31], %add3A_29 {strides = array<i32>} : memref<1024x40xf32, #tpu.memory_space<vmem>>, vector<1024x40xf32>,
    return
  }
  func.func @transform_0(%arg0: i32) -> (i32, i32, i32) {
    %c0_i32 = arith.constant 0 : i32
    %c0_i32_0 = arith.constant 0 : i32
    %c0_i32_1 = arith.constant 0 : i32
    return %c0_i32, %arg0, %c0_i32_0 : i32, i32, i32
  }
  func.func @transform_1(%arg0: i32) -> (i32, i32) {
    %c0_i32 = arith.constant 0 : i32
    %c0_i32_0 = arith.constant 0 : i32
    return %arg0, %c0_i32 : i32, i32
  }
  func.func @transform_2(%arg0: i32) -> (i32, i32) {
    %c0_i32 = arith.constant 0 : i32
    %c0_i32_0 = arith.constant 0 : i32
    return %arg0, %c0_i32 : i32, i32
  }
  func.func @transform_3(%arg0: i32) -> (i32, i32) {
    %c0_i32 = arith.constant 0 : i32
    %c0_i32_0 = arith.constant 0 : i32
    %c0_i32_1 = arith.constant 0 : i32
    return %c0_i32, %c0_i32_0 : i32, i32
  }
  func.func @transform_4(%arg0: i32) -> (i32, i32) {
    %c0_i32 = arith.constant 0 : i32
    %c0_i32_0 = arith.constant 0 : i32
    %c0_i32_1 = arith.constant 0 : i32
    return %c0_i32, %c0_i32_0 : i32, i32
  }
  func.func @transform_5(%arg0: i32) -> (i32, i32) {
    %c0_i32 = arith.constant 0 : i32
    %c0_i32_0 = arith.constant 0 : i32
    return %arg0, %c0_i32 : i32, i32
  }
  func.func @transform_6(%arg0: i32) -> (i32, i32) {
    %c0_i32 = arith.constant 0 : i32
    %c0_i32_0 = arith.constant 0 : i32
    return %arg0, %c0_i32 : i32, i32
  }
}

module attributes {stable_mosaic.version = 14 : i64} {
  func.func @_tc3_body(%arg0: i32, %arg1: memref<2x1024x128xf32, #tpu.memory_space<vmem>>, %arg2: memref<1024x40xf32, #tpu.memory_space<vmem>>, %arg3: memref<1024x1xf32, #tpu.memory_space<vmem>>, %arg4: memref<128x40xf32, #tpu.memory_space<vmem>>, %arg5: memref<1024x40xf32, #tpu.memory_space<vmem>>) attributes {dimension_semantics = [#tpu.dimension_semantics<arbitrary>], iteration_bounds = array<i64: 10>, scalar_prefetch = 0 : i64, scratch_operands = 0 : i64, tpu.core_type = #tpu.core_type<tc>, window_params = [{transform_indices = @transform_0, window_bounds = array<i64: 2, 1024, 128>}, {transform_indices = @transform_1, window_bounds = array<i64: 1024, 40>}, {transform_indices = @transform_2, window_bounds = array<i64: 1024, 1>}, {pipeline_mode = #tpu.pipeline_mode<synchronous>, transform_indices = @transform_3, window_bounds = array<i64: 128, 40>}, {transform_indices = @transform_4, window_bounds = array<i64: 1024, 40>}]} {
    %get3A = arith.constant 0 : index
    %get3A_0 = arith.constant 0 : index
    %get3A_1 = vector.load %arg3[%get3A, %get3A_0] : memref<1024x1xf32, #tpu.memory_space<vmem>>, vector<1024x1xf32>
    %max3A = arith.constant 1.000000e+00 : f32
    %max3A_2 = vector.broadcast %max3A : f32 to vector<1024x1xf32>
    %max3A_3 = arith.maximumf %get3A_1, %max3A_2 : vector<1024x1xf32>
    %get3A_4 = arith.constant 0 : index
    %get3A_5 = arith.constant 0 : index
    %get3A_6 = arith.constant 0 : index
    %get3A_7 = vector.load %arg1[%get3A_4, %get3A_5, %get3A_6] : memref<2x1024x128xf32, #tpu.memory_space<vmem>>, vector<1x1024x128xf32>
    %get3A_8 = vector.shape_cast %get3A_7 : vector<1x1024x128xf32> to vector<1024x128xf32>
    %get3A_9 = arith.constant 1 : index
    %get3A_10 = arith.constant 0 : index
    %get3A_11 = arith.constant 0 : index
    %get3A_12 = vector.load %arg1[%get3A_9, %get3A_10, %get3A_11] : memref<2x1024x128xf32, #tpu.memory_space<vmem>>, vector<1x1024x128xf32>
    %get3A_13 = vector.shape_cast %get3A_12 : vector<1x1024x128xf32> to vector<1024x128xf32>
    %add3A = arith.addf %get3A_8, %get3A_13 : vector<1024x128xf32>
    %div3A = vector.broadcast %max3A_3 : vector<1024x1xf32> to vector<1024x128xf32>
    %div3A_14 = arith.divf %add3A, %div3A : vector<1024x128xf32>
    %get3A_15 = arith.constant 0 : index
    %get3A_16 = arith.constant 0 : index
    %get3A_17 = vector.load %arg2[%get3A_15, %get3A_16] : memref<1024x40xf32, #tpu.memory_space<vmem>>, vector<1024x40xf32>
    %get3A_18 = arith.constant 0 : index
    %get3A_19 = arith.constant 0 : index
    %get3A_20 = vector.load %arg4[%get3A_18, %get3A_19] : memref<128x40xf32, #tpu.memory_space<vmem>>, vector<128x40xf32>
    %dot_general3A = arith.constant dense<0.000000e+00> : vector<1024x40xf32>
    %dot_general3A_21 = tpu.matmul %div3A_14, %get3A_20, %dot_general3A {dimension_numbers = #tpu.dot_dimension_numbers<[1], [0], [0], [1], [0, 0, 1, 1], [], []>, transpose_lhs_hint = false} : vector<1024x128xf32>, vector<128x40xf32>, vector<1024x40xf32> -> vector<1024x40xf32>
    %add3A_22 = arith.addf %get3A_17, %dot_general3A_21 : vector<1024x40xf32>
    %swap3A = arith.constant 0 : index
    %swap3A_23 = arith.constant 0 : index
    %swap3A_24 = vector.load %arg5[%swap3A, %swap3A_23] : memref<1024x40xf32, #tpu.memory_space<vmem>>, vector<1024x40xf32>
    tpu.vector_store %arg5[%swap3A, %swap3A_23], %add3A_22 {strides = array<i32>} : memref<1024x40xf32, #tpu.memory_space<vmem>>, vector<1024x40xf32>,
    return
  }
  func.func @transform_0(%arg0: i32) -> (i32, i32, i32) {
    %c0_i32 = arith.constant 0 : i32
    %c0_i32_0 = arith.constant 0 : i32
    %c0_i32_1 = arith.constant 0 : i32
    return %c0_i32, %arg0, %c0_i32_0 : i32, i32, i32
  }
  func.func @transform_1(%arg0: i32) -> (i32, i32) {
    %c0_i32 = arith.constant 0 : i32
    %c0_i32_0 = arith.constant 0 : i32
    return %arg0, %c0_i32 : i32, i32
  }
  func.func @transform_2(%arg0: i32) -> (i32, i32) {
    %c0_i32 = arith.constant 0 : i32
    %c0_i32_0 = arith.constant 0 : i32
    return %arg0, %c0_i32 : i32, i32
  }
  func.func @transform_3(%arg0: i32) -> (i32, i32) {
    %c0_i32 = arith.constant 0 : i32
    %c0_i32_0 = arith.constant 0 : i32
    %c0_i32_1 = arith.constant 0 : i32
    return %c0_i32, %c0_i32_0 : i32, i32
  }
  func.func @transform_4(%arg0: i32) -> (i32, i32) {
    %c0_i32 = arith.constant 0 : i32
    %c0_i32_0 = arith.constant 0 : i32
    return %arg0, %c0_i32 : i32, i32
  }
}

</mosaic_0001>

<sc_bundles>
// kernel: kernel.10.cloned.1.call-start
scs
__scs_entry_jumppad:
0x0: {  	(pc) =	sbr.rel $0x88, $3  }
0x1: {  	(tag) =	ssettag $0x0;
	lr =	simm.s32 $0x1  }
0x2: {  	[smem:$0x3F99] =	sst lr;
	_ =	strace $0xD0000000  }
0x3: {  	_ = 	snop  }
0x4: {  	_ = 	snop  }
0x5: {  	_ = 	snop  }
0x6: {  	_ = 	snop  }
0x7: {  	_ = 	snop  }
__scs_overlays_trampoline_lowered:
0x8: {  	[smem:$0x3FA8] =	sst s0  }
0x9: {  	[smem:$0x3FA9] =	sst s1  }
0xa: {  	[smem:$0x3FAA] =	sst s2  }
0xb: {  	[smem:$0x3FAB] =	sst s3  }
0xc: {  	[smem:$0x3FAC] =	sst s4  }
0xd: {  	[smem:$0x3FAD] =	sst s5  }
0xe: {  	[smem:$0x3FAE] =	sst s6  }
0xf: {  	[smem:$0x3FAF] =	sst s7  }
0x10: {  	[smem:$0x3FB0] =	sst s8  }
0x11: {  	[smem:$0x3FB1] =	sst s9;
	s0 =	simm.s32 @!p0 $0x0  }
0x12: {  	s1 =	sld [smem:$0x3F97];
	s0 =	simm.s32 @p0 $0x1  }
0x13: {  	[smem:$0x3FB2] =	sst s0;
	s0 =	simm.s32 @!p1 $0x0  }
0x14: {  	s2 =	sld [smem:$0x3F96];
	s0 =	simm.s32 @p1 $0x1  }
0x15: {  	[smem:$0x3FB3] =	sst s0;
	s0 =	simm.s32 @!p2 $0x0  }
0x16: {  	s3 =	sld [smem:$0x3FDB];
	s0 =	simm.s32 @p2 $0x1  }
0x17: {  	s4 =	simm.s32 $0x1BF5;
	[smem:$0x3FB5] =	sst s0  }
0x18: {  	s0 =	sld [smem:$0x3F98];
	_ =	swait.ge [sflag:s4], $0x0  }
0x19: {  	s7 =	sld [smem:$0x3F99]  }
0x1a: {  	s8 =	sadd.s32 $0xFFFFE003, lr  }
0x1b: {  	s9 =	sadd.s32 $0xFFFFFEF7, lr;
	s5 =	simm.s32 $0xFFFFFFFF;
	p2 =	slt.u32 s8, $0xFFFFF086  }
0x1c: {  	p1 =	slt.u32 s9, $0xF7A;
	s5 =	simm.s32 @!p2 $0x0  }
0x1d: {  	s5 =	simm.s32 @p1 $0x1;
	p0 =	seq.s32 s7, s2  }
0x1e: {  	s7 =	smul.u32 @!p0 $0xF7A, s2;
	p2 =	seq.s32 @!p0 s5, $0x0  }
0x1f: {  	s9 =	smul.u32 $0xF7A, s1;
	s8 =	simm.s32 @!p0 $0x1BF5;
	p2 =	por !p2, p0  }
0x20: {  	[sflag:s8] =	ssyncset.s32 @!p0 $0xFFFFF086;
	s6 =	sadd.s32 @!p0 s3, s7;
	s7 =	simm.s32 @!p0 $0x108  }
0x21: {  	s3 =	sadd.s32 s3, s9;
	s6 =	sadd.s32 @!p0 $0x88, s6;
	s7 =	simm.s32 @p2 $0x1082  }
0x22: {  	[simem:s7], [sflag:s8] =	dma.local @!p0 [hbm:s6], $0xF7A  }
0x23: {  	s9 =	sor.u32 $0xD0000000, s2;
	s6 =	simm.s32 $0x108;
	_ =	swait.ge @!p0 [sflag:s8], $0x0  }
0x24: {  	s3 =	sadd.s32 $0x88, s3;
	s6 =	simm.s32 @!p1 $0x1082;
	[sflag:s4] =	ssyncset.s32 $0xFFFFF086  }
0x25: {  	[simem:s6], [sflag:s4] =	dma.local [hbm:s3], $0xF7A  }
0x26: {  	[smem:$0x3F99] =	sst s1;
	(tag) =	ssettag s2;
	_ =	strace s9  }
0x27: {  	s1 =	sld [smem:$0x3FA9]  }
0x28: {  	s2 =	sld [smem:$0x3FAA]  }
0x29: {  	s4 =	sld [smem:$0x3FAC]  }
0x2a: {  	p0 =	seq.s32 s5, $0x0;
	s5 =	sld [smem:$0x3FAD]  }
0x2b: {  	s6 =	sld [smem:$0x3FAE]  }
0x2c: {  	s7 =	sld [smem:$0x3FAF]  }
0x2d: {  	s3 =	simm.s32 $0x108;
	s8 =	sld [smem:$0x3FB0]  }
0x2e: {  	s3 =	simm.s32 @!p0 $0x1082;
	s9 =	sld [smem:$0x3FB1]  }
0x2f: {  	lr =	sadd.s32 s0, s3;
	s0 =	sld [smem:$0x3FA8]  }
0x30: {  	s3 =	sld [smem:$0x3FAB]  }
0x31: {  	[smem:$0x3FB4] =	sst s10  }
0x32: {  	s10 =	sld [smem:$0x3FB2];
	_ =	sdelay $0x3  }
0x33: {  	p0 =	seq.s32 s10, $0x1;
	s10 =	sld [smem:$0x3FB4];
	_ =	sdelay $0x3  }
0x34: {  	[smem:$0x3FB4] =	sst s10  }
0x35: {  	s10 =	sld [smem:$0x3FB3];
	_ =	sdelay $0x3  }
0x36: {  	p1 =	seq.s32 s10, $0x1;
	s10 =	sld [smem:$0x3FB4];
	_ =	sdelay $0x3  }
0x37: {  	[smem:$0x3FB4] =	sst s10  }
0x38: {  	s10 =	sld [smem:$0x3FB5]  }
0x39: {  	_ = 	snop;
	(pc) =	sbr.ind lr, $3  }
0x3a: {  	_ = 	snop  }
0x3b: {  	_ = 	snop  }
0x3c: {  	p2 =	seq.s32 s10, $0x1;
	s10 =	sld [smem:$0x3FB4]  }
0x3d: {  	_ =	shalt  }
0x3e: {  	_ =	shalt  }
0x3f: {  	_ =	shalt  }
0x40: {  	_ =	shalt  }
0x41: {  	_ =	shalt  }
0x42: {  	_ =	shalt  }
0x43: {  	_ =	shalt  }
0x44: {  	_ =	shalt  }
0x45: {  	_ =	shalt  }
0x46: {  	_ =	shalt  }
0x47: {  	_ =	shalt  }
0x48: {  	_ =	shalt  }
0x49: {  	_ =	shalt  }
0x4a: {  	_ =	shalt  }
0x4b: {  	_ =	shalt  }
0x4c: {  	_ =	shalt  }
0x4d: {  	_ =	shalt  }
0x4e: {  	_ =	shalt  }
0x4f: {  	_ =	shalt  }
0x50: {  	_ =	shalt  }
0x51: {  	_ =	shalt  }
0x52: {  	_ =	shalt  }
0x53: {  	_ =	shalt  }
0x54: {  	_ =	shalt  }
0x55: {  	_ =	shalt  }
0x56: {  	_ =	shalt  }
0x57: {  	_ =	shalt  }
0x58: {  	_ =	shalt  }
0x59: {  	_ =	shalt  }
0x5a: {  	_ =	shalt  }
0x5b: {  	_ =	shalt  }
0x5c: {  	_ =	shalt  }
0x5d: {  	_ =	shalt  }
0x5e: {  	_ =	shalt  }
0x5f: {  	_ =	shalt  }
0x60: {  	_ =	shalt  }
0x61: {  	_ =	shalt  }
0x62: {  	_ =	shalt  }
0x63: {  	_ =	shalt  }
0x64: {  	_ =	shalt  }
0x65: {  	_ =	shalt  }
0x66: {  	_ =	shalt  }
0x67: {  	_ =	shalt  }
0x68: {  	_ =	shalt  }
0x69: {  	_ =	shalt  }
0x6a: {  	_ =	shalt  }
0x6b: {  	_ =	shalt  }
0x6c: {  	_ =	shalt  }
0x6d: {  	_ =	shalt  }
0x6e: {  	_ =	shalt  }
0x6f: {  	_ =	shalt  }
0x70: {  	_ =	shalt  }
0x71: {  	_ =	shalt  }
0x72: {  	_ =	shalt  }
0x73: {  	_ =	shalt  }
0x74: {  	_ =	shalt  }
0x75: {  	_ =	shalt  }
0x76: {  	_ =	shalt  }
0x77: {  	_ =	shalt  }
0x78: {  	_ =	shalt  }
0x79: {  	_ =	shalt  }
0x7a: {  	_ =	shalt  }
0x7b: {  	_ =	shalt  }
0x7c: {  	_ =	shalt  }
0x7d: {  	_ =	shalt  }
0x7e: {  	_ =	shalt  }
0x7f: {  	_ =	shalt  }
0x80: {  	_ =	shalt  }
0x81: {  	_ =	shalt  }
0x82: {  	_ =	shalt  }
0x83: {  	_ =	shalt  }
0x84: {  	_ =	shalt  }
0x85: {  	_ =	shalt  }
0x86: {  	_ =	shalt  }
0x87: {  	_ =	shalt  }
.Lfunc_end0:
.L_simem_size_0:
called_computation.1_lowered:
.L_overlay_start_0:
0x88: {  	s2 =	sld [smem:$0x3FD9]  }
0x89: {  	s3 =	sld [smem:$0x3FFE];
	_ =	sdelay $0x1  }
0x8a: {  	s1 =	srdreg.scid  }
0x8b: {  	s0 =	sand.u32 $0x1, s1  }
0x8c: {  	s17 =	sshll.u32 s0, $0xA;
	s2 =	sadd.s32 s3, s2  }
0x8d: {  	s2 =	sadd.s32 s2, s17  }
0x8e: {  	[smem:$0x3FC0] =	sst s2  }
0x8f: {  	_ = 	snop  }
0x90: {  	s2 =	sld [smem:$0x3FD0];
	(tm) =	ssettm $0x1  }
0x91: {  	s18 =	sld [smem:$0x3FFB];
	_ =	sdelay $0x3  }
0x92: {  	_ =	strace s18  }
0x93: {  	s3 =	sld [smem:$0x3FFC];
	_ =	sdelay $0x3  }
0x94: {  	_ =	strace s3  }
0x95: {  	s3 =	sld [smem:$0x3FFD];
	_ =	sdelay $0x3  }
0x96: {  	_ =	strace s3  }
0x97: {  	_ =	strace $0x8FFFFFFF  }
0x98: {  	s19 =	sld [smem:$0x3FDB];
	_ =	sdelay $0x1  }
0x99: {  	s4 =	simm.s32 $_scs_section_size  }
0x9a: {  	s5 =	simm.s32 $_size__tile_overlayer_lowered;
	s6 =	simm.s32 $_tile_overlayer_lowered  }
0x9b: {  	s22 =	simm.s32 $0x1BFF;
	s21 =	sshll.u32 s6, $0x1;
	s3 =	sadd.s32 s4, s19  }
0x9c: {  	s7 =	simm.s32 $0x0;
	s20 =	sshll.u32 s5, $0x1;
	s5 =	sadd.s32 s21, s3  }
0x9d: {  	[timem:s7], [sflag:s22] =	dma.local [hbm:s5], s20  }
0x9e: {  	_ =	swait.ge [sflag:s22], s20  }
0x9f: {  	s4 =	ssub.s32 $0x0, s20;
	[sflag:s22] =	ssyncset.done $0x0  }
0xa0: {  	[sflag:s22] =	ssyncadd.s32 s4;
	_ =	sdelay $0x1  }
0xa1: {  	s23 =	simm.s32 $0x1B8B  }
0xa2: {  	_ =	swait.ge [sflag:s23], $0x1  }
0xa3: {  	[sflag:s23] =	ssyncset.done $0x0  }
0xa4: {  	s25 =	simm.s32 $0x1B8E;
	s24 =	sld [smem:$0x3FFE];
	[sflag:s23] =	ssyncadd.s32 $0xFFFFFFFF  }
0xa5: {  	s26 =	simm.s32 $execute0_lowered;
	[smem:$0x3FD2] =	sst s25  }
0xa6: {  	s5 =	sshll.u32 s26, $0x1;
	_ =	strace $0x80000049;
	[dreg:$0x1] =	wrdreg $0xFFFFFFFF  }
0xa7: {  	s28 =	simm.s32 $_size_execute0_lowered;
	s3 =	sadd.s32 s3, s5;
	[dreg:$0x0] =	wrdreg $0x0  }
0xa8: {  	s5 =	sshll.u32 s28, $0x1;
	[dreg:$0x2] =	wrdreg s3  }
0xa9: {  	[dreg:$0x3] =	wrdreg s5  }
0xaa: {  	[dreg:$0x4] =	wrdreg $0xC0  }
0xab: {  	_ =	task [dreg:s7], $0x5FFFF  }
0xac: {  	[dreg:$0x1] =	wrdreg $0xFFFFFFFF  }
0xad: {  	[dreg:$0x0] =	wrdreg $0x60  }
0xae: {  	[dreg:$0x2] =	wrdreg s24  }
0xaf: {  	[dreg:$0x3] =	wrdreg s2  }
0xb0: {  	[dreg:$0x4] =	wrdreg $0x90000  }
0xb1: {  	[dreg:$0x5] =	wrdreg $0x9  }
0xb2: {  	_ =	task.clear_ibuf [dreg:s7], $0x6FFFF;
	_ =	strace $0x90000049  }
0xb3: {  	s29 =	simm.s32 $0x9;
	_ =	strace $0x8000004B  }
0xb4: {  	_ =	swait.ge [sflag:s29], $0x1  }
0xb5: {  	[sflag:s29] =	ssyncadd.s32 $0xFFFFFFFF  }
0xb6: {  	_ =	strace $0x9000004B  }
0xb7: {  	_ =	sfence  }
0xb8: {  	s30 =	sld [smem:$0x0];
	_ =	sdelay $0x2  }
0xb9: {  	s31 =	sshll.u32 s1, $0xD;
	s1 =	sshrl.u32 s1, $0x2  }
0xba: {  	s3 =	sand.u32 $0x4000, s31;
	s1 =	sadd.s32 s1, s30  }
0xbb: {  	s0 =	sor.u32 s3, s0;
	s1 =	sshll.u32 s1, $0x11  }
0xbc: {  	s0 =	sor.u32 s1, s0  }
0xbd: {  	s0 =	sadd.s32 $0x8F2B, s0  }
0xbe: {  	[sflag:s0] =	ssyncadd.remote.s32 $0x1  }
0xbf: {  	_ =	sfence.sel $0xFFFF  }
0xc0: {  	[dreg:$0x0] =	wrdreg $0xFFFFFFFF;
	(pc) =	sbr.abs _section_cstart, $3  }
0xc1: {  	[dreg:$0x1] =	wrdreg $0xFFFFFFFF  }
0xc2: {  	_ =	task.clear_ibuf [dreg:s7], $0x2FFFF;
	_ =	strace $0x9FFFFFFF  }
0xc3: {  	(tm) =	ssettm $0x7FFFFFFF  }
tec
execute0_lowered:
.L_overlay_start_1:
0x0: {  	(tag) =	ssettag $0x1  }
0x1: {  	s0 =	rddreg [dreg:$0x0]  }
0x2: {  	s1 =	rddreg [dreg:$0x1]  }
0x3: {  	s2 =	rddreg [dreg:$0x2]  }
0x4: {  	s4 =	simm.s32 $0x0;
	s14 =	stileid.u32;
	s3 =	srdreg.scid  }
0x5: {  	s22 =	simm.s32 $0x880;
	s23 =	simm.s32 $0x100;
	[smem:$0x7FF] =	sst s4  }
0x6: {  	s5 =	sadd.s32 $0xC200, s0;
	s6 =	sadd.s32 $0x2200, s0;
	s8 =	sadd.s32 $0x34200, s0  }
0x7: {  	s7 =	smul.u32 $0x50000, s14;
	_ =	strace $0x8000004A;
	[dreg:$0x1d] =	wrdreg s8  }
0x8: {  	s13 =	smul.u32 $0x14000, s14;
	s0 =	sadd.s32 $0x34A00, s0;
	[dreg:$0x6] =	wrdreg s22  }
0x9: {  	s12 =	smul.u32 $0x2800, s14;
	s8 =	sand.u32 $0x1, s3;
	[dreg:$0x7] =	wrdreg s23  }
0xa: {  	s23 =	simm.s32 $0xA00;
	s3 =	ssub.s32 $0x2, s8;
	s9 =	smul.u32 $0x28000, s8  }
0xb: {  	s11 =	sshll.u32 s8, $0x4;
	s7 =	sshrl.u32 s7, $0x2;
	s15 =	sadd.s32 $0x4000, s13  }
0xc: {  	s16 =	sadd.s32 $0x8000, s13;
	s17 =	sadd.s32 $0xC000, s13;
	s18 =	sadd.s32 $0x10000, s13  }
0xd: {  	s8 =	smul.u32 $0x140000, s8;
	[dreg:$0xd] =	wrdreg s23;
	s23 =	simm.s32 $0xB80  }
0xe: {  	s10 =	sshrl.u32 s3, $0x1;
	s14 =	sor.u32 s14, s11;
	s11 =	simm.s32 $0x200  }
0xf: {  	[dreg:$0x12] =	wrdreg s23;
	s23 =	simm.s32 $0x680;
	s3 =	ssub.s32 s3, s10  }
0x10: {  	s10 =	sadd.s32 s7, s2;
	s7 =	sadd.s32 s12, s9;
	[dreg:$0xb] =	wrdreg s11  }
0x11: {  	s12 =	sadd.s32 s18, s2;
	s11 =	simm.s32 $0xC80;
	[dreg:$0x1a] =	wrdreg s23  }
0x12: {  	s13 =	sadd.s32 s13, s8;
	s24 =	sor.u32 $0x400, s7;
	[dreg:$0x14] =	wrdreg s11  }
0x13: {  	s13 =	sshrl.u32 s13, $0x3;
	s3 =	smax.u32 s3, $0x1;
	[dreg:$0x1f] =	wrdreg s12  }
0x14: {  	s25 =	sshrl.u32 s24, $0x3;
	s24 =	simm.s32 $0x180;
	[smem:$0x7FC] =	sst s3  }
0x15: {  	s28 =	simm.s32 $0xC00;
	s22 =	sadd.s32 s0, s13;
	[dreg:$0x8] =	wrdreg s24  }
0x16: {  	s29 =	simm.s32 $0x80;
	s19 =	sadd.s32 s25, s6;
	[smem:$0x7F7] =	sst s22  }
0x17: {  	s9 =	sadd.s32 s15, s2;
	s20 =	sadd.s32 s25, s1;
	[dreg:$0x4] =	wrdreg s19  }
0x18: {  	s14 =	smul.u32 $0x2800, s14;
	s25 =	simm.s32 $0x900;
	[dreg:$0x5] =	wrdreg s20  }
0x19: {  	s24 =	sadd.s32 s8, s15;
	s15 =	simm.s32 $0x380;
	[dreg:$0x9] =	wrdreg s25  }
0x1a: {  	s14 =	sshrl.u32 s14, $0x3;
	s22 =	simm.s32 $0xB00;
	[dreg:$0x10] =	wrdreg s15  }
0x1b: {  	s30 =	simm.s32 $0x5000;
	s20 =	sadd.s32 s1, s14;
	[dreg:$0x11] =	wrdreg s22  }
0x1c: {  	s26 =	sadd.s32 s17, s2;
	s14 =	sadd.s32 s6, s14;
	[smem:$0x7F5] =	sst s20  }
0x1d: {  	s19 =	smov.u32 s26;
	s26 =	simm.s32 $0x980;
	[smem:$0x7F6] =	sst s14  }
0x1e: {  	s31 =	simm.s32 $0x3;
	s25 =	simm.s32 $0xA80;
	[dreg:$0xa] =	wrdreg s26  }
0x1f: {  	s21 =	sadd.s32 s16, s2;
	s15 =	simm.s32 $0x500;
	[dreg:$0xe] =	wrdreg s25  }
0x20: {  	s23 =	simm.s32 $0x7;
	s22 =	simm.s32 $0x600;
	[dreg:$0x15] =	wrdreg s15  }
0x21: {  	s3 =	simm.s32 $0x5;
	s13 =	simm.s32 $0x2;
	[dreg:$0x19] =	wrdreg s22  }
0x22: {  	s20 =	simm.s32 $0x280;
	s14 =	sshrl.u32 s24, $0x3;
	[dreg:$0x1e] =	wrdreg s19  }
0x23: {  	s26 =	simm.s32 $0x300;
	s25 =	simm.s32 $0x480;
	[dreg:$0xc] =	wrdreg s20  }
0x24: {  	s22 =	simm.s32 $0x1000;
	s15 =	simm.s32 $0x780;
	[dreg:$0xf] =	wrdreg s26  }
0x25: {  	s14 =	sadd.s32 s0, s14;
	s20 =	sadd.s32 s8, s16;
	[dreg:$0x13] =	wrdreg s25  }
0x26: {  	s26 =	sadd.s32 s8, s17;
	s17 =	simm.s32 $0x580;
	[smem:$0x7F8] =	sst s14  }
0x27: {  	s8 =	sadd.s32 s8, s18;
	s18 =	simm.s32 $0xD00;
	[dreg:$0x16] =	wrdreg s17  }
0x28: {  	s25 =	simm.s32 $0xE00;
	s14 =	sshrl.u32 s20, $0x3;
	[dreg:$0x17] =	wrdreg s18  }
0x29: {  	s8 =	sshrl.u32 s8, $0x3;
	s20 =	simm.s32 $0xD80;
	[dreg:$0x1b] =	wrdreg s25  }
0x2a: {  	s25 =	simm.s32 $0x1;
	s24 =	sadd.s32 s0, s14;
	[dreg:$0x18] =	wrdreg s20  }
0x2b: {  	s14 =	sshrl.u32 s26, $0x3;
	s26 =	simm.s32 $0xE80;
	[smem:$0x7F9] =	sst s24  }
0x2c: {  	s17 =	simm.s32 $0xF80;
	s16 =	sadd.s32 s0, s14;
	[dreg:$0x1c] =	wrdreg s26  }
0x2d: {  	s18 =	simm.s32 $0x0;
	s0 =	sadd.s32 s0, s8;
	[smem:$0x7FA] =	sst s16  }
0x2e: {  	s24 =	sadd.s32 $0x800, s7;
	s26 =	simm.s32 $0x400;
	[smem:$0x7FB] =	sst s0  }
0x2f: {  	s7 =	simm.s32 $0x6;
	s14 =	simm.s32 $0x700;
	[smem:$0x7FD] =	sst s24  }
0x30: {  	s24 =	simm.s32 $0x800;
	s0 =	simm.s32 $0x4;
	s16 =	simm.s32 $0xF00  }
.LBB2_1:
0x31: {  	s8 =	rddreg [dreg:$0x1d]  }
0x32: {  	[tilespmem:s22], [sflag:$0x7] =	stream.linear.gather [hbm4b:s8+s4], $0x4000, $0x38;
	[tilespmem:$0x1D000] =	vst v63  }
0x33: {  	_ =	swait.ge [sflag:s23], $0x4000  }
0x34: {  	[sflag:s23] =	ssyncset.done $0x0  }
0x35: {  	[sflag:s23] =	ssyncadd.s32 $0xFFFFC000  }
0x36: {  	[spmem:s10] =	stream.linear.scatter [tilespmem:s22], [sflag:$0x7], $0x4000, $0x38;
	[tilespmem:$0x1D000] =	vst v63  }
0x37: {  	_ =	swait.ge [sflag:s23], $0x4000  }
0x38: {  	[sflag:s23] =	ssyncset.done $0x0  }
0x39: {  	[sflag:s23] =	ssyncadd.s32 $0xFFFFC000  }
0x3a: {  	[spmem:s9] =	stream.linear.scatter [tilespmem:s22], [sflag:$0x7], $0x4000, $0x38;
	[tilespmem:$0x1D000] =	vst v63  }
0x3b: {  	_ =	swait.ge [sflag:s23], $0x4000  }
0x3c: {  	[sflag:s23] =	ssyncset.done $0x0  }
0x3d: {  	[sflag:s23] =	ssyncadd.s32 $0xFFFFC000  }
0x3e: {  	[spmem:s21] =	stream.linear.scatter [tilespmem:s22], [sflag:$0x7], $0x4000, $0x38;
	[tilespmem:$0x1D000] =	vst v63  }
0x3f: {  	_ =	swait.ge [sflag:s23], $0x4000  }
0x40: {  	[sflag:s23] =	ssyncset.done $0x0  }
0x41: {  	[sflag:s23] =	ssyncadd.s32 $0xFFFFC000  }
0x42: {  	[spmem:s19] =	stream.linear.scatter [tilespmem:s22], [sflag:$0x7], $0x4000, $0x38;
	[tilespmem:$0x1D000] =	vst v63  }
0x43: {  	_ =	swait.ge [sflag:s23], $0x4000  }
0x44: {  	[sflag:s23] =	ssyncset.done $0x0  }
0x45: {  	s11 =	smov.u32 s10;
	s10 =	smov.u32 s12;
	[sflag:s23] =	ssyncadd.s32 $0xFFFFC000  }
0x46: {  	[spmem:s10] =	stream.linear.scatter [tilespmem:s22], [sflag:$0x7], $0x4000, $0x38;
	[tilespmem:$0x1D000] =	vst v63  }
0x47: {  	_ =	swait.ge [sflag:s23], $0x4000  }
0x48: {  	[sflag:s23] =	ssyncset.done $0x0  }
0x49: {  	[sflag:s23] =	ssyncadd.s32 $0xFFFFC000  }
0x4a: {  	[bflag:$0x0] =	sbarrier.arrive $0xFFFF  }
0x4b: {  	s10 =	sld [smem:$0x7F5];
	_ =	sdelay $0x1  }
0x4c: {  	s19 =	sld [smem:$0x7F6]  }
0x4d: {  	[tilespmem:s4], [sflag:$0x1] =	stream.linear.gather [hbm4b:s10+s4], $0x400, $0x38;
	[tilespmem:$0x1D000] =	vst v63  }
0x4e: {  	_ = 	snop  }
0x4f: {  	[tilespmem:s24], [sflag:$0x1] =	stream.linear.gather [hbm4b:s19+s4], $0x400, $0x38;
	[tilespmem:$0x1D000] =	vst v63  }
0x50: {  	_ =	swait.ge [sflag:s25], $0x400  }
0x51: {  	[sflag:s25] =	ssyncset.done $0x0  }
0x52: {  	[sflag:s25] =	ssyncadd.s32 $0xFFFFFC00  }
0x53: {  	s20 =	smov.u32 s21;
	_ =	swait.ge [sflag:s25], $0x400  }
0x54: {  	s12 =	smov.u32 s9;
	s21 =	rddreg [dreg:$0x5];
	[sflag:s25] =	ssyncset.done $0x0  }
0x55: {  	s9 =	rddreg [dreg:$0x4];
	[sflag:s25] =	ssyncadd.s32 $0xFFFFFC00;
	s8 =	sadd.s32 $0x0, s21  }
0x56: {  	[tilespmem:s26], [sflag:$0x2] =	stream.linear.gather [hbm4b:s8+s4], $0x400, $0x38;
	[tilespmem:$0x1D000] =	vst v63  }
0x57: {  	s10 =	sadd.s32 $0x0, s9  }
0x58: {  	[tilespmem:s28], [sflag:$0x2] =	stream.linear.gather [hbm4b:s10+s4], $0x400, $0x38;
	[tilespmem:$0x1D000] =	vst v63  }
0x59: {  	_ = 	snop  }
0x5a: {  	[tilespmem:s22], [sflag:$0x3] =	stream.indirect.gather [hbm4b:s5+s29], $0x80, s4, s29, $0xb8;
	[tilespmem:$0x1D000] =	vst v63  }
0x5b: {  	_ = 	snop  }
0x5c: {  	[tilespmem:s30], [sflag:$0x4] =	stream.indirect.gather [hbm4b:s5+s29], $0x80, s29, s29, $0xb8;
	[tilespmem:$0x1D000] =	vst v63  }
0x5d: {  	_ =	swait.ge [sflag:s31], $0x4000  }
0x5e: {  	[sflag:s31] =	ssyncset.done $0x0  }
0x5f: {  	[sflag:s31] =	ssyncadd.s32 $0xFFFFC000  }
0x60: {  	[spmem:s2] =	stream.indirect.scatter.add.f32 [tilespmem:s22], [sflag:$0x5], $0x80, s24, s29, $0xb8;
	[tilespmem:$0x1D000] =	vst v63  }
0x61: {  	_ =	swait.ge [sflag:s0], $0x4000  }
0x62: {  	[sflag:s0] =	ssyncset.done $0x0  }
0x63: {  	s19 =	rddreg [dreg:$0x6];
	[sflag:s0] =	ssyncadd.s32 $0xFFFFC000  }
0x64: {  	[spmem:s2] =	stream.indirect.scatter.add.f32 [tilespmem:s30], [sflag:$0x6], $0x80, s19, s29, $0xb8;
	[tilespmem:$0x1D000] =	vst v63  }
0x65: {  	_ =	swait.ge [sflag:s3], $0x4000  }
0x66: {  	[sflag:s3] =	ssyncset.done $0x0  }
0x67: {  	s21 =	rddreg [dreg:$0x7];
	[sflag:s3] =	ssyncadd.s32 $0xFFFFC000  }
0x68: {  	[tilespmem:s22], [sflag:$0x3] =	stream.indirect.gather [hbm4b:s5+s29], $0x80, s21, s29, $0xb8;
	[tilespmem:$0x1D000] =	vst v63  }
0x69: {  	_ =	swait.ge [sflag:s7], $0x4000  }
0x6a: {  	[sflag:s7] =	ssyncset.done $0x0  }
0x6b: {  	s9 =	rddreg [dreg:$0x8];
	[sflag:s7] =	ssyncadd.s32 $0xFFFFC000  }
0x6c: {  	[tilespmem:s30], [sflag:$0x4] =	stream.indirect.gather [hbm4b:s5+s29], $0x80, s9, s29, $0xb8;
	[tilespmem:$0x1D000] =	vst v63  }
0x6d: {  	_ =	swait.ge [sflag:s31], $0x4000  }
0x6e: {  	[sflag:s31] =	ssyncset.done $0x0  }
0x6f: {  	s10 =	rddreg [dreg:$0x9];
	[sflag:s31] =	ssyncadd.s32 $0xFFFFC000  }
0x70: {  	[spmem:s2] =	stream.indirect.scatter.add.f32 [tilespmem:s22], [sflag:$0x5], $0x80, s10, s29, $0xb8;
	[tilespmem:$0x1D000] =	vst v63  }
0x71: {  	_ =	swait.ge [sflag:s0], $0x4000  }
0x72: {  	[sflag:s0] =	ssyncset.done $0x0  }
0x73: {  	s19 =	rddreg [dreg:$0xa];
	[sflag:s0] =	ssyncadd.s32 $0xFFFFC000  }
0x74: {  	[spmem:s2] =	stream.indirect.scatter.add.f32 [tilespmem:s30], [sflag:$0x6], $0x80, s19, s29, $0xb8;
	[tilespmem:$0x1D000] =	vst v63  }
0x75: {  	_ =	swait.ge [sflag:s3], $0x4000  }
0x76: {  	[sflag:s3] =	ssyncset.done $0x0  }
0x77: {  	s21 =	rddreg [dreg:$0xb];
	[sflag:s3] =	ssyncadd.s32 $0xFFFFC000  }
0x78: {  	[tilespmem:s22], [sflag:$0x3] =	stream.indirect.gather [hbm4b:s5+s29], $0x80, s21, s29, $0xb8;
	[tilespmem:$0x1D000] =	vst v63  }
0x79: {  	_ =	swait.ge [sflag:s7], $0x4000  }
0x7a: {  	[sflag:s7] =	ssyncset.done $0x0  }
0x7b: {  	s9 =	rddreg [dreg:$0xc];
	[sflag:s7] =	ssyncadd.s32 $0xFFFFC000  }
0x7c: {  	[tilespmem:s30], [sflag:$0x4] =	stream.indirect.gather [hbm4b:s5+s29], $0x80, s9, s29, $0xb8;
	[tilespmem:$0x1D000] =	vst v63  }
0x7d: {  	_ =	swait.ge [sflag:s31], $0x4000  }
0x7e: {  	[sflag:s31] =	ssyncset.done $0x0  }
0x7f: {  	s10 =	rddreg [dreg:$0xd];
	[sflag:s31] =	ssyncadd.s32 $0xFFFFC000  }
0x80: {  	[spmem:s2] =	stream.indirect.scatter.add.f32 [tilespmem:s22], [sflag:$0x5], $0x80, s10, s29, $0xb8;
	[tilespmem:$0x1D000] =	vst v63  }
0x81: {  	_ =	swait.ge [sflag:s0], $0x4000  }
0x82: {  	[sflag:s0] =	ssyncset.done $0x0  }
0x83: {  	s19 =	rddreg [dreg:$0xe];
	[sflag:s0] =	ssyncadd.s32 $0xFFFFC000  }
0x84: {  	[spmem:s2] =	stream.indirect.scatter.add.f32 [tilespmem:s30], [sflag:$0x6], $0x80, s19, s29, $0xb8;
	[tilespmem:$0x1D000] =	vst v63  }
0x85: {  	_ =	swait.ge [sflag:s3], $0x4000  }
0x86: {  	[sflag:s3] =	ssyncset.done $0x0  }
0x87: {  	s21 =	rddreg [dreg:$0xf];
	[sflag:s3] =	ssyncadd.s32 $0xFFFFC000  }
0x88: {  	[tilespmem:s22], [sflag:$0x3] =	stream.indirect.gather [hbm4b:s5+s29], $0x80, s21, s29, $0xb8;
	[tilespmem:$0x1D000] =	vst v63  }
0x89: {  	_ =	swait.ge [sflag:s7], $0x4000  }
0x8a: {  	[sflag:s7] =	ssyncset.done $0x0  }
0x8b: {  	s9 =	rddreg [dreg:$0x10];
	[sflag:s7] =	ssyncadd.s32 $0xFFFFC000  }
0x8c: {  	[tilespmem:s30], [sflag:$0x4] =	stream.indirect.gather [hbm4b:s5+s29], $0x80, s9, s29, $0xb8;
	[tilespmem:$0x1D000] =	vst v63  }
0x8d: {  	_ =	swait.ge [sflag:s31], $0x4000  }
0x8e: {  	[sflag:s31] =	ssyncset.done $0x0  }
0x8f: {  	s10 =	rddreg [dreg:$0x11];
	[sflag:s31] =	ssyncadd.s32 $0xFFFFC000  }
0x90: {  	[spmem:s2] =	stream.indirect.scatter.add.f32 [tilespmem:s22], [sflag:$0x5], $0x80, s10, s29, $0xb8;
	[tilespmem:$0x1D000] =	vst v63  }
0x91: {  	_ =	swait.ge [sflag:s0], $0x4000  }
0x92: {  	[sflag:s0] =	ssyncset.done $0x0  }
0x93: {  	s19 =	rddreg [dreg:$0x12];
	[sflag:s0] =	ssyncadd.s32 $0xFFFFC000  }
0x94: {  	[spmem:s2] =	stream.indirect.scatter.add.f32 [tilespmem:s30], [sflag:$0x6], $0x80, s19, s29, $0xb8;
	[tilespmem:$0x1D000] =	vst v63  }
0x95: {  	_ =	swait.ge [sflag:s3], $0x4000  }
0x96: {  	[sflag:s3] =	ssyncset.done $0x0  }
0x97: {  	[sflag:s3] =	ssyncadd.s32 $0xFFFFC000  }
0x98: {  	_ =	swait.ge [sflag:s7], $0x4000  }
0x99: {  	[sflag:s7] =	ssyncset.done $0x0  }
0x9a: {  	[sflag:s7] =	ssyncadd.s32 $0xFFFFC000  }
0x9b: {  	_ =	swait.ge [sflag:s13], $0x400  }
0x9c: {  	[sflag:s13] =	ssyncset.done $0x0  }
0x9d: {  	[sflag:s13] =	ssyncadd.s32 $0xFFFFFC00  }
0x9e: {  	_ =	swait.ge [sflag:s13], $0x400  }
0x9f: {  	s9 =	sld [smem:$0x7FD];
	_ =	sdelay $0x1  }
0xa0: {  	p0 =	por $0x0, $0x0  }
0xa1: {  	[sflag:s13] =	ssyncset.done $0x0;
	s8 =	sshrl.u32 @!p0 s9, $0x3  }
0xa2: {  	s21 =	simm.s32 @!p0 $0x0;
	[sflag:s13] =	ssyncadd.s32 $0xFFFFFC00;
	s19 =	sadd.s32 @!p0 s1, s8  }
0xa3: {  	[tilespmem:s21], [sflag:$0x1] =	stream.linear.gather @!p0 [hbm4b:s19+s21], $0x400, $0x38;
	[tilespmem:$0x1D000] =	vst v63  }
0xa4: {  	s8 =	sadd.s32 @!p0 s6, s8;
	s19 =	simm.s32 @!p0 $0x800  }
0xa5: {  	[tilespmem:s19], [sflag:$0x1] =	stream.linear.gather @!p0 [hbm4b:s8+s21], $0x400, $0x38;
	[tilespmem:$0x1D000] =	vst v63  }
0xa6: {  	_ = 	snop  }
0xa7: {  	[tilespmem:s22], [sflag:$0x3] =	stream.indirect.gather [hbm4b:s5+s29], $0x80, s26, s29, $0xb8;
	[tilespmem:$0x1D000] =	vst v63  }
0xa8: {  	s21 =	rddreg [dreg:$0x13]  }
0xa9: {  	[tilespmem:s30], [sflag:$0x4] =	stream.indirect.gather [hbm4b:s5+s29], $0x80, s21, s29, $0xb8;
	[tilespmem:$0x1D000] =	vst v63  }
0xaa: {  	_ =	swait.ge [sflag:s31], $0x4000  }
0xab: {  	[sflag:s31] =	ssyncset.done $0x0  }
0xac: {  	[sflag:s31] =	ssyncadd.s32 $0xFFFFC000  }
0xad: {  	[spmem:s2] =	stream.indirect.scatter.add.f32 [tilespmem:s22], [sflag:$0x5], $0x80, s28, s29, $0xb8;
	[tilespmem:$0x1D000] =	vst v63  }
0xae: {  	_ =	swait.ge [sflag:s0], $0x4000  }
0xaf: {  	[sflag:s0] =	ssyncset.done $0x0  }
0xb0: {  	s10 =	rddreg [dreg:$0x14];
	[sflag:s0] =	ssyncadd.s32 $0xFFFFC000  }
0xb1: {  	[spmem:s2] =	stream.indirect.scatter.add.f32 [tilespmem:s30], [sflag:$0x6], $0x80, s10, s29, $0xb8;
	[tilespmem:$0x1D000] =	vst v63  }
0xb2: {  	_ =	swait.ge [sflag:s3], $0x4000  }
0xb3: {  	[sflag:s3] =	ssyncset.done $0x0  }
0xb4: {  	s19 =	rddreg [dreg:$0x15];
	[sflag:s3] =	ssyncadd.s32 $0xFFFFC000  }
0xb5: {  	[tilespmem:s22], [sflag:$0x3] =	stream.indirect.gather [hbm4b:s5+s29], $0x80, s19, s29, $0xb8;
	[tilespmem:$0x1D000] =	vst v63  }
0xb6: {  	_ =	swait.ge [sflag:s7], $0x4000  }
0xb7: {  	[sflag:s7] =	ssyncset.done $0x0  }
0xb8: {  	s21 =	rddreg [dreg:$0x16];
	[sflag:s7] =	ssyncadd.s32 $0xFFFFC000  }
0xb9: {  	[tilespmem:s30], [sflag:$0x4] =	stream.indirect.gather [hbm4b:s5+s29], $0x80, s21, s29, $0xb8;
	[tilespmem:$0x1D000] =	vst v63  }
0xba: {  	_ =	swait.ge [sflag:s31], $0x4000  }
0xbb: {  	[sflag:s31] =	ssyncset.done $0x0  }
0xbc: {  	s10 =	rddreg [dreg:$0x17];
	[sflag:s31] =	ssyncadd.s32 $0xFFFFC000  }
0xbd: {  	[spmem:s2] =	stream.indirect.scatter.add.f32 [tilespmem:s22], [sflag:$0x5], $0x80, s10, s29, $0xb8;
	[tilespmem:$0x1D000] =	vst v63  }
0xbe: {  	_ =	swait.ge [sflag:s0], $0x4000  }
0xbf: {  	[sflag:s0] =	ssyncset.done $0x0  }
0xc0: {  	s19 =	rddreg [dreg:$0x18];
	[sflag:s0] =	ssyncadd.s32 $0xFFFFC000  }
0xc1: {  	[spmem:s2] =	stream.indirect.scatter.add.f32 [tilespmem:s30], [sflag:$0x6], $0x80, s19, s29, $0xb8;
	[tilespmem:$0x1D000] =	vst v63  }
0xc2: {  	_ =	swait.ge [sflag:s3], $0x4000  }
0xc3: {  	[sflag:s3] =	ssyncset.done $0x0  }
0xc4: {  	s21 =	rddreg [dreg:$0x19];
	[sflag:s3] =	ssyncadd.s32 $0xFFFFC000  }
0xc5: {  	[tilespmem:s22], [sflag:$0x3] =	stream.indirect.gather [hbm4b:s5+s29], $0x80, s21, s29, $0xb8;
	[tilespmem:$0x1D000] =	vst v63  }
0xc6: {  	_ =	swait.ge [sflag:s7], $0x4000  }
0xc7: {  	[sflag:s7] =	ssyncset.done $0x0  }
0xc8: {  	s10 =	rddreg [dreg:$0x1a];
	[sflag:s7] =	ssyncadd.s32 $0xFFFFC000  }
0xc9: {  	[tilespmem:s30], [sflag:$0x4] =	stream.indirect.gather [hbm4b:s5+s29], $0x80, s10, s29, $0xb8;
	[tilespmem:$0x1D000] =	vst v63  }
0xca: {  	_ =	swait.ge [sflag:s31], $0x4000  }
0xcb: {  	[sflag:s31] =	ssyncset.done $0x0  }
0xcc: {  	s19 =	rddreg [dreg:$0x1b];
	[sflag:s31] =	ssyncadd.s32 $0xFFFFC000  }
0xcd: {  	[spmem:s2] =	stream.indirect.scatter.add.f32 [tilespmem:s22], [sflag:$0x5], $0x80, s19, s29, $0xb8;
	[tilespmem:$0x1D000] =	vst v63  }
0xce: {  	_ =	swait.ge [sflag:s0], $0x4000  }
0xcf: {  	[sflag:s0] =	ssyncset.done $0x0  }
0xd0: {  	s21 =	rddreg [dreg:$0x1c];
	[sflag:s0] =	ssyncadd.s32 $0xFFFFC000  }
0xd1: {  	[spmem:s2] =	stream.indirect.scatter.add.f32 [tilespmem:s30], [sflag:$0x6], $0x80, s21, s29, $0xb8;
	[tilespmem:$0x1D000] =	vst v63  }
0xd2: {  	_ =	swait.ge [sflag:s3], $0x4000  }
0xd3: {  	[sflag:s3] =	ssyncset.done $0x0  }
0xd4: {  	[sflag:s3] =	ssyncadd.s32 $0xFFFFC000  }
0xd5: {  	[tilespmem:s22], [sflag:$0x3] =	stream.indirect.gather [hbm4b:s5+s29], $0x80, s14, s29, $0xb8;
	[tilespmem:$0x1D000] =	vst v63  }
0xd6: {  	_ =	swait.ge [sflag:s7], $0x4000  }
0xd7: {  	[sflag:s7] =	ssyncset.done $0x0  }
0xd8: {  	[sflag:s7] =	ssyncadd.s32 $0xFFFFC000  }
0xd9: {  	[tilespmem:s30], [sflag:$0x4] =	stream.indirect.gather [hbm4b:s5+s29], $0x80, s15, s29, $0xb8;
	[tilespmem:$0x1D000] =	vst v63  }
0xda: {  	_ =	swait.ge [sflag:s31], $0x4000  }
0xdb: {  	[sflag:s31] =	ssyncset.done $0x0  }
0xdc: {  	[sflag:s31] =	ssyncadd.s32 $0xFFFFC000  }
0xdd: {  	[spmem:s2] =	stream.indirect.scatter.add.f32 [tilespmem:s22], [sflag:$0x5], $0x80, s16, s29, $0xb8;
	[tilespmem:$0x1D000] =	vst v63  }
0xde: {  	_ =	swait.ge [sflag:s0], $0x4000  }
0xdf: {  	[sflag:s0] =	ssyncset.done $0x0  }
0xe0: {  	[sflag:s0] =	ssyncadd.s32 $0xFFFFC000  }
0xe1: {  	[spmem:s2] =	stream.indirect.scatter.add.f32 [tilespmem:s30], [sflag:$0x6], $0x80, s17, s29, $0xb8;
	[tilespmem:$0x1D000] =	vst v63  }
0xe2: {  	_ =	swait.ge [sflag:s3], $0x4000  }
0xe3: {  	[sflag:s3] =	ssyncset.done $0x0  }
0xe4: {  	[sflag:s3] =	ssyncadd.s32 $0xFFFFC000  }
0xe5: {  	_ =	swait.ge [sflag:s7], $0x4000  }
0xe6: {  	s19 =	simm.s32 $0x100;
	s21 =	smov.u32 s9;
	[sflag:s7] =	ssyncset.done $0x0  }
.LBB2_2:
0xe7: {  	[sflag:s7] =	ssyncadd.s32 $0xFFFFC000  }
0xe8: {  	_ =	swait.ge [sflag:s25], $0x400  }
0xe9: {  	[sflag:s25] =	ssyncset.done $0x0  }
0xea: {  	[sflag:s25] =	ssyncadd.s32 $0xFFFFFC00  }
0xeb: {  	_ =	swait.ge [sflag:s25], $0x400  }
0xec: {  	s8 =	smov.u32 s19;
	s9 =	rddreg [dreg:$0x5];
	[sflag:s25] =	ssyncset.done $0x0  }
0xed: {  	s10 =	rddreg [dreg:$0x4];
	[sflag:s25] =	ssyncadd.s32 $0xFFFFFC00;
	s9 =	sadd.s32 s8, s9  }
0xee: {  	[tilespmem:s26], [sflag:$0x2] =	stream.linear.gather [hbm4b:s9+s4], $0x400, $0x38;
	[tilespmem:$0x1D000] =	vst v63  }
0xef: {  	s10 =	sadd.s32 s8, s10  }
0xf0: {  	[tilespmem:s28], [sflag:$0x2] =	stream.linear.gather [hbm4b:s10+s4], $0x400, $0x38;
	[tilespmem:$0x1D000] =	vst v63  }
0xf1: {  	_ = 	snop  }
0xf2: {  	[tilespmem:s22], [sflag:$0x3] =	stream.indirect.gather [hbm4b:s5+s29], $0x80, s4, s29, $0xb8;
	[tilespmem:$0x1D000] =	vst v63  }
0xf3: {  	_ = 	snop  }
0xf4: {  	[tilespmem:s30], [sflag:$0x4] =	stream.indirect.gather [hbm4b:s5+s29], $0x80, s29, s29, $0xb8;
	[tilespmem:$0x1D000] =	vst v63  }
0xf5: {  	_ =	swait.ge [sflag:s31], $0x4000  }
0xf6: {  	[sflag:s31] =	ssyncset.done $0x0  }
0xf7: {  	[sflag:s31] =	ssyncadd.s32 $0xFFFFC000  }
0xf8: {  	[spmem:s2] =	stream.indirect.scatter.add.f32 [tilespmem:s22], [sflag:$0x5], $0x80, s24, s29, $0xb8;
	[tilespmem:$0x1D000] =	vst v63  }
0xf9: {  	_ =	swait.ge [sflag:s0], $0x4000  }
0xfa: {  	[sflag:s0] =	ssyncset.done $0x0  }
0xfb: {  	s10 =	rddreg [dreg:$0x6];
	[sflag:s0] =	ssyncadd.s32 $0xFFFFC000  }
0xfc: {  	[spmem:s2] =	stream.indirect.scatter.add.f32 [tilespmem:s30], [sflag:$0x6], $0x80, s10, s29, $0xb8;
	[tilespmem:$0x1D000] =	vst v63  }
0xfd: {  	_ =	swait.ge [sflag:s3], $0x4000  }
0xfe: {  	[sflag:s3] =	ssyncset.done $0x0  }
0xff: {  	s10 =	rddreg [dreg:$0x7];
	[sflag:s3] =	ssyncadd.s32 $0xFFFFC000  }
0x100: {  	[tilespmem:s22], [sflag:$0x3] =	stream.indirect.gather [hbm4b:s5+s29], $0x80, s10, s29, $0xb8;
	[tilespmem:$0x1D000] =	vst v63  }
0x101: {  	_ =	swait.ge [sflag:s7], $0x4000  }
0x102: {  	[sflag:s7] =	ssyncset.done $0x0  }
0x103: {  	s10 =	rddreg [dreg:$0x8];
	[sflag:s7] =	ssyncadd.s32 $0xFFFFC000  }
0x104: {  	[tilespmem:s30], [sflag:$0x4] =	stream.indirect.gather [hbm4b:s5+s29], $0x80, s10, s29, $0xb8;
	[tilespmem:$0x1D000] =	vst v63  }
0x105: {  	_ =	swait.ge [sflag:s31], $0x4000  }
0x106: {  	[sflag:s31] =	ssyncset.done $0x0  }
0x107: {  	s10 =	rddreg [dreg:$0x9];
	[sflag:s31] =	ssyncadd.s32 $0xFFFFC000  }
0x108: {  	[spmem:s2] =	stream.indirect.scatter.add.f32 [tilespmem:s22], [sflag:$0x5], $0x80, s10, s29, $0xb8;
	[tilespmem:$0x1D000] =	vst v63  }
0x109: {  	_ =	swait.ge [sflag:s0], $0x4000  }
0x10a: {  	[sflag:s0] =	ssyncset.done $0x0  }
0x10b: {  	s10 =	rddreg [dreg:$0xa];
	[sflag:s0] =	ssyncadd.s32 $0xFFFFC000  }
0x10c: {  	[spmem:s2] =	stream.indirect.scatter.add.f32 [tilespmem:s30], [sflag:$0x6], $0x80, s10, s29, $0xb8;
	[tilespmem:$0x1D000] =	vst v63  }
0x10d: {  	_ =	swait.ge [sflag:s3], $0x4000  }
0x10e: {  	[sflag:s3] =	ssyncset.done $0x0  }
0x10f: {  	s10 =	rddreg [dreg:$0xb];
	[sflag:s3] =	ssyncadd.s32 $0xFFFFC000  }
0x110: {  	[tilespmem:s22], [sflag:$0x3] =	stream.indirect.gather [hbm4b:s5+s29], $0x80, s10, s29, $0xb8;
	[tilespmem:$0x1D000] =	vst v63  }
0x111: {  	_ =	swait.ge [sflag:s7], $0x4000  }
0x112: {  	[sflag:s7] =	ssyncset.done $0x0  }
0x113: {  	s10 =	rddreg [dreg:$0xc];
	[sflag:s7] =	ssyncadd.s32 $0xFFFFC000  }
0x114: {  	[tilespmem:s30], [sflag:$0x4] =	stream.indirect.gather [hbm4b:s5+s29], $0x80, s10, s29, $0xb8;
	[tilespmem:$0x1D000] =	vst v63  }
0x115: {  	_ =	swait.ge [sflag:s31], $0x4000  }
0x116: {  	[sflag:s31] =	ssyncset.done $0x0  }
0x117: {  	s10 =	rddreg [dreg:$0xd];
	[sflag:s31] =	ssyncadd.s32 $0xFFFFC000  }
0x118: {  	[spmem:s2] =	stream.indirect.scatter.add.f32 [tilespmem:s22], [sflag:$0x5], $0x80, s10, s29, $0xb8;
	[tilespmem:$0x1D000] =	vst v63  }
0x119: {  	_ =	swait.ge [sflag:s0], $0x4000  }
0x11a: {  	[sflag:s0] =	ssyncset.done $0x0  }
0x11b: {  	s10 =	rddreg [dreg:$0xe];
	[sflag:s0] =	ssyncadd.s32 $0xFFFFC000  }
0x11c: {  	[spmem:s2] =	stream.indirect.scatter.add.f32 [tilespmem:s30], [sflag:$0x6], $0x80, s10, s29, $0xb8;
	[tilespmem:$0x1D000] =	vst v63  }
0x11d: {  	_ =	swait.ge [sflag:s3], $0x4000  }
0x11e: {  	[sflag:s3] =	ssyncset.done $0x0  }
0x11f: {  	s10 =	rddreg [dreg:$0xf];
	[sflag:s3] =	ssyncadd.s32 $0xFFFFC000  }
0x120: {  	[tilespmem:s22], [sflag:$0x3] =	stream.indirect.gather [hbm4b:s5+s29], $0x80, s10, s29, $0xb8;
	[tilespmem:$0x1D000] =	vst v63  }
0x121: {  	_ =	swait.ge [sflag:s7], $0x4000  }
0x122: {  	[sflag:s7] =	ssyncset.done $0x0  }
0x123: {  	s10 =	rddreg [dreg:$0x10];
	[sflag:s7] =	ssyncadd.s32 $0xFFFFC000  }
0x124: {  	[tilespmem:s30], [sflag:$0x4] =	stream.indirect.gather [hbm4b:s5+s29], $0x80, s10, s29, $0xb8;
	[tilespmem:$0x1D000] =	vst v63  }
0x125: {  	_ =	swait.ge [sflag:s31], $0x4000  }
0x126: {  	[sflag:s31] =	ssyncset.done $0x0  }
0x127: {  	s10 =	rddreg [dreg:$0x11];
	[sflag:s31] =	ssyncadd.s32 $0xFFFFC000  }
0x128: {  	[spmem:s2] =	stream.indirect.scatter.add.f32 [tilespmem:s22], [sflag:$0x5], $0x80, s10, s29, $0xb8;
	[tilespmem:$0x1D000] =	vst v63  }
0x129: {  	_ =	swait.ge [sflag:s0], $0x4000  }
0x12a: {  	[sflag:s0] =	ssyncset.done $0x0  }
0x12b: {  	s10 =	rddreg [dreg:$0x12];
	[sflag:s0] =	ssyncadd.s32 $0xFFFFC000  }
0x12c: {  	[spmem:s2] =	stream.indirect.scatter.add.f32 [tilespmem:s30], [sflag:$0x6], $0x80, s10, s29, $0xb8;
	[tilespmem:$0x1D000] =	vst v63  }
0x12d: {  	_ =	swait.ge [sflag:s3], $0x4000  }
0x12e: {  	[sflag:s3] =	ssyncset.done $0x0  }
0x12f: {  	[sflag:s3] =	ssyncadd.s32 $0xFFFFC000  }
0x130: {  	_ =	swait.ge [sflag:s7], $0x4000  }
0x131: {  	[sflag:s7] =	ssyncset.done $0x0  }
0x132: {  	[sflag:s7] =	ssyncadd.s32 $0xFFFFC000  }
0x133: {  	_ =	swait.ge [sflag:s13], $0x400  }
0x134: {  	[sflag:s13] =	ssyncset.done $0x0  }
0x135: {  	[sflag:s13] =	ssyncadd.s32 $0xFFFFFC00  }
0x136: {  	s21 =	sadd.s32 $0x800, s21;
	p1 =	seq.s32 s8, $0x400;
	_ =	swait.ge [sflag:s13], $0x400  }
0x137: {  	s8 =	sshrl.u32 @!p1 s21, $0x3;
	[sflag:s13] =	ssyncset.done $0x0  }
0x138: {  	s9 =	sadd.s32 @!p1 s1, s8;
	s10 =	simm.s32 @!p1 $0x0;
	[sflag:s13] =	ssyncadd.s32 $0xFFFFFC00  }
0x139: {  	[tilespmem:s10], [sflag:$0x1] =	stream.linear.gather @!p1 [hbm4b:s9+s10], $0x400, $0x38;
	[tilespmem:$0x1D000] =	vst v63  }
0x13a: {  	s8 =	sadd.s32 @!p1 s6, s8;
	s9 =	simm.s32 @!p1 $0x800  }
0x13b: {  	[tilespmem:s9], [sflag:$0x1] =	stream.linear.gather @!p1 [hbm4b:s8+s10], $0x400, $0x38;
	[tilespmem:$0x1D000] =	vst v63  }
0x13c: {  	_ = 	snop  }
0x13d: {  	[tilespmem:s22], [sflag:$0x3] =	stream.indirect.gather [hbm4b:s5+s29], $0x80, s26, s29, $0xb8;
	[tilespmem:$0x1D000] =	vst v63  }
0x13e: {  	s9 =	rddreg [dreg:$0x13]  }
0x13f: {  	[tilespmem:s30], [sflag:$0x4] =	stream.indirect.gather [hbm4b:s5+s29], $0x80, s9, s29, $0xb8;
	[tilespmem:$0x1D000] =	vst v63  }
0x140: {  	_ =	swait.ge [sflag:s31], $0x4000  }
0x141: {  	[sflag:s31] =	ssyncset.done $0x0  }
0x142: {  	[sflag:s31] =	ssyncadd.s32 $0xFFFFC000  }
0x143: {  	[spmem:s2] =	stream.indirect.scatter.add.f32 [tilespmem:s22], [sflag:$0x5], $0x80, s28, s29, $0xb8;
	[tilespmem:$0x1D000] =	vst v63  }
0x144: {  	_ =	swait.ge [sflag:s0], $0x4000  }
0x145: {  	[sflag:s0] =	ssyncset.done $0x0  }
0x146: {  	s10 =	rddreg [dreg:$0x14];
	[sflag:s0] =	ssyncadd.s32 $0xFFFFC000  }
0x147: {  	[spmem:s2] =	stream.indirect.scatter.add.f32 [tilespmem:s30], [sflag:$0x6], $0x80, s10, s29, $0xb8;
	[tilespmem:$0x1D000] =	vst v63  }
0x148: {  	_ =	swait.ge [sflag:s3], $0x4000  }
0x149: {  	[sflag:s3] =	ssyncset.done $0x0  }
0x14a: {  	s9 =	rddreg [dreg:$0x15];
	[sflag:s3] =	ssyncadd.s32 $0xFFFFC000  }
0x14b: {  	[tilespmem:s22], [sflag:$0x3] =	stream.indirect.gather [hbm4b:s5+s29], $0x80, s9, s29, $0xb8;
	[tilespmem:$0x1D000] =	vst v63  }
0x14c: {  	_ =	swait.ge [sflag:s7], $0x4000  }
0x14d: {  	[sflag:s7] =	ssyncset.done $0x0  }
0x14e: {  	s10 =	rddreg [dreg:$0x16];
	[sflag:s7] =	ssyncadd.s32 $0xFFFFC000  }
0x14f: {  	[tilespmem:s30], [sflag:$0x4] =	stream.indirect.gather [hbm4b:s5+s29], $0x80, s10, s29, $0xb8;
	[tilespmem:$0x1D000] =	vst v63  }
0x150: {  	_ =	swait.ge [sflag:s31], $0x4000  }
0x151: {  	[sflag:s31] =	ssyncset.done $0x0  }
0x152: {  	s9 =	rddreg [dreg:$0x17];
	[sflag:s31] =	ssyncadd.s32 $0xFFFFC000  }
0x153: {  	[spmem:s2] =	stream.indirect.scatter.add.f32 [tilespmem:s22], [sflag:$0x5], $0x80, s9, s29, $0xb8;
	[tilespmem:$0x1D000] =	vst v63  }
0x154: {  	_ =	swait.ge [sflag:s0], $0x4000  }
0x155: {  	[sflag:s0] =	ssyncset.done $0x0  }
0x156: {  	s10 =	rddreg [dreg:$0x18];
	[sflag:s0] =	ssyncadd.s32 $0xFFFFC000  }
0x157: {  	[spmem:s2] =	stream.indirect.scatter.add.f32 [tilespmem:s30], [sflag:$0x6], $0x80, s10, s29, $0xb8;
	[tilespmem:$0x1D000] =	vst v63  }
0x158: {  	_ =	swait.ge [sflag:s3], $0x4000  }
0x159: {  	[sflag:s3] =	ssyncset.done $0x0  }
0x15a: {  	s9 =	rddreg [dreg:$0x19];
	[sflag:s3] =	ssyncadd.s32 $0xFFFFC000  }
0x15b: {  	[tilespmem:s22], [sflag:$0x3] =	stream.indirect.gather [hbm4b:s5+s29], $0x80, s9, s29, $0xb8;
	[tilespmem:$0x1D000] =	vst v63  }
0x15c: {  	_ =	swait.ge [sflag:s7], $0x4000  }
0x15d: {  	[sflag:s7] =	ssyncset.done $0x0  }
0x15e: {  	s10 =	rddreg [dreg:$0x1a];
	[sflag:s7] =	ssyncadd.s32 $0xFFFFC000  }
0x15f: {  	[tilespmem:s30], [sflag:$0x4] =	stream.indirect.gather [hbm4b:s5+s29], $0x80, s10, s29, $0xb8;
	[tilespmem:$0x1D000] =	vst v63  }
0x160: {  	_ =	swait.ge [sflag:s31], $0x4000  }
0x161: {  	[sflag:s31] =	ssyncset.done $0x0  }
0x162: {  	s9 =	rddreg [dreg:$0x1b];
	[sflag:s31] =	ssyncadd.s32 $0xFFFFC000  }
0x163: {  	[spmem:s2] =	stream.indirect.scatter.add.f32 [tilespmem:s22], [sflag:$0x5], $0x80, s9, s29, $0xb8;
	[tilespmem:$0x1D000] =	vst v63  }
0x164: {  	_ =	swait.ge [sflag:s0], $0x4000  }
0x165: {  	[sflag:s0] =	ssyncset.done $0x0  }
0x166: {  	s10 =	rddreg [dreg:$0x1c];
	[sflag:s0] =	ssyncadd.s32 $0xFFFFC000  }
0x167: {  	[spmem:s2] =	stream.indirect.scatter.add.f32 [tilespmem:s30], [sflag:$0x6], $0x80, s10, s29, $0xb8;
	[tilespmem:$0x1D000] =	vst v63  }
0x168: {  	_ =	swait.ge [sflag:s3], $0x4000  }
0x169: {  	[sflag:s3] =	ssyncset.done $0x0  }
0x16a: {  	[sflag:s3] =	ssyncadd.s32 $0xFFFFC000  }
0x16b: {  	[tilespmem:s22], [sflag:$0x3] =	stream.indirect.gather [hbm4b:s5+s29], $0x80, s14, s29, $0xb8;
	[tilespmem:$0x1D000] =	vst v63  }
0x16c: {  	_ =	swait.ge [sflag:s7], $0x4000  }
0x16d: {  	[sflag:s7] =	ssyncset.done $0x0  }
0x16e: {  	[sflag:s7] =	ssyncadd.s32 $0xFFFFC000  }
0x16f: {  	[tilespmem:s30], [sflag:$0x4] =	stream.indirect.gather [hbm4b:s5+s29], $0x80, s15, s29, $0xb8;
	[tilespmem:$0x1D000] =	vst v63  }
0x170: {  	_ =	swait.ge [sflag:s31], $0x4000  }
0x171: {  	[sflag:s31] =	ssyncset.done $0x0  }
0x172: {  	[sflag:s31] =	ssyncadd.s32 $0xFFFFC000  }
0x173: {  	[spmem:s2] =	stream.indirect.scatter.add.f32 [tilespmem:s22], [sflag:$0x5], $0x80, s16, s29, $0xb8;
	[tilespmem:$0x1D000] =	vst v63  }
0x174: {  	_ =	swait.ge [sflag:s0], $0x4000  }
0x175: {  	s19 =	sadd.s32 $0x100, s19;
	[sflag:s0] =	ssyncset.done $0x0  }
0x176: {  	p0 =	sne.s32 s19, $0x500;
	[sflag:s0] =	ssyncadd.s32 $0xFFFFC000  }
0x177: {  	[spmem:s2] =	stream.indirect.scatter.add.f32 [tilespmem:s30], [sflag:$0x6], $0x80, s17, s29, $0xb8;
	[tilespmem:$0x1D000] =	vst v63  }
.Ltmp0:
0x178: {  	_ =	swait.ge [sflag:s3], $0x4000;
	(pc) =	sbr.rel @p0 .LBB2_2-.Ltmp0, $4  }
0x179: {  	[sflag:s3] =	ssyncset.done $0x0  }
0x17a: {  	[sflag:s3] =	ssyncadd.s32 $0xFFFFC000  }
0x17b: {  	_ =	swait.ge [sflag:s7], $0x4000  }
0x17c: {  	[sflag:s7] =	ssyncset.done $0x0  }
0x17d: {  	[sflag:s7] =	ssyncadd.s32 $0xFFFFC000  }
0x17e: {  	[bflag:$0x0] =	sbarrier.arrive $0xFFFF  }
0x17f: {  	[tilespmem:s22], [sflag:$0x7] =	stream.linear.gather [spmem:s11], $0x4000, $0x38;
	[tilespmem:$0x1D000] =	vst v63  }
0x180: {  	_ =	swait.ge [sflag:s23], $0x4000  }
0x181: {  	s8 =	sld [smem:$0x7F7]  }
0x182: {  	[sflag:s23] =	ssyncset.done $0x0  }
0x183: {  	[sflag:s23] =	ssyncadd.s32 $0xFFFFC000  }
0x184: {  	[hbm4b:s8+s4] =	stream.linear.scatter [tilespmem:s22], [sflag:$0x7], $0x4000, $0x38;
	[tilespmem:$0x1D000] =	vst v63  }
0x185: {  	_ =	swait.ge [sflag:s23], $0x4000  }
0x186: {  	[sflag:s23] =	ssyncset.done $0x0  }
0x187: {  	[sflag:s23] =	ssyncadd.s32 $0xFFFFC000  }
0x188: {  	[tilespmem:s30], [sflag:$0x7] =	stream.linear.gather [spmem:s12], $0x4000, $0x38;
	[tilespmem:$0x1D000] =	vst v63  }
0x189: {  	_ =	swait.ge [sflag:s23], $0x4000  }
0x18a: {  	s9 =	smov.u32 s12;
	s12 =	sld [smem:$0x7F8]  }
0x18b: {  	[sflag:s23] =	ssyncset.done $0x0  }
0x18c: {  	[sflag:s23] =	ssyncadd.s32 $0xFFFFC000  }
0x18d: {  	[hbm4b:s12+s4] =	stream.linear.scatter [tilespmem:s30], [sflag:$0x7], $0x4000, $0x38;
	[tilespmem:$0x1D000] =	vst v63  }
0x18e: {  	_ =	swait.ge [sflag:s23], $0x4000  }
0x18f: {  	[sflag:s23] =	ssyncset.done $0x0  }
0x190: {  	[sflag:s23] =	ssyncadd.s32 $0xFFFFC000  }
0x191: {  	[tilespmem:s22], [sflag:$0x7] =	stream.linear.gather [spmem:s20], $0x4000, $0x38;
	[tilespmem:$0x1D000] =	vst v63  }
0x192: {  	_ =	swait.ge [sflag:s23], $0x4000  }
0x193: {  	s19 =	sld [smem:$0x7F9]  }
0x194: {  	[sflag:s23] =	ssyncset.done $0x0  }
0x195: {  	[sflag:s23] =	ssyncadd.s32 $0xFFFFC000  }
0x196: {  	[hbm4b:s19+s4] =	stream.linear.scatter [tilespmem:s22], [sflag:$0x7], $0x4000, $0x38;
	[tilespmem:$0x1D000] =	vst v63  }
0x197: {  	_ =	swait.ge [sflag:s23], $0x4000  }
0x198: {  	[sflag:s23] =	ssyncset.done $0x0  }
0x199: {  	s19 =	rddreg [dreg:$0x1e];
	[sflag:s23] =	ssyncadd.s32 $0xFFFFC000  }
0x19a: {  	[tilespmem:s30], [sflag:$0x7] =	stream.linear.gather [spmem:s19], $0x4000, $0x38;
	[tilespmem:$0x1D000] =	vst v63  }
0x19b: {  	_ =	swait.ge [sflag:s23], $0x4000  }
0x19c: {  	s21 =	smov.u32 s20;
	s20 =	sld [smem:$0x7FA]  }
0x19d: {  	[sflag:s23] =	ssyncset.done $0x0  }
0x19e: {  	[sflag:s23] =	ssyncadd.s32 $0xFFFFC000  }
0x19f: {  	[hbm4b:s20+s4] =	stream.linear.scatter [tilespmem:s30], [sflag:$0x7], $0x4000, $0x38;
	[tilespmem:$0x1D000] =	vst v63  }
0x1a0: {  	_ =	swait.ge [sflag:s23], $0x4000  }
0x1a1: {  	[sflag:s23] =	ssyncset.done $0x0  }
0x1a2: {  	s12 =	rddreg [dreg:$0x1f];
	[sflag:s23] =	ssyncadd.s32 $0xFFFFC000  }
0x1a3: {  	[tilespmem:s22], [sflag:$0x7] =	stream.linear.gather [spmem:s12], $0x4000, $0x38;
	[tilespmem:$0x1D000] =	vst v63  }
0x1a4: {  	_ =	swait.ge [sflag:s23], $0x4000  }
0x1a5: {  	s10 =	smov.u32 s11;
	s11 =	sld [smem:$0x7FB]  }
0x1a6: {  	[sflag:s23] =	ssyncset.done $0x0  }
0x1a7: {  	[sflag:s23] =	ssyncadd.s32 $0xFFFFC000  }
0x1a8: {  	[hbm4b:s11+s4] =	stream.linear.scatter [tilespmem:s22], [sflag:$0x7], $0x4000, $0x38;
	[tilespmem:$0x1D000] =	vst v63  }
0x1a9: {  	_ =	swait.ge [sflag:s23], $0x4000  }
0x1aa: {  	s20 =	sld [smem:$0x7FC];
	_ =	sdelay $0x1  }
0x1ab: {  	s18 =	sadd.s32 $0x1, s18  }
0x1ac: {  	p0 =	sne.s32 s18, s20  }
.Ltmp1:
0x1ad: {  	_ = 	snop;
	(pc) =	sbr.rel @p0 .LBB2_1-.Ltmp1, $3  }
0x1ae: {  	_ =	sdelay $0x1  }
0x1af: {  	[sflag:s23] =	ssyncset.done $0x0  }
0x1b0: {  	[sflag:s23] =	ssyncadd.s32 $0xFFFFC000  }
0x1b1: {  	_ =	sfence.sel $0x180000  }
0x1b2: {  	[bflag:$0x0] =	sbarrier.arrive $0xFFFF  }
0x1b3: {  	_ =	strace $0x9000004A  }
0x1b4: {  	s0 =	stileid.u32;
	[bflag:$0x2] =	sbarrier.arrive $0xFFFF  }
0x1b5: {  	p0 =	sne.s32 s0, $0x0;
	s0 =	rddreg [dreg:$0x3]  }
0x1b6: {  	s0 =	sadd.s32 @!p0 $0x100000, s0  }
0x1b7: {  	[sflag:s0] =	ssyncadd.tile.s32 @!p0 $0x1;
	_ =	shalt  }
.Lfunc_end2:
_tile_overlayer_lowered:
.L_overlay_start_2:
0x1b8: {  	(tag) =	ssettag $0x2  }
0x1b9: {  	s0 =	rddreg [dreg:$0x0];
	s2 =	stileid.u32  }
0x1ba: {  	s1 =	rddreg [dreg:$0x1];
	p0 =	sne.s32 s2, $0x0  }
0x1bb: {  	s3 =	rddreg [dreg:$0x2];
	[bflag:$0x3] =	sbarrier.arrive $0xFFFF;
	s2 =	simm.s32 @!p0 $0x1C07  }
0x1bc: {  	[timem:s3], [sflag:s2] =	dma.local @!p0 [hbm:s0], s1  }
0x1bd: {  	s0 =	simm.s32 @!p0 $0x7  }
0x1be: {  	_ =	swait.ge @!p0 [sflag:s0], s1  }
0x1bf: {  	s1 =	ssub.s32 @!p0 $0x0, s1;
	[sflag:s0] =	ssyncset.done @!p0 $0x0  }
0x1c0: {  	[sflag:s0] =	ssyncadd.s32 @!p0 s1  }
0x1c1: {  	[bflag:$0x3] =	sbarrier.arrive $0xFFFF  }
0x1c2: {  	_ =	shalt  }

// kernel: kernel.7.cloned.1.call-start
scs
__scs_entry_jumppad:
0x0: {  	(pc) =	sbr.rel $0x88, $3  }
0x1: {  	(tag) =	ssettag $0x0;
	lr =	simm.s32 $0x1  }
0x2: {  	[smem:$0x3F99] =	sst lr;
	_ =	strace $0xD0000000  }
0x3: {  	_ = 	snop  }
0x4: {  	_ = 	snop  }
0x5: {  	_ = 	snop  }
0x6: {  	_ = 	snop  }
0x7: {  	_ = 	snop  }
__scs_overlays_trampoline_lowered:
0x8: {  	[smem:$0x3FA8] =	sst s0  }
0x9: {  	[smem:$0x3FA9] =	sst s1  }
0xa: {  	[smem:$0x3FAA] =	sst s2  }
0xb: {  	[smem:$0x3FAB] =	sst s3  }
0xc: {  	[smem:$0x3FAC] =	sst s4  }
0xd: {  	[smem:$0x3FAD] =	sst s5  }
0xe: {  	[smem:$0x3FAE] =	sst s6  }
0xf: {  	[smem:$0x3FAF] =	sst s7  }
0x10: {  	[smem:$0x3FB0] =	sst s8  }
0x11: {  	[smem:$0x3FB1] =	sst s9;
	s0 =	simm.s32 @!p0 $0x0  }
0x12: {  	s1 =	sld [smem:$0x3F97];
	s0 =	simm.s32 @p0 $0x1  }
0x13: {  	[smem:$0x3FB2] =	sst s0;
	s0 =	simm.s32 @!p1 $0x0  }
0x14: {  	s2 =	sld [smem:$0x3F96];
	s0 =	simm.s32 @p1 $0x1  }
0x15: {  	[smem:$0x3FB3] =	sst s0;
	s0 =	simm.s32 @!p2 $0x0  }
0x16: {  	s3 =	sld [smem:$0x3FDB];
	s0 =	simm.s32 @p2 $0x1  }
0x17: {  	s4 =	simm.s32 $0x1BF5;
	[smem:$0x3FB5] =	sst s0  }
0x18: {  	s0 =	sld [smem:$0x3F98];
	_ =	swait.ge [sflag:s4], $0x0  }
0x19: {  	s7 =	sld [smem:$0x3F99]  }
0x1a: {  	s8 =	sadd.s32 $0xFFFFE003, lr  }
0x1b: {  	s9 =	sadd.s32 $0xFFFFFEF7, lr;
	s5 =	simm.s32 $0xFFFFFFFF;
	p2 =	slt.u32 s8, $0xFFFFF086  }
0x1c: {  	p1 =	slt.u32 s9, $0xF7A;
	s5 =	simm.s32 @!p2 $0x0  }
0x1d: {  	s5 =	simm.s32 @p1 $0x1;
	p0 =	seq.s32 s7, s2  }
0x1e: {  	s7 =	smul.u32 @!p0 $0xF7A, s2;
	p2 =	seq.s32 @!p0 s5, $0x0  }
0x1f: {  	s9 =	smul.u32 $0xF7A, s1;
	s8 =	simm.s32 @!p0 $0x1BF5;
	p2 =	por !p2, p0  }
0x20: {  	[sflag:s8] =	ssyncset.s32 @!p0 $0xFFFFF086;
	s6 =	sadd.s32 @!p0 s3, s7;
	s7 =	simm.s32 @!p0 $0x108  }
0x21: {  	s3 =	sadd.s32 s3, s9;
	s6 =	sadd.s32 @!p0 $0x88, s6;
	s7 =	simm.s32 @p2 $0x1082  }
0x22: {  	[simem:s7], [sflag:s8] =	dma.local @!p0 [hbm:s6], $0xF7A  }
0x23: {  	s9 =	sor.u32 $0xD0000000, s2;
	s6 =	simm.s32 $0x108;
	_ =	swait.ge @!p0 [sflag:s8], $0x0  }
0x24: {  	s3 =	sadd.s32 $0x88, s3;
	s6 =	simm.s32 @!p1 $0x1082;
	[sflag:s4] =	ssyncset.s32 $0xFFFFF086  }
0x25: {  	[simem:s6], [sflag:s4] =	dma.local [hbm:s3], $0xF7A  }
0x26: {  	[smem:$0x3F99] =	sst s1;
	(tag) =	ssettag s2;
	_ =	strace s9  }
0x27: {  	s1 =	sld [smem:$0x3FA9]  }
0x28: {  	s2 =	sld [smem:$0x3FAA]  }
0x29: {  	s4 =	sld [smem:$0x3FAC]  }
0x2a: {  	p0 =	seq.s32 s5, $0x0;
	s5 =	sld [smem:$0x3FAD]  }
0x2b: {  	s6 =	sld [smem:$0x3FAE]  }
0x2c: {  	s7 =	sld [smem:$0x3FAF]  }
0x2d: {  	s3 =	simm.s32 $0x108;
	s8 =	sld [smem:$0x3FB0]  }
0x2e: {  	s3 =	simm.s32 @!p0 $0x1082;
	s9 =	sld [smem:$0x3FB1]  }
0x2f: {  	lr =	sadd.s32 s0, s3;
	s0 =	sld [smem:$0x3FA8]  }
0x30: {  	s3 =	sld [smem:$0x3FAB]  }
0x31: {  	[smem:$0x3FB4] =	sst s10  }
0x32: {  	s10 =	sld [smem:$0x3FB2];
	_ =	sdelay $0x3  }
0x33: {  	p0 =	seq.s32 s10, $0x1;
	s10 =	sld [smem:$0x3FB4];
	_ =	sdelay $0x3  }
0x34: {  	[smem:$0x3FB4] =	sst s10  }
0x35: {  	s10 =	sld [smem:$0x3FB3];
	_ =	sdelay $0x3  }
0x36: {  	p1 =	seq.s32 s10, $0x1;
	s10 =	sld [smem:$0x3FB4];
	_ =	sdelay $0x3  }
0x37: {  	[smem:$0x3FB4] =	sst s10  }
0x38: {  	s10 =	sld [smem:$0x3FB5]  }
0x39: {  	_ = 	snop;
	(pc) =	sbr.ind lr, $3  }
0x3a: {  	_ = 	snop  }
0x3b: {  	_ = 	snop  }
0x3c: {  	p2 =	seq.s32 s10, $0x1;
	s10 =	sld [smem:$0x3FB4]  }
0x3d: {  	_ =	shalt  }
0x3e: {  	_ =	shalt  }
0x3f: {  	_ =	shalt  }
0x40: {  	_ =	shalt  }
0x41: {  	_ =	shalt  }
0x42: {  	_ =	shalt  }
0x43: {  	_ =	shalt  }
0x44: {  	_ =	shalt  }
0x45: {  	_ =	shalt  }
0x46: {  	_ =	shalt  }
0x47: {  	_ =	shalt  }
0x48: {  	_ =	shalt  }
0x49: {  	_ =	shalt  }
0x4a: {  	_ =	shalt  }
0x4b: {  	_ =	shalt  }
0x4c: {  	_ =	shalt  }
0x4d: {  	_ =	shalt  }
0x4e: {  	_ =	shalt  }
0x4f: {  	_ =	shalt  }
0x50: {  	_ =	shalt  }
0x51: {  	_ =	shalt  }
0x52: {  	_ =	shalt  }
0x53: {  	_ =	shalt  }
0x54: {  	_ =	shalt  }
0x55: {  	_ =	shalt  }
0x56: {  	_ =	shalt  }
0x57: {  	_ =	shalt  }
0x58: {  	_ =	shalt  }
0x59: {  	_ =	shalt  }
0x5a: {  	_ =	shalt  }
0x5b: {  	_ =	shalt  }
0x5c: {  	_ =	shalt  }
0x5d: {  	_ =	shalt  }
0x5e: {  	_ =	shalt  }
0x5f: {  	_ =	shalt  }
0x60: {  	_ =	shalt  }
0x61: {  	_ =	shalt  }
0x62: {  	_ =	shalt  }
0x63: {  	_ =	shalt  }
0x64: {  	_ =	shalt  }
0x65: {  	_ =	shalt  }
0x66: {  	_ =	shalt  }
0x67: {  	_ =	shalt  }
0x68: {  	_ =	shalt  }
0x69: {  	_ =	shalt  }
0x6a: {  	_ =	shalt  }
0x6b: {  	_ =	shalt  }
0x6c: {  	_ =	shalt  }
0x6d: {  	_ =	shalt  }
0x6e: {  	_ =	shalt  }
0x6f: {  	_ =	shalt  }
0x70: {  	_ =	shalt  }
0x71: {  	_ =	shalt  }
0x72: {  	_ =	shalt  }
0x73: {  	_ =	shalt  }
0x74: {  	_ =	shalt  }
0x75: {  	_ =	shalt  }
0x76: {  	_ =	shalt  }
0x77: {  	_ =	shalt  }
0x78: {  	_ =	shalt  }
0x79: {  	_ =	shalt  }
0x7a: {  	_ =	shalt  }
0x7b: {  	_ =	shalt  }
0x7c: {  	_ =	shalt  }
0x7d: {  	_ =	shalt  }
0x7e: {  	_ =	shalt  }
0x7f: {  	_ =	shalt  }
0x80: {  	_ =	shalt  }
0x81: {  	_ =	shalt  }
0x82: {  	_ =	shalt  }
0x83: {  	_ =	shalt  }
0x84: {  	_ =	shalt  }
0x85: {  	_ =	shalt  }
0x86: {  	_ =	shalt  }
0x87: {  	_ =	shalt  }
.Lfunc_end0:
.L_simem_size_0:
called_computation_lowered:
.L_overlay_start_0:
0x88: {  	s2 =	sld [smem:$0x3FD9]  }
0x89: {  	s3 =	sld [smem:$0x3FFE];
	_ =	sdelay $0x1  }
0x8a: {  	s1 =	srdreg.scid  }
0x8b: {  	s0 =	sand.u32 $0x1, s1  }
0x8c: {  	s17 =	sshll.u32 s0, $0xA;
	s2 =	sadd.s32 s3, s2  }
0x8d: {  	s2 =	sadd.s32 s2, s17  }
0x8e: {  	[smem:$0x3FC0] =	sst s2  }
0x8f: {  	_ = 	snop  }
0x90: {  	s2 =	sld [smem:$0x3FD0];
	(tm) =	ssettm $0x1  }
0x91: {  	s18 =	sld [smem:$0x3FFB];
	_ =	sdelay $0x3  }
0x92: {  	_ =	strace s18  }
0x93: {  	s3 =	sld [smem:$0x3FFC];
	_ =	sdelay $0x3  }
0x94: {  	_ =	strace s3  }
0x95: {  	s3 =	sld [smem:$0x3FFD];
	_ =	sdelay $0x3  }
0x96: {  	_ =	strace s3  }
0x97: {  	_ =	strace $0x8FFFFFFF  }
0x98: {  	s19 =	sld [smem:$0x3FDB];
	_ =	sdelay $0x1  }
0x99: {  	s4 =	simm.s32 $_scs_section_size  }
0x9a: {  	s5 =	simm.s32 $_size__tile_overlayer_lowered;
	s6 =	simm.s32 $_tile_overlayer_lowered  }
0x9b: {  	s22 =	simm.s32 $0x1BFF;
	s21 =	sshll.u32 s6, $0x1;
	s3 =	sadd.s32 s4, s19  }
0x9c: {  	s7 =	simm.s32 $0x0;
	s20 =	sshll.u32 s5, $0x1;
	s5 =	sadd.s32 s21, s3  }
0x9d: {  	[timem:s7], [sflag:s22] =	dma.local [hbm:s5], s20  }
0x9e: {  	_ =	swait.ge [sflag:s22], s20  }
0x9f: {  	s4 =	ssub.s32 $0x0, s20;
	[sflag:s22] =	ssyncset.done $0x0  }
0xa0: {  	[sflag:s22] =	ssyncadd.s32 s4;
	_ =	sdelay $0x1  }
0xa1: {  	s23 =	simm.s32 $0x1B8B  }
0xa2: {  	_ =	swait.ge [sflag:s23], $0x1  }
0xa3: {  	[sflag:s23] =	ssyncset.done $0x0  }
0xa4: {  	s25 =	simm.s32 $0x1B8E;
	s24 =	sld [smem:$0x3FFE];
	[sflag:s23] =	ssyncadd.s32 $0xFFFFFFFF  }
0xa5: {  	s26 =	simm.s32 $execute0_lowered;
	[smem:$0x3FD2] =	sst s25  }
0xa6: {  	s5 =	sshll.u32 s26, $0x1;
	_ =	strace $0x80000046;
	[dreg:$0x1] =	wrdreg $0xFFFFFFFF  }
0xa7: {  	s28 =	simm.s32 $_size_execute0_lowered;
	s3 =	sadd.s32 s3, s5;
	[dreg:$0x0] =	wrdreg $0x0  }
0xa8: {  	s5 =	sshll.u32 s28, $0x1;
	[dreg:$0x2] =	wrdreg s3  }
0xa9: {  	[dreg:$0x3] =	wrdreg s5  }
0xaa: {  	[dreg:$0x4] =	wrdreg $0xC0  }
0xab: {  	_ =	task [dreg:s7], $0x5FFFF  }
0xac: {  	[dreg:$0x1] =	wrdreg $0xFFFFFFFF  }
0xad: {  	[dreg:$0x0] =	wrdreg $0x60  }
0xae: {  	[dreg:$0x2] =	wrdreg s24  }
0xaf: {  	[dreg:$0x3] =	wrdreg s2  }
0xb0: {  	[dreg:$0x4] =	wrdreg $0xB8800  }
0xb1: {  	[dreg:$0x5] =	wrdreg $0x1F8800  }
0xb2: {  	[dreg:$0x6] =	wrdreg $0x9  }
0xb3: {  	_ =	task.clear_ibuf [dreg:s7], $0x7FFFF;
	_ =	strace $0x90000046  }
0xb4: {  	s29 =	simm.s32 $0x9;
	_ =	strace $0x80000048  }
0xb5: {  	_ =	swait.ge [sflag:s29], $0x1  }
0xb6: {  	[sflag:s29] =	ssyncadd.s32 $0xFFFFFFFF  }
0xb7: {  	_ =	strace $0x90000048  }
0xb8: {  	_ =	sfence  }
0xb9: {  	s30 =	sld [smem:$0x0];
	_ =	sdelay $0x2  }
0xba: {  	s31 =	sshll.u32 s1, $0xD;
	s1 =	sshrl.u32 s1, $0x2  }
0xbb: {  	s3 =	sand.u32 $0x4000, s31;
	s1 =	sadd.s32 s1, s30  }
0xbc: {  	s0 =	sor.u32 s3, s0;
	s1 =	sshll.u32 s1, $0x11  }
0xbd: {  	s0 =	sor.u32 s1, s0  }
0xbe: {  	s0 =	sadd.s32 $0x8F2B, s0  }
0xbf: {  	[sflag:s0] =	ssyncadd.remote.s32 $0x1  }
0xc0: {  	_ =	sfence.sel $0xFFFF  }
0xc1: {  	[dreg:$0x0] =	wrdreg $0xFFFFFFFF;
	(pc) =	sbr.abs _section_cstart, $3  }
0xc2: {  	[dreg:$0x1] =	wrdreg $0xFFFFFFFF  }
0xc3: {  	_ =	task.clear_ibuf [dreg:s7], $0x2FFFF;
	_ =	strace $0x9FFFFFFF  }
0xc4: {  	(tm) =	ssettm $0x7FFFFFFF  }
0xc5: {  	_ =	shalt  }
tec
execute0_lowered:
.L_overlay_start_1:
0x0: {  	(tag) =	ssettag $0x1  }
0x1: {  	s0 =	rddreg [dreg:$0x0]  }
0x2: {  	s1 =	rddreg [dreg:$0x1]  }
0x3: {  	s2 =	rddreg [dreg:$0x2]  }
0x4: {  	s15 =	rddreg [dreg:$0x3];
	s25 =	simm.s32 $0x0  }
0x5: {  	s3 =	srdreg.scid;
	s16 =	stileid.u32;
	s28 =	simm.s32 $0x7  }
0x6: {  	s29 =	simm.s32 $0x9000;
	s31 =	simm.s32 $0x1;
	s30 =	simm.s32 $0xF80  }
0x7: {  	[smem:$0x7FF] =	sst s25;
	s6 =	sadd.s32 $0xC200, s0;
	s3 =	sand.u32 $0x1, s3  }
0x8: {  	s7 =	sadd.s32 $0x2200, s0;
	s5 =	sadd.s32 $0x34200, s0;
	s10 =	smul.u32 $0x50000, s16  }
0x9: {  	s8 =	sshll.u32 s16, $0xB;
	s20 =	smul.u32 $0x14000, s16;
	p0 =	sgt.u32 s16, $0x4  }
0xa: {  	_ =	strace $0x80000047;
	s4 =	smul.u32 $0x2800, s3;
	[dreg:$0x5] =	wrdreg s5  }
0xb: {  	s5 =	sadd.s32 $0x35400, s0;
	s9 =	ssub.s32 $0x2, s3;
	s23 =	sshll.u32 s3, $0x4  }
0xc: {  	s3 =	smul.u32 $0x140000, s3;
	s12 =	sadd.s32 s8, s15;
	s15 =	simm.s32 $0x5000  }
0xd: {  	s11 =	sshrl.u32 s9, $0x1;
	s10 =	sshrl.u32 s10, $0x2;
	s19 =	sadd.s32 $0x4000, s20  }
0xe: {  	s26 =	sadd.s32 $0x8000, s20;
	[dreg:$0xb] =	wrdreg s12;
	s10 =	sadd.s32 s10, s2  }
0xf: {  	s4 =	sadd.s32 s8, s4;
	s24 =	sadd.s32 s19, s2;
	[dreg:$0x6] =	wrdreg s10  }
0x10: {  	s13 =	sadd.s32 s26, s2;
	s18 =	sadd.s32 s3, s19;
	[dreg:$0x7] =	wrdreg s24  }
0x11: {  	s4 =	sshrl.u32 s4, $0x3;
	[dreg:$0x8] =	wrdreg s13;
	s13 =	sadd.s32 $0xC000, s20  }
0x12: {  	s10 =	sadd.s32 s3, s26;
	s21 =	sshrl.u32 s18, $0x3;
	s18 =	simm.s32 $0x780  }
0x13: {  	s0 =	sadd.s32 s4, s0;
	s4 =	ssub.s32 s9, s11;
	s9 =	sor.u32 s16, s23  }
0x14: {  	s14 =	sadd.s32 s13, s2;
	s13 =	sadd.s32 s3, s13;
	s22 =	sadd.s32 s5, s21  }
0x15: {  	s23 =	sshrl.u32 s10, $0x3;
	s16 =	simm.s32 $0x3;
	s21 =	simm.s32 $0x6  }
0x16: {  	s10 =	simm.s32 $0x0;
	s9 =	smul.u32 $0x2800, s9;
	[dreg:$0x9] =	wrdreg s14  }
0x17: {  	s14 =	sadd.s32 $0x10000, s20;
	s20 =	sadd.s32 s20, s3;
	[dreg:$0xf] =	wrdreg s22  }
0x18: {  	s24 =	sshrl.u32 s13, $0x3;
	s0 =	sadd.s32 $0x34A00, s0;
	s26 =	smax.u32 s4, $0x1  }
0x19: {  	s13 =	simm.s32 $0x800;
	s4 =	simm.s32 $0x700;
	s11 =	sadd.s32 s14, s2  }
0x1a: {  	s3 =	sadd.s32 s3, s14;
	s20 =	sshrl.u32 s20, $0x3;
	[dreg:$0x13] =	wrdreg s0  }
0x1b: {  	[dreg:$0x14] =	wrdreg s26;
	s26 =	simm.s32 $0x1000;
	s0 =	simm.s32 $0x400  }
0x1c: {  	s14 =	simm.s32 $0xE80;
	s17 =	sshrl.u32 s9, $0x3;
	s3 =	sshrl.u32 s3, $0x3  }
0x1d: {  	s22 =	sor.u32 $0x400, s9;
	[dreg:$0xa] =	wrdreg s11;
	s19 =	sadd.s32 s1, s17  }
0x1e: {  	s8 =	sadd.s32 s7, s17;
	s3 =	sadd.s32 s5, s3;
	[dreg:$0xc] =	wrdreg s19  }
0x1f: {  	s17 =	simm.s32 $0x4;
	[dreg:$0xd] =	wrdreg s8;
	s8 =	sadd.s32 s5, s20  }
0x20: {  	[dreg:$0x12] =	wrdreg s3;
	s3 =	simm.s32 $0x80;
	s19 =	simm.s32 $0x5  }
0x21: {  	v0 =	vlaneseq.u32;
	s20 =	simm.s32 $0x2;
	[dreg:$0xe] =	wrdreg s8;
	s8 =	sadd.s32 s5, s23  }
0x22: {  	v5 =	vimm.f32 $1.000000000e+00;
	v1 =	vor.u32 $0x10, v0;
	s23 =	sadd.s32 $0x800, s9;
	[dreg:$0x10] =	wrdreg s8;
	s8 =	sadd.s32 s5, s24  }
0x23: {  	v2 =	vor.u32 $0x20, v0;
	v3 =	vor.u32 $0x30, v0;
	v4 =	vor.u32 $0x40, v0;
	s5 =	simm.s32 $0xC00;
	s24 =	simm.s32 $0xF00;
	[dreg:$0x11] =	wrdreg s8  }
.LBB2_1:
0x24: {  	[dreg:$0x15] =	wrdreg s10  }
0x25: {  	s8 =	rddreg [dreg:$0x5]  }
0x26: {  	[tilespmem:s26], [sflag:$0x7] =	stream.linear.gather [hbm4b:s8+s25], $0x4000, $0x38;
	[tilespmem:$0x1FB00] =	vst v63  }
0x27: {  	_ =	swait.ge [sflag:s28], $0x4000  }
0x28: {  	[sflag:s28] =	ssyncset.done $0x0  }
0x29: {  	s9 =	rddreg [dreg:$0x6];
	[sflag:s28] =	ssyncadd.s32 $0xFFFFC000  }
0x2a: {  	[spmem:s9] =	stream.linear.scatter [tilespmem:s26], [sflag:$0x7], $0x4000, $0x38;
	[tilespmem:$0x1FB00] =	vst v63  }
0x2b: {  	_ =	swait.ge [sflag:s28], $0x4000  }
0x2c: {  	[sflag:s28] =	ssyncset.done $0x0  }
0x2d: {  	s10 =	rddreg [dreg:$0x7];
	[sflag:s28] =	ssyncadd.s32 $0xFFFFC000  }
0x2e: {  	[spmem:s10] =	stream.linear.scatter [tilespmem:s26], [sflag:$0x7], $0x4000, $0x38;
	[tilespmem:$0x1FB00] =	vst v63  }
0x2f: {  	_ =	swait.ge [sflag:s28], $0x4000  }
0x30: {  	[sflag:s28] =	ssyncset.done $0x0  }
0x31: {  	s10 =	rddreg [dreg:$0x8];
	[sflag:s28] =	ssyncadd.s32 $0xFFFFC000  }
0x32: {  	[spmem:s10] =	stream.linear.scatter [tilespmem:s26], [sflag:$0x7], $0x4000, $0x38;
	[tilespmem:$0x1FB00] =	vst v63  }
0x33: {  	_ =	swait.ge [sflag:s28], $0x4000  }
0x34: {  	[sflag:s28] =	ssyncset.done $0x0  }
0x35: {  	s10 =	rddreg [dreg:$0x9];
	[sflag:s28] =	ssyncadd.s32 $0xFFFFC000  }
0x36: {  	[spmem:s10] =	stream.linear.scatter [tilespmem:s26], [sflag:$0x7], $0x4000, $0x38;
	[tilespmem:$0x1FB00] =	vst v63  }
0x37: {  	_ =	swait.ge [sflag:s28], $0x4000  }
0x38: {  	[sflag:s28] =	ssyncset.done $0x0  }
0x39: {  	[sflag:s28] =	ssyncadd.s32 $0xFFFFC000  }
0x3a: {  	[spmem:s11] =	stream.linear.scatter [tilespmem:s26], [sflag:$0x7], $0x4000, $0x38;
	[tilespmem:$0x1FB00] =	vst v63  }
0x3b: {  	_ =	swait.ge [sflag:s28], $0x4000  }
0x3c: {  	[sflag:s28] =	ssyncset.done $0x0  }
0x3d: {  	[sflag:s28] =	ssyncadd.s32 $0xFFFFC000  }
0x3e: {  	[tilespmem:s29], [sflag:$0x7] =	stream.linear.gather [hbm4b:s8+s25], $0x2800, $0x38;
	[tilespmem:$0x1FB00] =	vst v63  }
0x3f: {  	_ =	swait.ge [sflag:s28], $0x2800  }
0x40: {  	[sflag:s28] =	ssyncset.done $0x0  }
0x41: {  	s8 =	simm.s32 @!p0 $0x1000;
	[sflag:s28] =	ssyncadd.s32 $0xFFFFD800  }
0x42: {  	[spmem:s12] =	stream.linear.scatter @!p0 [tilespmem:s8], [sflag:$0x7], $0x800, $0x38;
	[tilespmem:$0x1FB00] =	vst v63  }
0x43: {  	s8 =	simm.s32 @!p0 $0x7  }
0x44: {  	_ =	swait.ge @!p0 [sflag:s8], $0x800  }
0x45: {  	[sflag:s8] =	ssyncset.done @!p0 $0x0  }
0x46: {  	[sflag:s8] =	ssyncadd.s32 @!p0 $0xFFFFF800  }
0x47: {  	[tilespmem:$0xB800] =	vst v0  }
0x48: {  	[tilespmem:$0xB810] =	vst v1  }
0x49: {  	[tilespmem:$0xB820] =	vst v2  }
0x4a: {  	[tilespmem:$0xB830] =	vst v3  }
0x4b: {  	[tilespmem:$0xB840] =	vst v4  }
0x4c: {  	[bflag:$0x0] =	sbarrier.arrive $0xFFFF  }
0x4d: {  	s11 =	rddreg [dreg:$0xc]  }
0x4e: {  	[tilespmem:s25], [sflag:$0x1] =	stream.linear.gather [hbm4b:s11+s25], $0x400, $0x38;
	[tilespmem:$0x1FB00] =	vst v63  }
0x4f: {  	s12 =	rddreg [dreg:$0xd]  }
0x50: {  	[tilespmem:s13], [sflag:$0x1] =	stream.linear.gather [hbm4b:s12+s25], $0x400, $0x38;
	[tilespmem:$0x1FB00] =	vst v63  }
0x51: {  	s25 =	simm.s32 $0x0  }
.LBB2_2:
0x52: {  	_ =	swait.ge [sflag:s31], $0x400  }
0x53: {  	[sflag:s31] =	ssyncset.done $0x0  }
0x54: {  	s8 =	sshll.u32 s25, $0xB;
	[sflag:s31] =	ssyncadd.s32 $0xFFFFFC00  }
0x55: {  	s9 =	sadd.s32 s8, s22;
	_ =	swait.ge [sflag:s31], $0x400  }
0x56: {  	s9 =	sshrl.u32 s9, $0x3;
	[sflag:s31] =	ssyncset.done $0x0  }
0x57: {  	s11 =	simm.s32 $0x0;
	s10 =	sadd.s32 s1, s9;
	[sflag:s31] =	ssyncadd.s32 $0xFFFFFC00  }
0x58: {  	[tilespmem:s0], [sflag:$0x2] =	stream.linear.gather [hbm4b:s10+s11], $0x400, $0x38;
	[tilespmem:$0x1FB00] =	vst v63  }
0x59: {  	s9 =	sadd.s32 s7, s9  }
0x5a: {  	[tilespmem:s5], [sflag:$0x2] =	stream.linear.gather [hbm4b:s9+s11], $0x400, $0x38;
	[tilespmem:$0x1FB00] =	vst v63  }
0x5b: {  	s10 =	sand.u32 $0xE00, s11  }
0x5c: {  	[tilespmem:s26], [sflag:$0x3] =	stream.indirect.gather [hbm4b:s6+s3], $0x80, s11, s3, $0xb8;
	[tilespmem:$0x1FB00] =	vst v63  }
0x5d: {  	s9 =	sshrl.u32 s10, $0x2;
	s11 =	sand.u32 $0x70, s11  }
0x5e: {  	s9 =	sor.u32 s11, s9  }
0x5f: {  	[tilespmem:s15], [sflag:$0x4] =	stream.indirect.gather [hbm4b:s6+s3], $0x80, s3, s3, $0xb8;
	[tilespmem:$0x1FB00] =	vst v63  }
0x60: {  	v6 =	vld [tilespmem:s9+$0x800];
	_ =	sdelay $0x4  }
0x61: {  	s12 =	simm.s32 $0x40  }
0x62: {  	s10 =	simm.s32 $0x80;
	s11 =	sand.u32 $0xE00, s12;
	s9 =	simm.s32 $0x10  }
.LBB2_3:
0x63: {  	p1 =	sne.s32 s10, $0xFC0;
	s12 =	sand.u32 $0x70, s9;
	s11 =	sshrl.u32 s11, $0x2  }
0x64: {  	s11 =	sor.u32 s12, s11;
	[tilespmem:v6+s29+$0x0] =	vst.idx.add.f32.msk $0xffff, v5  }
0x65: {  	v6 =	vld [tilespmem:s11+$0x800];
	_ =	sdelay $0x1  }
.Ltmp0:
0x66: {  	(pc) =	sbr.rel @p1 .LBB2_3-.Ltmp0, $2  }
0x67: {  	_ =	sdelay $0x2  }
0x68: {  	s9 =	sadd.s32 $0x10, s9;
	s11 =	sand.u32 $0xE00, s10;
	s10 =	sadd.s32 $0x40, s10  }
0x69: {  	_ =	sdelay $0x2  }
0x6a: {  	s9 =	sand.u32 $0x70, s9;
	s10 =	sshrl.u32 s11, $0x2  }
0x6b: {  	[tilespmem:v6+s29+$0x0] =	vst.idx.add.f32.msk $0xffff, v5;
	s9 =	sor.u32 s9, s10  }
0x6c: {  	v6 =	vld [tilespmem:s9+$0x800];
	_ =	sdelay $0x7  }
0x6d: {  	[tilespmem:v6+s29+$0x0] =	vst.idx.add.f32.msk $0xffff, v5  }
0x6e: {  	_ =	swait.ge [sflag:s16], $0x4000  }
0x6f: {  	[sflag:s16] =	ssyncset.done $0x0  }
0x70: {  	[sflag:s16] =	ssyncadd.s32 $0xFFFFC000  }
0x71: {  	[spmem:s2] =	stream.indirect.scatter.add.f32 [tilespmem:s26], [sflag:$0x5], $0x80, s13, s3, $0xb8;
	[tilespmem:$0x1FB00] =	vst v63  }
0x72: {  	_ =	swait.ge [sflag:s17], $0x4000  }
0x73: {  	[sflag:s17] =	ssyncset.done $0x0  }
0x74: {  	s12 =	simm.s32 $0x880;
	[sflag:s17] =	ssyncadd.s32 $0xFFFFC000  }
0x75: {  	[spmem:s2] =	stream.indirect.scatter.add.f32 [tilespmem:s15], [sflag:$0x6], $0x80, s12, s3, $0xb8;
	[tilespmem:$0x1FB00] =	vst v63  }
0x76: {  	_ =	swait.ge [sflag:s19], $0x4000  }
0x77: {  	[sflag:s19] =	ssyncset.done $0x0  }
0x78: {  	s10 =	simm.s32 $0x100;
	[sflag:s19] =	ssyncadd.s32 $0xFFFFC000  }
0x79: {  	[tilespmem:s26], [sflag:$0x3] =	stream.indirect.gather [hbm4b:s6+s3], $0x80, s10, s3, $0xb8;
	[tilespmem:$0x1FB00] =	vst v63  }
0x7a: {  	_ =	swait.ge [sflag:s21], $0x4000  }
0x7b: {  	[sflag:s21] =	ssyncset.done $0x0  }
0x7c: {  	s11 =	simm.s32 $0x180;
	[sflag:s21] =	ssyncadd.s32 $0xFFFFC000  }
0x7d: {  	[tilespmem:s15], [sflag:$0x4] =	stream.indirect.gather [hbm4b:s6+s3], $0x80, s11, s3, $0xb8;
	[tilespmem:$0x1FB00] =	vst v63  }
0x7e: {  	_ =	swait.ge [sflag:s16], $0x4000  }
0x7f: {  	[sflag:s16] =	ssyncset.done $0x0  }
0x80: {  	s12 =	simm.s32 $0x900;
	[sflag:s16] =	ssyncadd.s32 $0xFFFFC000  }
0x81: {  	[spmem:s2] =	stream.indirect.scatter.add.f32 [tilespmem:s26], [sflag:$0x5], $0x80, s12, s3, $0xb8;
	[tilespmem:$0x1FB00] =	vst v63  }
0x82: {  	_ =	swait.ge [sflag:s17], $0x4000  }
0x83: {  	[sflag:s17] =	ssyncset.done $0x0  }
0x84: {  	s10 =	simm.s32 $0x980;
	[sflag:s17] =	ssyncadd.s32 $0xFFFFC000  }
0x85: {  	[spmem:s2] =	stream.indirect.scatter.add.f32 [tilespmem:s15], [sflag:$0x6], $0x80, s10, s3, $0xb8;
	[tilespmem:$0x1FB00] =	vst v63  }
0x86: {  	_ =	swait.ge [sflag:s19], $0x4000  }
0x87: {  	[sflag:s19] =	ssyncset.done $0x0  }
0x88: {  	s11 =	simm.s32 $0x200;
	[sflag:s19] =	ssyncadd.s32 $0xFFFFC000  }
0x89: {  	[tilespmem:s26], [sflag:$0x3] =	stream.indirect.gather [hbm4b:s6+s3], $0x80, s11, s3, $0xb8;
	[tilespmem:$0x1FB00] =	vst v63  }
0x8a: {  	_ =	swait.ge [sflag:s21], $0x4000  }
0x8b: {  	[sflag:s21] =	ssyncset.done $0x0  }
0x8c: {  	s12 =	simm.s32 $0x280;
	[sflag:s21] =	ssyncadd.s32 $0xFFFFC000  }
0x8d: {  	[tilespmem:s15], [sflag:$0x4] =	stream.indirect.gather [hbm4b:s6+s3], $0x80, s12, s3, $0xb8;
	[tilespmem:$0x1FB00] =	vst v63  }
0x8e: {  	_ =	swait.ge [sflag:s16], $0x4000  }
0x8f: {  	[sflag:s16] =	ssyncset.done $0x0  }
0x90: {  	s10 =	simm.s32 $0xA00;
	[sflag:s16] =	ssyncadd.s32 $0xFFFFC000  }
0x91: {  	[spmem:s2] =	stream.indirect.scatter.add.f32 [tilespmem:s26], [sflag:$0x5], $0x80, s10, s3, $0xb8;
	[tilespmem:$0x1FB00] =	vst v63  }
0x92: {  	_ =	swait.ge [sflag:s17], $0x4000  }
0x93: {  	[sflag:s17] =	ssyncset.done $0x0  }
0x94: {  	s11 =	simm.s32 $0xA80;
	[sflag:s17] =	ssyncadd.s32 $0xFFFFC000  }
0x95: {  	[spmem:s2] =	stream.indirect.scatter.add.f32 [tilespmem:s15], [sflag:$0x6], $0x80, s11, s3, $0xb8;
	[tilespmem:$0x1FB00] =	vst v63  }
0x96: {  	_ =	swait.ge [sflag:s19], $0x4000  }
0x97: {  	[sflag:s19] =	ssyncset.done $0x0  }
0x98: {  	s12 =	simm.s32 $0x300;
	[sflag:s19] =	ssyncadd.s32 $0xFFFFC000  }
0x99: {  	[tilespmem:s26], [sflag:$0x3] =	stream.indirect.gather [hbm4b:s6+s3], $0x80, s12, s3, $0xb8;
	[tilespmem:$0x1FB00] =	vst v63  }
0x9a: {  	_ =	swait.ge [sflag:s21], $0x4000  }
0x9b: {  	[sflag:s21] =	ssyncset.done $0x0  }
0x9c: {  	s10 =	simm.s32 $0x380;
	[sflag:s21] =	ssyncadd.s32 $0xFFFFC000  }
0x9d: {  	[tilespmem:s15], [sflag:$0x4] =	stream.indirect.gather [hbm4b:s6+s3], $0x80, s10, s3, $0xb8;
	[tilespmem:$0x1FB00] =	vst v63  }
0x9e: {  	_ =	swait.ge [sflag:s16], $0x4000  }
0x9f: {  	[sflag:s16] =	ssyncset.done $0x0  }
0xa0: {  	s11 =	simm.s32 $0xB00;
	[sflag:s16] =	ssyncadd.s32 $0xFFFFC000  }
0xa1: {  	[spmem:s2] =	stream.indirect.scatter.add.f32 [tilespmem:s26], [sflag:$0x5], $0x80, s11, s3, $0xb8;
	[tilespmem:$0x1FB00] =	vst v63  }
0xa2: {  	_ =	swait.ge [sflag:s17], $0x4000  }
0xa3: {  	[sflag:s17] =	ssyncset.done $0x0  }
0xa4: {  	s12 =	simm.s32 $0xB80;
	[sflag:s17] =	ssyncadd.s32 $0xFFFFC000  }
0xa5: {  	[spmem:s2] =	stream.indirect.scatter.add.f32 [tilespmem:s15], [sflag:$0x6], $0x80, s12, s3, $0xb8;
	[tilespmem:$0x1FB00] =	vst v63  }
0xa6: {  	_ =	swait.ge [sflag:s19], $0x4000  }
0xa7: {  	[sflag:s19] =	ssyncset.done $0x0  }
0xa8: {  	[sflag:s19] =	ssyncadd.s32 $0xFFFFC000  }
0xa9: {  	_ =	swait.ge [sflag:s21], $0x4000  }
0xaa: {  	[sflag:s21] =	ssyncset.done $0x0  }
0xab: {  	[sflag:s21] =	ssyncadd.s32 $0xFFFFC000  }
0xac: {  	_ =	swait.ge [sflag:s20], $0x400  }
0xad: {  	[sflag:s20] =	ssyncset.done $0x0  }
0xae: {  	p1 =	seq.s32 s25, $0x4;
	[sflag:s20] =	ssyncadd.s32 $0xFFFFFC00  }
0xaf: {  	s8 =	sadd.s32 @!p1 s8, s23;
	_ =	swait.ge [sflag:s20], $0x400  }
0xb0: {  	s8 =	sshrl.u32 @!p1 s8, $0x3;
	[sflag:s20] =	ssyncset.done $0x0  }
0xb1: {  	s9 =	sadd.s32 @!p1 s1, s8;
	s10 =	simm.s32 @!p1 $0x0;
	[sflag:s20] =	ssyncadd.s32 $0xFFFFFC00  }
0xb2: {  	[tilespmem:s10], [sflag:$0x1] =	stream.linear.gather @!p1 [hbm4b:s9+s10], $0x400, $0x38;
	[tilespmem:$0x1FB00] =	vst v63  }
0xb3: {  	s8 =	sadd.s32 @!p1 s7, s8;
	s9 =	simm.s32 @!p1 $0x800  }
0xb4: {  	[tilespmem:s9], [sflag:$0x1] =	stream.linear.gather @!p1 [hbm4b:s8+s10], $0x400, $0x38;
	[tilespmem:$0x1FB00] =	vst v63  }
0xb5: {  	s10 =	simm.s32 $0x0  }
0xb6: {  	[tilespmem:s26], [sflag:$0x3] =	stream.indirect.gather [hbm4b:s6+s3], $0x80, s0, s3, $0xb8;
	[tilespmem:$0x1FB00] =	vst v63  }
0xb7: {  	s9 =	simm.s32 $0x480;
	s11 =	sand.u32 $0xE00, s10  }
0xb8: {  	[tilespmem:s15], [sflag:$0x4] =	stream.indirect.gather [hbm4b:s6+s3], $0x80, s9, s3, $0xb8;
	[tilespmem:$0x1FB00] =	vst v63  }
0xb9: {  	s8 =	sand.u32 $0x70, s10;
	s9 =	sshrl.u32 s11, $0x2  }
0xba: {  	s8 =	sor.u32 s8, s9  }
0xbb: {  	v6 =	vld [tilespmem:s8+$0xC00];
	_ =	sdelay $0x4  }
0xbc: {  	s12 =	simm.s32 $0x40  }
0xbd: {  	s10 =	sand.u32 $0xE00, s12;
	s9 =	simm.s32 $0x80;
	s8 =	simm.s32 $0x10  }
.LBB2_5:
0xbe: {  	p1 =	sne.s32 s9, $0xFC0;
	s11 =	sand.u32 $0x70, s8;
	s10 =	sshrl.u32 s10, $0x2  }
0xbf: {  	s10 =	sor.u32 s11, s10;
	[tilespmem:v6+s29+$0x0] =	vst.idx.add.f32.msk $0xffff, v5  }
0xc0: {  	v6 =	vld [tilespmem:s10+$0xC00];
	_ =	sdelay $0x1  }
.Ltmp1:
0xc1: {  	(pc) =	sbr.rel @p1 .LBB2_5-.Ltmp1, $2  }
0xc2: {  	_ =	sdelay $0x2  }
0xc3: {  	s8 =	sadd.s32 $0x10, s8;
	s10 =	sand.u32 $0xE00, s9;
	s9 =	sadd.s32 $0x40, s9  }
0xc4: {  	_ =	sdelay $0x2  }
0xc5: {  	s8 =	sand.u32 $0x70, s8;
	s9 =	sshrl.u32 s10, $0x2  }
0xc6: {  	[tilespmem:v6+s29+$0x0] =	vst.idx.add.f32.msk $0xffff, v5;
	s8 =	sor.u32 s8, s9  }
0xc7: {  	v6 =	vld [tilespmem:s8+$0xC00];
	_ =	sdelay $0x7  }
0xc8: {  	[tilespmem:v6+s29+$0x0] =	vst.idx.add.f32.msk $0xffff, v5  }
0xc9: {  	_ =	swait.ge [sflag:s16], $0x4000  }
0xca: {  	[sflag:s16] =	ssyncset.done $0x0  }
0xcb: {  	[sflag:s16] =	ssyncadd.s32 $0xFFFFC000  }
0xcc: {  	[spmem:s2] =	stream.indirect.scatter.add.f32 [tilespmem:s26], [sflag:$0x5], $0x80, s5, s3, $0xb8;
	[tilespmem:$0x1FB00] =	vst v63  }
0xcd: {  	_ =	swait.ge [sflag:s17], $0x4000  }
0xce: {  	[sflag:s17] =	ssyncset.done $0x0  }
0xcf: {  	s9 =	simm.s32 $0xC80;
	[sflag:s17] =	ssyncadd.s32 $0xFFFFC000  }
0xd0: {  	[spmem:s2] =	stream.indirect.scatter.add.f32 [tilespmem:s15], [sflag:$0x6], $0x80, s9, s3, $0xb8;
	[tilespmem:$0x1FB00] =	vst v63  }
0xd1: {  	_ =	swait.ge [sflag:s19], $0x4000  }
0xd2: {  	[sflag:s19] =	ssyncset.done $0x0  }
0xd3: {  	s10 =	simm.s32 $0x500;
	[sflag:s19] =	ssyncadd.s32 $0xFFFFC000  }
0xd4: {  	[tilespmem:s26], [sflag:$0x3] =	stream.indirect.gather [hbm4b:s6+s3], $0x80, s10, s3, $0xb8;
	[tilespmem:$0x1FB00] =	vst v63  }
0xd5: {  	_ =	swait.ge [sflag:s21], $0x4000  }
0xd6: {  	[sflag:s21] =	ssyncset.done $0x0  }
0xd7: {  	s11 =	simm.s32 $0x580;
	[sflag:s21] =	ssyncadd.s32 $0xFFFFC000  }
0xd8: {  	[tilespmem:s15], [sflag:$0x4] =	stream.indirect.gather [hbm4b:s6+s3], $0x80, s11, s3, $0xb8;
	[tilespmem:$0x1FB00] =	vst v63  }
0xd9: {  	_ =	swait.ge [sflag:s16], $0x4000  }
0xda: {  	[sflag:s16] =	ssyncset.done $0x0  }
0xdb: {  	s12 =	simm.s32 $0xD00;
	[sflag:s16] =	ssyncadd.s32 $0xFFFFC000  }
0xdc: {  	[spmem:s2] =	stream.indirect.scatter.add.f32 [tilespmem:s26], [sflag:$0x5], $0x80, s12, s3, $0xb8;
	[tilespmem:$0x1FB00] =	vst v63  }
0xdd: {  	_ =	swait.ge [sflag:s17], $0x4000  }
0xde: {  	[sflag:s17] =	ssyncset.done $0x0  }
0xdf: {  	s9 =	simm.s32 $0xD80;
	[sflag:s17] =	ssyncadd.s32 $0xFFFFC000  }
0xe0: {  	[spmem:s2] =	stream.indirect.scatter.add.f32 [tilespmem:s15], [sflag:$0x6], $0x80, s9, s3, $0xb8;
	[tilespmem:$0x1FB00] =	vst v63  }
0xe1: {  	_ =	swait.ge [sflag:s19], $0x4000  }
0xe2: {  	[sflag:s19] =	ssyncset.done $0x0  }
0xe3: {  	s10 =	simm.s32 $0x600;
	[sflag:s19] =	ssyncadd.s32 $0xFFFFC000  }
0xe4: {  	[tilespmem:s26], [sflag:$0x3] =	stream.indirect.gather [hbm4b:s6+s3], $0x80, s10, s3, $0xb8;
	[tilespmem:$0x1FB00] =	vst v63  }
0xe5: {  	_ =	swait.ge [sflag:s21], $0x4000  }
0xe6: {  	[sflag:s21] =	ssyncset.done $0x0  }
0xe7: {  	s11 =	simm.s32 $0x680;
	[sflag:s21] =	ssyncadd.s32 $0xFFFFC000  }
0xe8: {  	[tilespmem:s15], [sflag:$0x4] =	stream.indirect.gather [hbm4b:s6+s3], $0x80, s11, s3, $0xb8;
	[tilespmem:$0x1FB00] =	vst v63  }
0xe9: {  	_ =	swait.ge [sflag:s16], $0x4000  }
0xea: {  	[sflag:s16] =	ssyncset.done $0x0  }
0xeb: {  	s12 =	simm.s32 $0xE00;
	[sflag:s16] =	ssyncadd.s32 $0xFFFFC000  }
0xec: {  	[spmem:s2] =	stream.indirect.scatter.add.f32 [tilespmem:s26], [sflag:$0x5], $0x80, s12, s3, $0xb8;
	[tilespmem:$0x1FB00] =	vst v63  }
0xed: {  	_ =	swait.ge [sflag:s17], $0x4000  }
0xee: {  	[sflag:s17] =	ssyncset.done $0x0  }
0xef: {  	[sflag:s17] =	ssyncadd.s32 $0xFFFFC000  }
0xf0: {  	[spmem:s2] =	stream.indirect.scatter.add.f32 [tilespmem:s15], [sflag:$0x6], $0x80, s14, s3, $0xb8;
	[tilespmem:$0x1FB00] =	vst v63  }
0xf1: {  	_ =	swait.ge [sflag:s19], $0x4000  }
0xf2: {  	[sflag:s19] =	ssyncset.done $0x0  }
0xf3: {  	[sflag:s19] =	ssyncadd.s32 $0xFFFFC000  }
0xf4: {  	[tilespmem:s26], [sflag:$0x3] =	stream.indirect.gather [hbm4b:s6+s3], $0x80, s4, s3, $0xb8;
	[tilespmem:$0x1FB00] =	vst v63  }
0xf5: {  	_ =	swait.ge [sflag:s21], $0x4000  }
0xf6: {  	[sflag:s21] =	ssyncset.done $0x0  }
0xf7: {  	[sflag:s21] =	ssyncadd.s32 $0xFFFFC000  }
0xf8: {  	[tilespmem:s15], [sflag:$0x4] =	stream.indirect.gather [hbm4b:s6+s3], $0x80, s18, s3, $0xb8;
	[tilespmem:$0x1FB00] =	vst v63  }
0xf9: {  	_ =	swait.ge [sflag:s16], $0x4000  }
0xfa: {  	[sflag:s16] =	ssyncset.done $0x0  }
0xfb: {  	[sflag:s16] =	ssyncadd.s32 $0xFFFFC000  }
0xfc: {  	[spmem:s2] =	stream.indirect.scatter.add.f32 [tilespmem:s26], [sflag:$0x5], $0x80, s24, s3, $0xb8;
	[tilespmem:$0x1FB00] =	vst v63  }
0xfd: {  	_ =	swait.ge [sflag:s17], $0x4000  }
0xfe: {  	[sflag:s17] =	ssyncset.done $0x0  }
0xff: {  	s25 =	sadd.s32 $0x1, s25;
	[sflag:s17] =	ssyncadd.s32 $0xFFFFC000  }
0x100: {  	[spmem:s2] =	stream.indirect.scatter.add.f32 [tilespmem:s15], [sflag:$0x6], $0x80, s30, s3, $0xb8;
	[tilespmem:$0x1FB00] =	vst v63  }
0x101: {  	p1 =	sne.s32 s25, $0x5;
	_ =	swait.ge [sflag:s19], $0x4000  }
.Ltmp2:
0x102: {  	[sflag:s19] =	ssyncset.done $0x0;
	(pc) =	sbr.rel @p1 .LBB2_2-.Ltmp2, $4  }
0x103: {  	[sflag:s19] =	ssyncadd.s32 $0xFFFFC000  }
0x104: {  	_ =	swait.ge [sflag:s21], $0x4000  }
0x105: {  	[sflag:s21] =	ssyncset.done $0x0  }
0x106: {  	[sflag:s21] =	ssyncadd.s32 $0xFFFFC000  }
0x107: {  	s8 =	rddreg [dreg:$0x3];
	s9 =	simm.s32 $0x50;
	s10 =	simm.s32 $0xB800  }
0x108: {  	[spmem:s8] =	stream.indirect.scatter.add.f32 [tilespmem:s29], [sflag:$0x7], $0x80, s10, s9, $0xb8;
	[tilespmem:$0x1FB00] =	vst v63  }
0x109: {  	_ =	swait.ge [sflag:s28], $0x2800  }
0x10a: {  	[sflag:s28] =	ssyncset.done $0x0  }
0x10b: {  	[sflag:s28] =	ssyncadd.s32 $0xFFFFD800  }
0x10c: {  	[bflag:$0x0] =	sbarrier.arrive $0xFFFF  }
0x10d: {  	s10 =	rddreg [dreg:$0x6]  }
0x10e: {  	[tilespmem:s26], [sflag:$0x7] =	stream.linear.gather [spmem:s10], $0x4000, $0x38;
	[tilespmem:$0x1FB00] =	vst v63  }
0x10f: {  	_ =	swait.ge [sflag:s28], $0x4000  }
0x110: {  	[sflag:s28] =	ssyncset.done $0x0  }
0x111: {  	s25 =	simm.s32 $0x0;
	s11 =	rddreg [dreg:$0xe];
	[sflag:s28] =	ssyncadd.s32 $0xFFFFC000  }
0x112: {  	[hbm4b:s11+s25] =	stream.linear.scatter [tilespmem:s26], [sflag:$0x7], $0x4000, $0x38;
	[tilespmem:$0x1FB00] =	vst v63  }
0x113: {  	_ =	swait.ge [sflag:s28], $0x4000  }
0x114: {  	[sflag:s28] =	ssyncset.done $0x0  }
0x115: {  	s12 =	rddreg [dreg:$0x7];
	[sflag:s28] =	ssyncadd.s32 $0xFFFFC000  }
0x116: {  	[tilespmem:s15], [sflag:$0x7] =	stream.linear.gather [spmem:s12], $0x4000, $0x38;
	[tilespmem:$0x1FB00] =	vst v63  }
0x117: {  	_ =	swait.ge [sflag:s28], $0x4000  }
0x118: {  	[sflag:s28] =	ssyncset.done $0x0  }
0x119: {  	s13 =	rddreg [dreg:$0xf];
	[sflag:s28] =	ssyncadd.s32 $0xFFFFC000  }
0x11a: {  	[hbm4b:s13+s25] =	stream.linear.scatter [tilespmem:s15], [sflag:$0x7], $0x4000, $0x38;
	[tilespmem:$0x1FB00] =	vst v63  }
0x11b: {  	_ =	swait.ge [sflag:s28], $0x4000  }
0x11c: {  	[sflag:s28] =	ssyncset.done $0x0  }
0x11d: {  	s9 =	rddreg [dreg:$0x8];
	[sflag:s28] =	ssyncadd.s32 $0xFFFFC000  }
0x11e: {  	[tilespmem:s26], [sflag:$0x7] =	stream.linear.gather [spmem:s9], $0x4000, $0x38;
	[tilespmem:$0x1FB00] =	vst v63  }
0x11f: {  	_ =	swait.ge [sflag:s28], $0x4000  }
0x120: {  	[sflag:s28] =	ssyncset.done $0x0  }
0x121: {  	s10 =	rddreg [dreg:$0x10];
	[sflag:s28] =	ssyncadd.s32 $0xFFFFC000  }
0x122: {  	[hbm4b:s10+s25] =	stream.linear.scatter [tilespmem:s26], [sflag:$0x7], $0x4000, $0x38;
	[tilespmem:$0x1FB00] =	vst v63  }
0x123: {  	_ =	swait.ge [sflag:s28], $0x4000  }
0x124: {  	[sflag:s28] =	ssyncset.done $0x0  }
0x125: {  	s11 =	rddreg [dreg:$0x9];
	[sflag:s28] =	ssyncadd.s32 $0xFFFFC000  }
0x126: {  	[tilespmem:s15], [sflag:$0x7] =	stream.linear.gather [spmem:s11], $0x4000, $0x38;
	[tilespmem:$0x1FB00] =	vst v63  }
0x127: {  	_ =	swait.ge [sflag:s28], $0x4000  }
0x128: {  	[sflag:s28] =	ssyncset.done $0x0  }
0x129: {  	s12 =	rddreg [dreg:$0x11];
	[sflag:s28] =	ssyncadd.s32 $0xFFFFC000  }
0x12a: {  	[hbm4b:s12+s25] =	stream.linear.scatter [tilespmem:s15], [sflag:$0x7], $0x4000, $0x38;
	[tilespmem:$0x1FB00] =	vst v63  }
0x12b: {  	_ =	swait.ge [sflag:s28], $0x4000  }
0x12c: {  	[sflag:s28] =	ssyncset.done $0x0  }
0x12d: {  	s11 =	rddreg [dreg:$0xa];
	[sflag:s28] =	ssyncadd.s32 $0xFFFFC000  }
0x12e: {  	[tilespmem:s26], [sflag:$0x7] =	stream.linear.gather [spmem:s11], $0x4000, $0x38;
	[tilespmem:$0x1FB00] =	vst v63  }
0x12f: {  	_ =	swait.ge [sflag:s28], $0x4000  }
0x130: {  	[sflag:s28] =	ssyncset.done $0x0  }
0x131: {  	s13 =	rddreg [dreg:$0x12];
	[sflag:s28] =	ssyncadd.s32 $0xFFFFC000  }
0x132: {  	[hbm4b:s13+s25] =	stream.linear.scatter [tilespmem:s26], [sflag:$0x7], $0x4000, $0x38;
	[tilespmem:$0x1FB00] =	vst v63  }
0x133: {  	_ =	swait.ge [sflag:s28], $0x4000  }
0x134: {  	s8 =	simm.s32 @!p0 $0x1000;
	[sflag:s28] =	ssyncset.done $0x0  }
0x135: {  	s9 =	simm.s32 @!p0 $0x7;
	s12 =	rddreg [dreg:$0xb];
	[sflag:s28] =	ssyncadd.s32 $0xFFFFC000  }
0x136: {  	[tilespmem:s8], [sflag:$0x7] =	stream.linear.gather @!p0 [spmem:s12], $0x800, $0x38;
	[tilespmem:$0x1FB00] =	vst v63  }
0x137: {  	_ =	swait.ge @!p0 [sflag:s9], $0x800  }
0x138: {  	[sflag:s9] =	ssyncset.done @!p0 $0x0  }
0x139: {  	s10 =	simm.s32 @!p0 $0x0;
	s13 =	rddreg [dreg:$0x13];
	[sflag:s9] =	ssyncadd.s32 @!p0 $0xFFFFF800  }
0x13a: {  	[hbm4b:s13+s10] =	stream.linear.scatter @!p0 [tilespmem:s8], [sflag:$0x7], $0x800, $0x38;
	[tilespmem:$0x1FB00] =	vst v63  }
0x13b: {  	_ =	swait.ge @!p0 [sflag:s9], $0x800  }
0x13c: {  	s8 =	rddreg [dreg:$0x15]  }
0x13d: {  	s10 =	sadd.s32 $0x1, s8;
	s8 =	rddreg [dreg:$0x14]  }
0x13e: {  	p1 =	sne.s32 s10, s8  }
.Ltmp3:
0x13f: {  	_ = 	snop;
	(pc) =	sbr.rel @p1 .LBB2_1-.Ltmp3, $3  }
0x140: {  	_ =	sdelay $0x1  }
0x141: {  	[sflag:s9] =	ssyncset.done @!p0 $0x0  }
0x142: {  	s13 =	simm.s32 $0x800;
	[sflag:s9] =	ssyncadd.s32 @!p0 $0xFFFFF800  }
0x143: {  	_ =	sfence.sel $0x180000  }
0x144: {  	[bflag:$0x0] =	sbarrier.arrive $0xFFFF  }
0x145: {  	_ =	strace $0x90000047  }
0x146: {  	s0 =	stileid.u32;
	[bflag:$0x2] =	sbarrier.arrive $0xFFFF  }
0x147: {  	p0 =	sne.s32 s0, $0x0;
	s0 =	rddreg [dreg:$0x4]  }
0x148: {  	s0 =	sadd.s32 @!p0 $0x100000, s0  }
0x149: {  	[sflag:s0] =	ssyncadd.tile.s32 @!p0 $0x1;
	_ =	shalt  }
.Lfunc_end2:
_tile_overlayer_lowered:
.L_overlay_start_2:
0x14a: {  	(tag) =	ssettag $0x2  }
0x14b: {  	s0 =	rddreg [dreg:$0x0];
	s2 =	stileid.u32  }
0x14c: {  	s1 =	rddreg [dreg:$0x1];
	p0 =	sne.s32 s2, $0x0  }
0x14d: {  	s3 =	rddreg [dreg:$0x2];
	[bflag:$0x3] =	sbarrier.arrive $0xFFFF;
	s2 =	simm.s32 @!p0 $0x1C07  }
0x14e: {  	[timem:s3], [sflag:s2] =	dma.local @!p0 [hbm:s0], s1  }
0x14f: {  	s0 =	simm.s32 @!p0 $0x7  }
0x150: {  	_ =	swait.ge @!p0 [sflag:s0], s1  }
0x151: {  	s1 =	ssub.s32 @!p0 $0x0, s1;
	[sflag:s0] =	ssyncset.done @!p0 $0x0  }
0x152: {  	[sflag:s0] =	ssyncadd.s32 @!p0 s1  }
0x153: {  	[bflag:$0x3] =	sbarrier.arrive $0xFFFF  }
0x154: {  	_ =	shalt  }

</sc_bundles>
